<compile_context>
chip_gen: v7x
topology: tpu7x:2x2x1
jax: 0.10.2.dev20260603
libtpu: 0.0.44.dev20260713+nightly
codegen_flags: <defaults>
</compile_context>

<pallas_src>
import functools

import jax
import jax.numpy as jnp
from jax import lax
from jax.experimental import pallas as pl
from jax.experimental.pallas import tpu as pltpu
from jax.experimental.pallas import tpu_sc as plsc


def _sc_transpose(table_t):
    d, v = table_t.shape
    pitch = d + 1
    lanes = 512
    n_stripes = v // lanes
    tail = v - n_stripes * lanes
    info = plsc.get_sparse_core_info()
    nw = info.num_cores * info.num_subcores
    main_steps = n_stripes // nw
    rem_stripes = n_stripes - main_steps * nw
    elems = lanes * d
    n_chunks = lanes // 16

    mesh = plsc.VectorSubcoreMesh(core_axis_name="c", subcore_axis_name="s")

    @functools.partial(
        pl.kernel,
        mesh=mesh,
        compiler_params=pltpu.CompilerParams(use_tc_tiling_on_sc=True,
                                             needs_layout_passes=False),
        out_type=jax.ShapeDtypeStruct((v * d,), jnp.float32),
        scratch_types=[
            pltpu.VMEM((d, lanes), jnp.float32),
            pltpu.VMEM((d, lanes), jnp.float32),
            pltpu.VMEM((lanes * pitch,), jnp.float32),
            pltpu.VMEM((elems,), jnp.float32),
            pltpu.VMEM((elems,), jnp.float32),
            pltpu.VMEM((d, tail), jnp.float32) if tail else None,
            pltpu.SemaphoreType.DMA,
            pltpu.SemaphoreType.DMA,
            pltpu.SemaphoreType.DMA,
            pltpu.SemaphoreType.DMA,
        ],
    )
    def transpose_k(tt_hbm, out_hbm, colbuf0, colbuf1, stage, rowbuf0,
                    rowbuf1, tailbuf, sem_in0, sem_in1, sem_out0, sem_out1):
        colbuf = (colbuf0, colbuf1)
        rowbuf = (rowbuf0, rowbuf1)
        sem_in = (sem_in0, sem_in1)
        sem_out = (sem_out0, sem_out1)
        wid = lax.axis_index("s") * info.num_cores + lax.axis_index("c")
        iota = jnp.arange(16, dtype=jnp.int32)
        iotap = iota * pitch

        def issue_in(t, b):
            s = wid + t * nw
            return pltpu.make_async_copy(
                tt_hbm.at[:, pl.ds(s * lanes, lanes)], colbuf[b], sem_in[b])

        def issue_out(t, b):
            s = wid + t * nw
            return pltpu.make_async_copy(
                rowbuf[b], out_hbm.at[pl.ds(s * elems, elems)], sem_out[b])

        def transpose_block(cb, rb, n_rows):
            def d_body(di, _):
                for k0 in range(0, n_rows // 16, 8):
                    nj = min(8, n_rows // 16 - k0)
                    vs = [cb[di, pl.ds((k0 + j) * 16, 16)] for j in range(nj)]
                    for j in range(nj):
                        plsc.store_scatter(
                            stage,
                            [iotap + ((k0 + j) * 16 * pitch + di)], vs[j])
                return 0
            lax.fori_loop(0, d, d_body, 0)

            def r_body(i, _):
                base = i * 4
                srcs = [(h, half) for h in range(4) for half in range(d // 16)]
                vs = [plsc.load_gather(
                    stage, [iota + ((base + h) * pitch + half * 16)])
                    for (h, half) in srcs]
                for (h, half), vv in zip(srcs, vs):
                    rb[pl.ds((base + h) * d + half * 16, 16)] = vv
                return 0
            lax.fori_loop(0, n_rows // 4, r_body, 0)

        issue_in(0, 0).start()

        def step(t, b):
            pltpu.make_async_copy(
                tt_hbm.at[:, pl.ds(0, lanes)], colbuf[b], sem_in[b]).wait()

            @pl.when(t + 1 < main_steps)
            def _():
                issue_in(t + 1, 1 - b).start()

            @pl.when(t >= 2)
            def _():
                pltpu.make_async_copy(
                    rowbuf[b], out_hbm.at[pl.ds(0, elems)], sem_out[b]).wait()

            transpose_block(colbuf[b], rowbuf[b], lanes)
            issue_out(t, b).start()

        def pair_body(u, _):
            step(2 * u, 0)
            step(2 * u + 1, 1)
            return 0

        lax.fori_loop(0, main_steps // 2, pair_body, 0)
        if main_steps % 2:
            step(main_steps - 1, 0)

        for b in range(2):
            if main_steps > 1 - b:
                pltpu.make_async_copy(
                    rowbuf[b], out_hbm.at[pl.ds(0, elems)], sem_out[b]).wait()

        for r in range(rem_stripes):
            @pl.when(wid == r)
            def _():
                s = main_steps * nw + r
                pltpu.sync_copy(tt_hbm.at[:, pl.ds(s * lanes, lanes)],
                                colbuf[0])
                transpose_block(colbuf[0], rowbuf[0], lanes)
                pltpu.sync_copy(rowbuf[0],
                                out_hbm.at[pl.ds(s * elems, elems)])

        if tail:
            @pl.when(wid == rem_stripes)
            def _():
                base = n_stripes * lanes
                pltpu.sync_copy(tt_hbm.at[:, pl.ds(base, tail)], tailbuf)
                transpose_block(tailbuf, rowbuf[0], tail)
                pltpu.sync_copy(rowbuf[0].at[pl.ds(0, tail * d)],
                                out_hbm.at[pl.ds(base * d, tail * d)])

    return transpose_k(table_t)


def _sc_gather(table, seq_idx_t, item_idx):
    info = plsc.get_sparse_core_info()
    nw = info.num_cores * info.num_subcores
    n_seq = seq_idx_t.shape[0]
    n_tgt = item_idx.shape[0]
    d = table.shape[1]
    seq_pw = n_seq // nw
    tgt_pw = n_tgt // nw
    ch = 1600
    n_ch = seq_pw // ch

    mesh = plsc.VectorSubcoreMesh(core_axis_name="c", subcore_axis_name="s")

    @functools.partial(
        pl.kernel,
        mesh=mesh,
        compiler_params=pltpu.CompilerParams(use_tc_tiling_on_sc=False),
        out_type=(
            jax.ShapeDtypeStruct((n_seq, d), jnp.float32),
            jax.ShapeDtypeStruct((n_tgt, d), jnp.float32),
        ),
        scratch_types=[
            pltpu.VMEM((ch,), jnp.int32),
            pltpu.VMEM((ch, d), jnp.float32),
            pltpu.VMEM((tgt_pw,), jnp.int32),
            pltpu.VMEM((tgt_pw, d), jnp.float32),
            pltpu.SemaphoreType.DMA,
        ],
    )
    def gather_k(table_hbm, seq_idx_hbm, item_idx_hbm, out_seq_hbm,
                 out_tgt_hbm, idx_v, rows_v, tidx_v, trows_v, sem):
        wid = lax.axis_index("s") * info.num_cores + lax.axis_index("c")
        tbase = wid * tgt_pw
        pltpu.sync_copy(item_idx_hbm.at[pl.ds(tbase, tgt_pw)], tidx_v)
        pltpu.async_copy(table_hbm.at[tidx_v], trows_v, sem).wait()
        pltpu.sync_copy(trows_v, out_tgt_hbm.at[pl.ds(tbase, tgt_pw)])
        sbase = wid * seq_pw
        for c in range(n_ch):
            off = sbase + c * ch
            pltpu.sync_copy(seq_idx_hbm.at[pl.ds(off, ch)], idx_v)
            pltpu.async_copy(table_hbm.at[idx_v], rows_v, sem).wait()
            pltpu.sync_copy(rows_v, out_seq_hbm.at[pl.ds(off, ch)])

    return gather_k(table, seq_idx_t, item_idx)


def _tc_din(seqp, idxp, tgtp, wqbd, wkbd, wpbd, b1t, a1t, w2bd, b2t, a2t,
            w3bd, e4, pack):
    ll, gb, dp = seqp.shape
    gblk = 64
    grid = (gb // gblk,)

    def body(seq_ref, idx_ref, tgt_ref, wq_ref, wk_ref, wp_ref, b1_ref,
             a1_ref, w2_ref, b2_ref, a2_ref, w3_ref, e4_ref, out_ref):
        seq = seq_ref[...]
        k2 = seq.reshape(ll * gblk, dp)
        qp = tgt_ref[...]
        qb = jnp.concatenate([qp] * ll, axis=0)
        qw = qp @ wq_ref[...] + b1_ref[...]
        pre1 = (
            k2 @ wk_ref[...]
            + (qb * k2) @ wp_ref[...]
            + jnp.concatenate([qw] * ll, axis=0)
        )
        h1 = jnp.where(pre1 > 0, pre1, a1_ref[...] * pre1)
        pre2 = h1 @ w2_ref[...] + b2_ref[...]
        h2 = jnp.where(pre2 > 0, pre2, a2_ref[...] * pre2)
        sc2 = h2 @ w3_ref[...]
        sc3 = sc2.reshape(ll, gblk, pack)
        mask = idx_ref[...] != 0
        scores = jnp.where(mask, sc3, jnp.float32(-1e9))
        m = jnp.max(scores, axis=0, keepdims=True)
        e = jnp.exp(scores - m)
        attn = e / jnp.sum(e, axis=0, keepdims=True)
        attnp = (attn.reshape(ll * gblk, pack) @ e4_ref[...])
        out_ref[...] = jnp.sum(attnp.reshape(ll, gblk, dp) * seq, axis=0)

    full = lambda shape: pl.BlockSpec(shape, lambda i: tuple(0 for _ in shape))
    return pl.pallas_call(
        body,
        grid=grid,
        in_specs=[
            pl.BlockSpec((ll, gblk, dp), lambda i: (0, i, 0)),
            pl.BlockSpec((ll, gblk, pack), lambda i: (0, i, 0)),
            pl.BlockSpec((gblk, dp), lambda i: (i, 0)),
            full(wqbd.shape), full(wkbd.shape), full(wpbd.shape),
            full(b1t.shape), full(a1t.shape), full(w2bd.shape),
            full(b2t.shape), full(a2t.shape), full(w3bd.shape),
            full(e4.shape),
        ],
        out_specs=pl.BlockSpec((gblk, dp), lambda i: (i, 0)),
        out_shape=jax.ShapeDtypeStruct((gb, dp), jnp.float32),
    )(seqp, idxp, tgtp, wqbd, wkbd, wpbd, b1t, a1t, w2bd, b2t, a2t, w3bd, e4)


def kernel(dense_inputs, sparse_inputs, seq_inputs, item_inputs, table,
           W1, b1, a1, W2, b2, a2, W3, b3):
    b, l, _ = seq_inputs.shape
    d = table.shape[1]
    idx_t = seq_inputs[:, :, 0].astype(jnp.int32).T
    item_idx = item_inputs[:, 0].astype(jnp.int32)

    v = table.shape[0]
    table_rm = _sc_transpose(table.T).reshape(v, d)
    seq_rows, tgt_rows = _sc_gather(table_rm, idx_t.reshape(l * b), item_idx)

    pack = 128 // d
    seqp = seq_rows.reshape(l, b // pack, pack * d)
    idxp = idx_t.reshape(l, b // pack, pack)
    tgtp = tgt_rows.reshape(b // pack, pack * d)

    w1q, w1k, w1d, w1p = W1[:d], W1[d:2 * d], W1[2 * d:3 * d], W1[3 * d:]
    eye = jnp.eye(pack, dtype=jnp.float32)
    bd = lambda w: jnp.kron(eye, w)
    tile = lambda x: jnp.tile(x, pack).reshape(1, -1)
    user_info = _tc_din(
        seqp, idxp, tgtp,
        bd(w1q + w1d), bd(w1k - w1d), bd(w1p),
        tile(b1), tile(a1),
        bd(W2), tile(b2), tile(a2),
        bd(W3),
        jnp.kron(eye, jnp.ones((1, d), jnp.float32)),
        pack,
    )
    return user_info.reshape(b, d)

# --- scband reference (transcript-rebuilt; emitter-appended) ---
"""Pipeline reference for scband-din-87024627352139 (READ-ONLY COPY).

The authoritative reference and input builder live on the scoring server;
editing this copy changes nothing except your own understanding.
"""

import jax, jax.numpy as jnp
import numpy as np

B, L, V, D = 4096, 50, 1000000, 32
H1, H2 = 80, 40

def prelu(x, alpha):
    return jnp.where(x > 0, x, alpha * x)

def setup_inputs(seed: int = 0) -> dict:
    key = jax.random.key(seed)
    ks = jax.random.split(key, 10)
    dense_inputs = jnp.zeros((B, 1), jnp.float32)
    sparse_inputs = jax.random.randint(ks[0], (B, 1), 0, V)
    seq_inputs = jax.random.randint(ks[1], (B, L, 1), 0, V)
    item_inputs = jax.random.randint(ks[2], (B, 1), 0, V)
    table = jax.random.uniform(ks[3], (V, D), jnp.float32, -0.05, 0.05)
    W1 = jax.random.normal(ks[4], (4 * D, H1), jnp.float32) * 0.05
    b1 = jnp.zeros((H1,), jnp.float32)
    a1 = jnp.full((H1,), 0.25, jnp.float32)
    W2 = jax.random.normal(ks[5], (H1, H2), jnp.float32) * 0.05
    b2 = jnp.zeros((H2,), jnp.float32)
    a2 = jnp.full((H2,), 0.25, jnp.float32)
    W3 = jax.random.normal(ks[6], (H2, 1), jnp.float32) * 0.05
    b3 = jnp.zeros((1,), jnp.float32)
    return {"dense_inputs": dense_inputs, "sparse_inputs": sparse_inputs,
            "seq_inputs": seq_inputs, "item_inputs": item_inputs,
            "table": table, "W1": W1, "b1": b1, "a1": a1,
            "W2": W2, "b2": b2, "a2": a2, "W3": W3, "b3": b3}

def reference(dense_inputs, sparse_inputs, seq_inputs, item_inputs,
              table, W1, b1, a1, W2, b2, a2, W3, b3):
    # mask over history positions (0 = padding)
    mask = (seq_inputs[:, :, 0] != 0).astype(jnp.float32)  # [B, L]
    # behavior-feature embedding lookups (single behavior field)
    seq_embed = jnp.take(table, seq_inputs[:, :, 0], axis=0)      # [B, L, D]
    target_embed = jnp.take(table, item_inputs[:, 0], axis=0)     # [B, D]
    # DIN local activation unit: MLP over [q, k, q-k, q*k]
    q = jnp.broadcast_to(target_embed[:, None, :], seq_embed.shape)
    info = jnp.concatenate([q, seq_embed, q - seq_embed, q * seq_embed], axis=-1)  # [B, L, 4D]
    h = prelu(info @ W1 + b1, a1)
    h = prelu(h @ W2 + b2, a2)
    scores = (h @ W3 + b3)[..., 0]  # [B, L]
    scores = jnp.where(mask > 0, scores, jnp.full_like(scores, -1e9))
    attn = jax.nn.softmax(scores, axis=-1)  # [B, L]
    user_info = jnp.einsum('bl,bld->bd', attn, seq_embed)  # [B, D]
    return user_info

if __name__ == "__main__":
    import jax
    _d = setup_inputs()
    print(jax.jit(kernel)(*tuple(_d.values())))

</pallas_src>

<mosaic_0001>
#map = affine_map<(d0, d1) -> (0, 0)>
#map1 = affine_map<(d0, d1) -> (0)>
module attributes {stable_mosaic.version = 14 : i64} {
  func.func @transpose_k(%arg0: i32, %arg1: i32, %arg2: memref<32x1000000xf32, #tpu.memory_space<hbm>>, %arg3: memref<32000000xf32, #tpu.memory_space<hbm>>, %arg4: memref<32x512xf32, #tpu.memory_space<vmem>>, %arg5: memref<32x512xf32, #tpu.memory_space<vmem>>, %arg6: memref<16896xf32, #tpu.memory_space<vmem>>, %arg7: memref<16384xf32, #tpu.memory_space<vmem>>, %arg8: memref<16384xf32, #tpu.memory_space<vmem>>, %arg9: memref<32x64xf32, #tpu.memory_space<vmem>>, %arg10: memref<!tpu.dma_semaphore, #tpu.memory_space<semaphore_mem>>, %arg11: memref<!tpu.dma_semaphore, #tpu.memory_space<semaphore_mem>>, %arg12: memref<!tpu.dma_semaphore, #tpu.memory_space<semaphore_mem>>, %arg13: memref<!tpu.dma_semaphore, #tpu.memory_space<semaphore_mem>>) attributes {dimension_semantics = [#tpu.dimension_semantics<core_parallel>, #tpu.dimension_semantics<subcore_parallel>], iteration_bounds = array<i64: 2, 16>, scalar_prefetch = 0 : i64, scratch_operands = 10 : i64, tpu.core_type = #tpu.core_type<sc_vector_subcore>, window_params = [{transform_indices = #map}, {transform_indices = #map1}]} {
    %mul3A = arith.constant 2 : i32
    %mul3A_0 = arith.muli %arg1, %mul3A : i32
    %add3A = arith.addi %mul3A_0, %arg0 : i32
    %iota3A = tpu.iota {dimensions = array<i32: 0>} : vector<16xi32>
    %mul3A_1 = arith.constant 33 : i32
    %mul3A_2 = vector.broadcast %mul3A_1 : i32 to vector<16xi32>
    %mul3A_3 = arith.muli %iota3A, %mul3A_2 : vector<16xi32>
    %add3A_4 = arith.constant 0 : i32
    %add3A_5 = arith.addi %add3A, %add3A_4 : i32
    %mul3A_6 = arith.constant 512 : i32
    %mul3A_7 = arith.muli %add3A_5, %mul3A_6 : i32
    %dma_start3A = arith.constant 0 : i32
    %dma_start3A_8 = tpu.memref_slice %arg2[%dma_start3A, %mul3A_7] : memref<32x1000000xf32, #tpu.memory_space<hbm>> -> memref<32x512xf32, #tpu.memory_space<hbm>>
    %dma_start3A_9 = arith.constant 0 : i32
    %dma_start3A_10 = tpu.memref_slice %arg2[%dma_start3A_9, %mul3A_7] : memref<32x1000000xf32, #tpu.memory_space<hbm>> -> memref<32x512xf32, #tpu.memory_space<hbm>>
    tpu.enqueue_dma source(%dma_start3A_10 : memref<32x512xf32, #tpu.memory_space<hbm>>) target(%arg4 : memref<32x512xf32, #tpu.memory_space<vmem>>) target_semaphore(%arg10 : memref<!tpu.dma_semaphore, #tpu.memory_space<semaphore_mem>>)
    %scan3A = arith.constant 0 : i32
    %scan3A_11 = arith.constant 0 : i32
    %scan3A_12 = arith.constant 30 : i32
    %scan3A_13 = arith.addi %scan3A_11, %scan3A_12 : i32
    %scan3A_14 = arith.constant 1 : i32
    %scan3A_15 = scf.for %scan3A_61 = %scan3A_11 to %scan3A_13 step %scan3A_14 iter_args(%scan3A_62 = %scan3A) -> (i32)  : i32 {
      %mul3A_63 = arith.constant 2 : i32
      %mul3A_64 = arith.muli %mul3A_63, %scan3A_61 : i32
      %dma_wait3A_65 = arith.constant 0 : i32
      %dma_wait3A_66 = arith.constant 0 : i32
      %dma_wait3A_67 = tpu.memref_slice %arg2[%dma_wait3A_65, %dma_wait3A_66] : memref<32x1000000xf32, #tpu.memory_space<hbm>> -> memref<32x512xf32, #tpu.memory_space<hbm>>
      %dma_wait3A_68 = arith.constant 0 : i32
      %dma_wait3A_69 = arith.constant 0 : i32
      %dma_wait3A_70 = tpu.memref_slice %arg2[%dma_wait3A_68, %dma_wait3A_69] : memref<32x1000000xf32, #tpu.memory_space<hbm>> -> memref<32x512xf32, #tpu.memory_space<hbm>>
      tpu.wait_dma2 semaphore(%arg10 : memref<!tpu.dma_semaphore, #tpu.memory_space<semaphore_mem>>) src(%dma_wait3A_70 : memref<32x512xf32, #tpu.memory_space<hbm>>) dst(%arg4 : memref<32x512xf32, #tpu.memory_space<vmem>>)
      %add3A_71 = arith.constant 1 : i32
      %add3A_72 = arith.addi %mul3A_64, %add3A_71 : i32
      %lt3A = arith.constant 61 : i32
      %lt3A_73 = arith.cmpi slt, %add3A_72, %lt3A : i32
      %convert_element_type3A_74 = arith.extui %lt3A_73 : i1 to i32
      %cond3A_75 = arith.constant 0 : i32
      %cond3A_76 = arith.cmpi ne, %convert_element_type3A_74, %cond3A_75 : i32
      scf.if %cond3A_76 {
        %add3A_146 = arith.constant 1 : i32
        %add3A_147 = arith.addi %mul3A_64, %add3A_146 : i32
        %mul3A_148 = arith.constant 32 : i32
        %mul3A_149 = arith.muli %add3A_147, %mul3A_148 : i32
        %add3A_150 = arith.addi %add3A, %mul3A_149 : i32
        %mul3A_151 = arith.constant 512 : i32
        %mul3A_152 = arith.muli %add3A_150, %mul3A_151 : i32
        %dma_start3A_153 = arith.constant 0 : i32
        %dma_start3A_154 = tpu.memref_slice %arg2[%dma_start3A_153, %mul3A_152] : memref<32x1000000xf32, #tpu.memory_space<hbm>> -> memref<32x512xf32, #tpu.memory_space<hbm>>
        %dma_start3A_155 = arith.constant 0 : i32
        %dma_start3A_156 = tpu.memref_slice %arg2[%dma_start3A_155, %mul3A_152] : memref<32x1000000xf32, #tpu.memory_space<hbm>> -> memref<32x512xf32, #tpu.memory_space<hbm>>
        tpu.enqueue_dma source(%dma_start3A_156 : memref<32x512xf32, #tpu.memory_space<hbm>>) target(%arg5 : memref<32x512xf32, #tpu.memory_space<vmem>>) target_semaphore(%arg11 : memref<!tpu.dma_semaphore, #tpu.memory_space<semaphore_mem>>)
      } else {
      }
      %ge3A = arith.constant 2 : i32
      %ge3A_77 = arith.cmpi sge, %mul3A_64, %ge3A : i32
      %convert_element_type3A_78 = arith.extui %ge3A_77 : i1 to i32
      %cond3A_79 = arith.constant 0 : i32
      %cond3A_80 = arith.cmpi ne, %convert_element_type3A_78, %cond3A_79 : i32
      scf.if %cond3A_80 {
        %dma_wait3A_146 = arith.constant 0 : i32
        %dma_wait3A_147 = tpu.memref_slice %arg3[%dma_wait3A_146] : memref<32000000xf32, #tpu.memory_space<hbm>> -> memref<16384xf32, #tpu.memory_space<hbm>>
        %dma_wait3A_148 = arith.constant 0 : i32
        %dma_wait3A_149 = tpu.memref_slice %arg3[%dma_wait3A_148] : memref<32000000xf32, #tpu.memory_space<hbm>> -> memref<16384xf32, #tpu.memory_space<hbm>>
        tpu.wait_dma2 semaphore(%arg12 : memref<!tpu.dma_semaphore, #tpu.memory_space<semaphore_mem>>) src(%arg7 : memref<16384xf32, #tpu.memory_space<vmem>>) dst(%dma_wait3A_149 : memref<16384xf32, #tpu.memory_space<hbm>>)
      } else {
      }
      %scan3A_81 = arith.constant 0 : i32
      %scan3A_82 = arith.constant 0 : i32
      %scan3A_83 = arith.constant 32 : i32
      %scan3A_84 = arith.addi %scan3A_82, %scan3A_83 : i32
      %scan3A_85 = arith.constant 1 : i32
      %scan3A_86 = scf.for %scan3A_146 = %scan3A_82 to %scan3A_84 step %scan3A_85 iter_args(%scan3A_147 = %scan3A_81) -> (i32)  : i32 {
        %get3A = arith.index_cast %scan3A_146 : i32 to index
        %get3A_148 = arith.constant 0 : index
        %get3A_149 = tpu.vector_load %arg4[%get3A, %get3A_148] {strides = array<i32>} : memref<32x512xf32, #tpu.memory_space<vmem>>, vector<16xf32>,
        %get3A_150 = arith.index_cast %scan3A_146 : i32 to index
        %get3A_151 = arith.constant 16 : index
        %get3A_152 = tpu.vector_load %arg4[%get3A_150, %get3A_151] {strides = array<i32>} : memref<32x512xf32, #tpu.memory_space<vmem>>, vector<16xf32>,
        %get3A_153 = arith.index_cast %scan3A_146 : i32 to index
        %get3A_154 = arith.constant 32 : index
        %get3A_155 = tpu.vector_load %arg4[%get3A_153, %get3A_154] {strides = array<i32>} : memref<32x512xf32, #tpu.memory_space<vmem>>, vector<16xf32>,
        %get3A_156 = arith.index_cast %scan3A_146 : i32 to index
        %get3A_157 = arith.constant 48 : index
        %get3A_158 = tpu.vector_load %arg4[%get3A_156, %get3A_157] {strides = array<i32>} : memref<32x512xf32, #tpu.memory_space<vmem>>, vector<16xf32>,
        %get3A_159 = arith.index_cast %scan3A_146 : i32 to index
        %get3A_160 = arith.constant 64 : index
        %get3A_161 = tpu.vector_load %arg4[%get3A_159, %get3A_160] {strides = array<i32>} : memref<32x512xf32, #tpu.memory_space<vmem>>, vector<16xf32>,
        %get3A_162 = arith.index_cast %scan3A_146 : i32 to index
        %get3A_163 = arith.constant 80 : index
        %get3A_164 = tpu.vector_load %arg4[%get3A_162, %get3A_163] {strides = array<i32>} : memref<32x512xf32, #tpu.memory_space<vmem>>, vector<16xf32>,
        %get3A_165 = arith.index_cast %scan3A_146 : i32 to index
        %get3A_166 = arith.constant 96 : index
        %get3A_167 = tpu.vector_load %arg4[%get3A_165, %get3A_166] {strides = array<i32>} : memref<32x512xf32, #tpu.memory_space<vmem>>, vector<16xf32>,
        %get3A_168 = arith.index_cast %scan3A_146 : i32 to index
        %get3A_169 = arith.constant 112 : index
        %get3A_170 = tpu.vector_load %arg4[%get3A_168, %get3A_169] {strides = array<i32>} : memref<32x512xf32, #tpu.memory_space<vmem>>, vector<16xf32>,
        %add3A_171 = arith.constant 0 : i32
        %add3A_172 = arith.addi %add3A_171, %scan3A_146 : i32
        %add3A_173 = vector.broadcast %add3A_172 : i32 to vector<16xi32>
        %add3A_174 = arith.addi %mul3A_3, %add3A_173 : vector<16xi32>
        tpu.vector_store_idx %arg6[%add3A_174], %get3A_149 : memref<16896xf32, #tpu.memory_space<vmem>>[vector<16xi32>], vector<16xf32>,
        %add3A_175 = arith.constant 528 : i32
        %add3A_176 = arith.addi %add3A_175, %scan3A_146 : i32
        %add3A_177 = vector.broadcast %add3A_176 : i32 to vector<16xi32>
        %add3A_178 = arith.addi %mul3A_3, %add3A_177 : vector<16xi32>
        tpu.vector_store_idx %arg6[%add3A_178], %get3A_152 : memref<16896xf32, #tpu.memory_space<vmem>>[vector<16xi32>], vector<16xf32>,
        %add3A_179 = arith.constant 1056 : i32
        %add3A_180 = arith.addi %add3A_179, %scan3A_146 : i32
        %add3A_181 = vector.broadcast %add3A_180 : i32 to vector<16xi32>
        %add3A_182 = arith.addi %mul3A_3, %add3A_181 : vector<16xi32>
        tpu.vector_store_idx %arg6[%add3A_182], %get3A_155 : memref<16896xf32, #tpu.memory_space<vmem>>[vector<16xi32>], vector<16xf32>,
        %add3A_183 = arith.constant 1584 : i32
        %add3A_184 = arith.addi %add3A_183, %scan3A_146 : i32
        %add3A_185 = vector.broadcast %add3A_184 : i32 to vector<16xi32>
        %add3A_186 = arith.addi %mul3A_3, %add3A_185 : vector<16xi32>
        tpu.vector_store_idx %arg6[%add3A_186], %get3A_158 : memref<16896xf32, #tpu.memory_space<vmem>>[vector<16xi32>], vector<16xf32>,
        %add3A_187 = arith.constant 2112 : i32
        %add3A_188 = arith.addi %add3A_187, %scan3A_146 : i32
        %add3A_189 = vector.broadcast %add3A_188 : i32 to vector<16xi32>
        %add3A_190 = arith.addi %mul3A_3, %add3A_189 : vector<16xi32>
        tpu.vector_store_idx %arg6[%add3A_190], %get3A_161 : memref<16896xf32, #tpu.memory_space<vmem>>[vector<16xi32>], vector<16xf32>,
        %add3A_191 = arith.constant 2640 : i32
        %add3A_192 = arith.addi %add3A_191, %scan3A_146 : i32
        %add3A_193 = vector.broadcast %add3A_192 : i32 to vector<16xi32>
        %add3A_194 = arith.addi %mul3A_3, %add3A_193 : vector<16xi32>
        tpu.vector_store_idx %arg6[%add3A_194], %get3A_164 : memref<16896xf32, #tpu.memory_space<vmem>>[vector<16xi32>], vector<16xf32>,
        %add3A_195 = arith.constant 3168 : i32
        %add3A_196 = arith.addi %add3A_195, %scan3A_146 : i32
        %add3A_197 = vector.broadcast %add3A_196 : i32 to vector<16xi32>
        %add3A_198 = arith.addi %mul3A_3, %add3A_197 : vector<16xi32>
        tpu.vector_store_idx %arg6[%add3A_198], %get3A_167 : memref<16896xf32, #tpu.memory_space<vmem>>[vector<16xi32>], vector<16xf32>,
        %add3A_199 = arith.constant 3696 : i32
        %add3A_200 = arith.addi %add3A_199, %scan3A_146 : i32
        %add3A_201 = vector.broadcast %add3A_200 : i32 to vector<16xi32>
        %add3A_202 = arith.addi %mul3A_3, %add3A_201 : vector<16xi32>
        tpu.vector_store_idx %arg6[%add3A_202], %get3A_170 : memref<16896xf32, #tpu.memory_space<vmem>>[vector<16xi32>], vector<16xf32>,
        %get3A_203 = arith.index_cast %scan3A_146 : i32 to index
        %get3A_204 = arith.constant 128 : index
        %get3A_205 = tpu.vector_load %arg4[%get3A_203, %get3A_204] {strides = array<i32>} : memref<32x512xf32, #tpu.memory_space<vmem>>, vector<16xf32>,
        %get3A_206 = arith.index_cast %scan3A_146 : i32 to index
        %get3A_207 = arith.constant 144 : index
        %get3A_208 = tpu.vector_load %arg4[%get3A_206, %get3A_207] {strides = array<i32>} : memref<32x512xf32, #tpu.memory_space<vmem>>, vector<16xf32>,
        %get3A_209 = arith.index_cast %scan3A_146 : i32 to index
        %get3A_210 = arith.constant 160 : index
        %get3A_211 = tpu.vector_load %arg4[%get3A_209, %get3A_210] {strides = array<i32>} : memref<32x512xf32, #tpu.memory_space<vmem>>, vector<16xf32>,
        %get3A_212 = arith.index_cast %scan3A_146 : i32 to index
        %get3A_213 = arith.constant 176 : index
        %get3A_214 = tpu.vector_load %arg4[%get3A_212, %get3A_213] {strides = array<i32>} : memref<32x512xf32, #tpu.memory_space<vmem>>, vector<16xf32>,
        %get3A_215 = arith.index_cast %scan3A_146 : i32 to index
        %get3A_216 = arith.constant 192 : index
        %get3A_217 = tpu.vector_load %arg4[%get3A_215, %get3A_216] {strides = array<i32>} : memref<32x512xf32, #tpu.memory_space<vmem>>, vector<16xf32>,
        %get3A_218 = arith.index_cast %scan3A_146 : i32 to index
        %get3A_219 = arith.constant 208 : index
        %get3A_220 = tpu.vector_load %arg4[%get3A_218, %get3A_219] {strides = array<i32>} : memref<32x512xf32, #tpu.memory_space<vmem>>, vector<16xf32>,
        %get3A_221 = arith.index_cast %scan3A_146 : i32 to index
        %get3A_222 = arith.constant 224 : index
        %get3A_223 = tpu.vector_load %arg4[%get3A_221, %get3A_222] {strides = array<i32>} : memref<32x512xf32, #tpu.memory_space<vmem>>, vector<16xf32>,
        %get3A_224 = arith.index_cast %scan3A_146 : i32 to index
        %get3A_225 = arith.constant 240 : index
        %get3A_226 = tpu.vector_load %arg4[%get3A_224, %get3A_225] {strides = array<i32>} : memref<32x512xf32, #tpu.memory_space<vmem>>, vector<16xf32>,
        %add3A_227 = arith.constant 4224 : i32
        %add3A_228 = arith.addi %add3A_227, %scan3A_146 : i32
        %add3A_229 = vector.broadcast %add3A_228 : i32 to vector<16xi32>
        %add3A_230 = arith.addi %mul3A_3, %add3A_229 : vector<16xi32>
        tpu.vector_store_idx %arg6[%add3A_230], %get3A_205 : memref<16896xf32, #tpu.memory_space<vmem>>[vector<16xi32>], vector<16xf32>,
        %add3A_231 = arith.constant 4752 : i32
        %add3A_232 = arith.addi %add3A_231, %scan3A_146 : i32
        %add3A_233 = vector.broadcast %add3A_232 : i32 to vector<16xi32>
        %add3A_234 = arith.addi %mul3A_3, %add3A_233 : vector<16xi32>
        tpu.vector_store_idx %arg6[%add3A_234], %get3A_208 : memref<16896xf32, #tpu.memory_space<vmem>>[vector<16xi32>], vector<16xf32>,
        %add3A_235 = arith.constant 5280 : i32
        %add3A_236 = arith.addi %add3A_235, %scan3A_146 : i32
        %add3A_237 = vector.broadcast %add3A_236 : i32 to vector<16xi32>
        %add3A_238 = arith.addi %mul3A_3, %add3A_237 : vector<16xi32>
        tpu.vector_store_idx %arg6[%add3A_238], %get3A_211 : memref<16896xf32, #tpu.memory_space<vmem>>[vector<16xi32>], vector<16xf32>,
        %add3A_239 = arith.constant 5808 : i32
        %add3A_240 = arith.addi %add3A_239, %scan3A_146 : i32
        %add3A_241 = vector.broadcast %add3A_240 : i32 to vector<16xi32>
        %add3A_242 = arith.addi %mul3A_3, %add3A_241 : vector<16xi32>
        tpu.vector_store_idx %arg6[%add3A_242], %get3A_214 : memref<16896xf32, #tpu.memory_space<vmem>>[vector<16xi32>], vector<16xf32>,
        %add3A_243 = arith.constant 6336 : i32
        %add3A_244 = arith.addi %add3A_243, %scan3A_146 : i32
        %add3A_245 = vector.broadcast %add3A_244 : i32 to vector<16xi32>
        %add3A_246 = arith.addi %mul3A_3, %add3A_245 : vector<16xi32>
        tpu.vector_store_idx %arg6[%add3A_246], %get3A_217 : memref<16896xf32, #tpu.memory_space<vmem>>[vector<16xi32>], vector<16xf32>,
        %add3A_247 = arith.constant 6864 : i32
        %add3A_248 = arith.addi %add3A_247, %scan3A_146 : i32
        %add3A_249 = vector.broadcast %add3A_248 : i32 to vector<16xi32>
        %add3A_250 = arith.addi %mul3A_3, %add3A_249 : vector<16xi32>
        tpu.vector_store_idx %arg6[%add3A_250], %get3A_220 : memref<16896xf32, #tpu.memory_space<vmem>>[vector<16xi32>], vector<16xf32>,
        %add3A_251 = arith.constant 7392 : i32
        %add3A_252 = arith.addi %add3A_251, %scan3A_146 : i32
        %add3A_253 = vector.broadcast %add3A_252 : i32 to vector<16xi32>
        %add3A_254 = arith.addi %mul3A_3, %add3A_253 : vector<16xi32>
        tpu.vector_store_idx %arg6[%add3A_254], %get3A_223 : memref<16896xf32, #tpu.memory_space<vmem>>[vector<16xi32>], vector<16xf32>,
        %add3A_255 = arith.constant 7920 : i32
        %add3A_256 = arith.addi %add3A_255, %scan3A_146 : i32
        %add3A_257 = vector.broadcast %add3A_256 : i32 to vector<16xi32>
        %add3A_258 = arith.addi %mul3A_3, %add3A_257 : vector<16xi32>
        tpu.vector_store_idx %arg6[%add3A_258], %get3A_226 : memref<16896xf32, #tpu.memory_space<vmem>>[vector<16xi32>], vector<16xf32>,
        %get3A_259 = arith.index_cast %scan3A_146 : i32 to index
        %get3A_260 = arith.constant 256 : index
        %get3A_261 = tpu.vector_load %arg4[%get3A_259, %get3A_260] {strides = array<i32>} : memref<32x512xf32, #tpu.memory_space<vmem>>, vector<16xf32>,
        %get3A_262 = arith.index_cast %scan3A_146 : i32 to index
        %get3A_263 = arith.constant 272 : index
        %get3A_264 = tpu.vector_load %arg4[%get3A_262, %get3A_263] {strides = array<i32>} : memref<32x512xf32, #tpu.memory_space<vmem>>, vector<16xf32>,
        %get3A_265 = arith.index_cast %scan3A_146 : i32 to index
        %get3A_266 = arith.constant 288 : index
        %get3A_267 = tpu.vector_load %arg4[%get3A_265, %get3A_266] {strides = array<i32>} : memref<32x512xf32, #tpu.memory_space<vmem>>, vector<16xf32>,
        %get3A_268 = arith.index_cast %scan3A_146 : i32 to index
        %get3A_269 = arith.constant 304 : index
        %get3A_270 = tpu.vector_load %arg4[%get3A_268, %get3A_269] {strides = array<i32>} : memref<32x512xf32, #tpu.memory_space<vmem>>, vector<16xf32>,
        %get3A_271 = arith.index_cast %scan3A_146 : i32 to index
        %get3A_272 = arith.constant 320 : index
        %get3A_273 = tpu.vector_load %arg4[%get3A_271, %get3A_272] {strides = array<i32>} : memref<32x512xf32, #tpu.memory_space<vmem>>, vector<16xf32>,
        %get3A_274 = arith.index_cast %scan3A_146 : i32 to index
        %get3A_275 = arith.constant 336 : index
        %get3A_276 = tpu.vector_load %arg4[%get3A_274, %get3A_275] {strides = array<i32>} : memref<32x512xf32, #tpu.memory_space<vmem>>, vector<16xf32>,
        %get3A_277 = arith.index_cast %scan3A_146 : i32 to index
        %get3A_278 = arith.constant 352 : index
        %get3A_279 = tpu.vector_load %arg4[%get3A_277, %get3A_278] {strides = array<i32>} : memref<32x512xf32, #tpu.memory_space<vmem>>, vector<16xf32>,
        %get3A_280 = arith.index_cast %scan3A_146 : i32 to index
        %get3A_281 = arith.constant 368 : index
        %get3A_282 = tpu.vector_load %arg4[%get3A_280, %get3A_281] {strides = array<i32>} : memref<32x512xf32, #tpu.memory_space<vmem>>, vector<16xf32>,
        %add3A_283 = arith.constant 8448 : i32
        %add3A_284 = arith.addi %add3A_283, %scan3A_146 : i32
        %add3A_285 = vector.broadcast %add3A_284 : i32 to vector<16xi32>
        %add3A_286 = arith.addi %mul3A_3, %add3A_285 : vector<16xi32>
        tpu.vector_store_idx %arg6[%add3A_286], %get3A_261 : memref<16896xf32, #tpu.memory_space<vmem>>[vector<16xi32>], vector<16xf32>,
        %add3A_287 = arith.constant 8976 : i32
        %add3A_288 = arith.addi %add3A_287, %scan3A_146 : i32
        %add3A_289 = vector.broadcast %add3A_288 : i32 to vector<16xi32>
        %add3A_290 = arith.addi %mul3A_3, %add3A_289 : vector<16xi32>
        tpu.vector_store_idx %arg6[%add3A_290], %get3A_264 : memref<16896xf32, #tpu.memory_space<vmem>>[vector<16xi32>], vector<16xf32>,
        %add3A_291 = arith.constant 9504 : i32
        %add3A_292 = arith.addi %add3A_291, %scan3A_146 : i32
        %add3A_293 = vector.broadcast %add3A_292 : i32 to vector<16xi32>
        %add3A_294 = arith.addi %mul3A_3, %add3A_293 : vector<16xi32>
        tpu.vector_store_idx %arg6[%add3A_294], %get3A_267 : memref<16896xf32, #tpu.memory_space<vmem>>[vector<16xi32>], vector<16xf32>,
        %add3A_295 = arith.constant 10032 : i32
        %add3A_296 = arith.addi %add3A_295, %scan3A_146 : i32
        %add3A_297 = vector.broadcast %add3A_296 : i32 to vector<16xi32>
        %add3A_298 = arith.addi %mul3A_3, %add3A_297 : vector<16xi32>
        tpu.vector_store_idx %arg6[%add3A_298], %get3A_270 : memref<16896xf32, #tpu.memory_space<vmem>>[vector<16xi32>], vector<16xf32>,
        %add3A_299 = arith.constant 10560 : i32
        %add3A_300 = arith.addi %add3A_299, %scan3A_146 : i32
        %add3A_301 = vector.broadcast %add3A_300 : i32 to vector<16xi32>
        %add3A_302 = arith.addi %mul3A_3, %add3A_301 : vector<16xi32>
        tpu.vector_store_idx %arg6[%add3A_302], %get3A_273 : memref<16896xf32, #tpu.memory_space<vmem>>[vector<16xi32>], vector<16xf32>,
        %add3A_303 = arith.constant 11088 : i32
        %add3A_304 = arith.addi %add3A_303, %scan3A_146 : i32
        %add3A_305 = vector.broadcast %add3A_304 : i32 to vector<16xi32>
        %add3A_306 = arith.addi %mul3A_3, %add3A_305 : vector<16xi32>
        tpu.vector_store_idx %arg6[%add3A_306], %get3A_276 : memref<16896xf32, #tpu.memory_space<vmem>>[vector<16xi32>], vector<16xf32>,
        %add3A_307 = arith.constant 11616 : i32
        %add3A_308 = arith.addi %add3A_307, %scan3A_146 : i32
        %add3A_309 = vector.broadcast %add3A_308 : i32 to vector<16xi32>
        %add3A_310 = arith.addi %mul3A_3, %add3A_309 : vector<16xi32>
        tpu.vector_store_idx %arg6[%add3A_310], %get3A_279 : memref<16896xf32, #tpu.memory_space<vmem>>[vector<16xi32>], vector<16xf32>,
        %add3A_311 = arith.constant 12144 : i32
        %add3A_312 = arith.addi %add3A_311, %scan3A_146 : i32
        %add3A_313 = vector.broadcast %add3A_312 : i32 to vector<16xi32>
        %add3A_314 = arith.addi %mul3A_3, %add3A_313 : vector<16xi32>
        tpu.vector_store_idx %arg6[%add3A_314], %get3A_282 : memref<16896xf32, #tpu.memory_space<vmem>>[vector<16xi32>], vector<16xf32>,
        %get3A_315 = arith.index_cast %scan3A_146 : i32 to index
        %get3A_316 = arith.constant 384 : index
        %get3A_317 = tpu.vector_load %arg4[%get3A_315, %get3A_316] {strides = array<i32>} : memref<32x512xf32, #tpu.memory_space<vmem>>, vector<16xf32>,
        %get3A_318 = arith.index_cast %scan3A_146 : i32 to index
        %get3A_319 = arith.constant 400 : index
        %get3A_320 = tpu.vector_load %arg4[%get3A_318, %get3A_319] {strides = array<i32>} : memref<32x512xf32, #tpu.memory_space<vmem>>, vector<16xf32>,
        %get3A_321 = arith.index_cast %scan3A_146 : i32 to index
        %get3A_322 = arith.constant 416 : index
        %get3A_323 = tpu.vector_load %arg4[%get3A_321, %get3A_322] {strides = array<i32>} : memref<32x512xf32, #tpu.memory_space<vmem>>, vector<16xf32>,
        %get3A_324 = arith.index_cast %scan3A_146 : i32 to index
        %get3A_325 = arith.constant 432 : index
        %get3A_326 = tpu.vector_load %arg4[%get3A_324, %get3A_325] {strides = array<i32>} : memref<32x512xf32, #tpu.memory_space<vmem>>, vector<16xf32>,
        %get3A_327 = arith.index_cast %scan3A_146 : i32 to index
        %get3A_328 = arith.constant 448 : index
        %get3A_329 = tpu.vector_load %arg4[%get3A_327, %get3A_328] {strides = array<i32>} : memref<32x512xf32, #tpu.memory_space<vmem>>, vector<16xf32>,
        %get3A_330 = arith.index_cast %scan3A_146 : i32 to index
        %get3A_331 = arith.constant 464 : index
        %get3A_332 = tpu.vector_load %arg4[%get3A_330, %get3A_331] {strides = array<i32>} : memref<32x512xf32, #tpu.memory_space<vmem>>, vector<16xf32>,
        %get3A_333 = arith.index_cast %scan3A_146 : i32 to index
        %get3A_334 = arith.constant 480 : index
        %get3A_335 = tpu.vector_load %arg4[%get3A_333, %get3A_334] {strides = array<i32>} : memref<32x512xf32, #tpu.memory_space<vmem>>, vector<16xf32>,
        %get3A_336 = arith.index_cast %scan3A_146 : i32 to index
        %get3A_337 = arith.constant 496 : index
        %get3A_338 = tpu.vector_load %arg4[%get3A_336, %get3A_337] {strides = array<i32>} : memref<32x512xf32, #tpu.memory_space<vmem>>, vector<16xf32>,
        %add3A_339 = arith.constant 12672 : i32
        %add3A_340 = arith.addi %add3A_339, %scan3A_146 : i32
        %add3A_341 = vector.broadcast %add3A_340 : i32 to vector<16xi32>
        %add3A_342 = arith.addi %mul3A_3, %add3A_341 : vector<16xi32>
        tpu.vector_store_idx %arg6[%add3A_342], %get3A_317 : memref<16896xf32, #tpu.memory_space<vmem>>[vector<16xi32>], vector<16xf32>,
        %add3A_343 = arith.constant 13200 : i32
        %add3A_344 = arith.addi %add3A_343, %scan3A_146 : i32
        %add3A_345 = vector.broadcast %add3A_344 : i32 to vector<16xi32>
        %add3A_346 = arith.addi %mul3A_3, %add3A_345 : vector<16xi32>
        tpu.vector_store_idx %arg6[%add3A_346], %get3A_320 : memref<16896xf32, #tpu.memory_space<vmem>>[vector<16xi32>], vector<16xf32>,
        %add3A_347 = arith.constant 13728 : i32
        %add3A_348 = arith.addi %add3A_347, %scan3A_146 : i32
        %add3A_349 = vector.broadcast %add3A_348 : i32 to vector<16xi32>
        %add3A_350 = arith.addi %mul3A_3, %add3A_349 : vector<16xi32>
        tpu.vector_store_idx %arg6[%add3A_350], %get3A_323 : memref<16896xf32, #tpu.memory_space<vmem>>[vector<16xi32>], vector<16xf32>,
        %add3A_351 = arith.constant 14256 : i32
        %add3A_352 = arith.addi %add3A_351, %scan3A_146 : i32
        %add3A_353 = vector.broadcast %add3A_352 : i32 to vector<16xi32>
        %add3A_354 = arith.addi %mul3A_3, %add3A_353 : vector<16xi32>
        tpu.vector_store_idx %arg6[%add3A_354], %get3A_326 : memref<16896xf32, #tpu.memory_space<vmem>>[vector<16xi32>], vector<16xf32>,
        %add3A_355 = arith.constant 14784 : i32
        %add3A_356 = arith.addi %add3A_355, %scan3A_146 : i32
        %add3A_357 = vector.broadcast %add3A_356 : i32 to vector<16xi32>
        %add3A_358 = arith.addi %mul3A_3, %add3A_357 : vector<16xi32>
        tpu.vector_store_idx %arg6[%add3A_358], %get3A_329 : memref<16896xf32, #tpu.memory_space<vmem>>[vector<16xi32>], vector<16xf32>,
        %add3A_359 = arith.constant 15312 : i32
        %add3A_360 = arith.addi %add3A_359, %scan3A_146 : i32
        %add3A_361 = vector.broadcast %add3A_360 : i32 to vector<16xi32>
        %add3A_362 = arith.addi %mul3A_3, %add3A_361 : vector<16xi32>
        tpu.vector_store_idx %arg6[%add3A_362], %get3A_332 : memref<16896xf32, #tpu.memory_space<vmem>>[vector<16xi32>], vector<16xf32>,
        %add3A_363 = arith.constant 15840 : i32
        %add3A_364 = arith.addi %add3A_363, %scan3A_146 : i32
        %add3A_365 = vector.broadcast %add3A_364 : i32 to vector<16xi32>
        %add3A_366 = arith.addi %mul3A_3, %add3A_365 : vector<16xi32>
        tpu.vector_store_idx %arg6[%add3A_366], %get3A_335 : memref<16896xf32, #tpu.memory_space<vmem>>[vector<16xi32>], vector<16xf32>,
        %add3A_367 = arith.constant 16368 : i32
        %add3A_368 = arith.addi %add3A_367, %scan3A_146 : i32
        %add3A_369 = vector.broadcast %add3A_368 : i32 to vector<16xi32>
        %add3A_370 = arith.addi %mul3A_3, %add3A_369 : vector<16xi32>
        tpu.vector_store_idx %arg6[%add3A_370], %get3A_338 : memref<16896xf32, #tpu.memory_space<vmem>>[vector<16xi32>], vector<16xf32>,
        %scan3A_371 = arith.constant 0 : i32
        scf.yield %scan3A_371 : i32
      }
      %scan3A_87 = arith.constant 32 : i32
      %scan3A_88 = arith.constant 0 : i32
      %scan3A_89 = arith.constant 0 : i32
      %scan3A_90 = arith.constant 128 : i32
      %scan3A_91 = arith.addi %scan3A_89, %scan3A_90 : i32
      %scan3A_92 = arith.constant 1 : i32
      %scan3A_93 = scf.for %scan3A_146 = %scan3A_89 to %scan3A_91 step %scan3A_92 iter_args(%scan3A_147 = %scan3A_88) -> (i32)  : i32 {
        %mul3A_148 = arith.constant 4 : i32
        %mul3A_149 = arith.muli %scan3A_146, %mul3A_148 : i32
        %add3A_150 = arith.constant 0 : i32
        %add3A_151 = arith.addi %mul3A_149, %add3A_150 : i32
        %mul3A_152 = arith.constant 33 : i32
        %mul3A_153 = arith.muli %add3A_151, %mul3A_152 : i32
        %add3A_154 = arith.constant 0 : i32
        %add3A_155 = arith.addi %mul3A_153, %add3A_154 : i32
        %add3A_156 = vector.broadcast %add3A_155 : i32 to vector<16xi32>
        %add3A_157 = arith.addi %iota3A, %add3A_156 : vector<16xi32>
        %gather3A = tpu.vector_load_idx %arg6[%add3A_157] : memref<16896xf32, #tpu.memory_space<vmem>>[vector<16xi32>], vector<16xf32>,
        %add3A_158 = arith.constant 0 : i32
        %add3A_159 = arith.addi %mul3A_149, %add3A_158 : i32
        %mul3A_160 = arith.constant 33 : i32
        %mul3A_161 = arith.muli %add3A_159, %mul3A_160 : i32
        %add3A_162 = arith.constant 16 : i32
        %add3A_163 = arith.addi %mul3A_161, %add3A_162 : i32
        %add3A_164 = vector.broadcast %add3A_163 : i32 to vector<16xi32>
        %add3A_165 = arith.addi %iota3A, %add3A_164 : vector<16xi32>
        %gather3A_166 = tpu.vector_load_idx %arg6[%add3A_165] : memref<16896xf32, #tpu.memory_space<vmem>>[vector<16xi32>], vector<16xf32>,
        %add3A_167 = arith.constant 1 : i32
        %add3A_168 = arith.addi %mul3A_149, %add3A_167 : i32
        %mul3A_169 = arith.constant 33 : i32
        %mul3A_170 = arith.muli %add3A_168, %mul3A_169 : i32
        %add3A_171 = arith.constant 0 : i32
        %add3A_172 = arith.addi %mul3A_170, %add3A_171 : i32
        %add3A_173 = vector.broadcast %add3A_172 : i32 to vector<16xi32>
        %add3A_174 = arith.addi %iota3A, %add3A_173 : vector<16xi32>
        %gather3A_175 = tpu.vector_load_idx %arg6[%add3A_174] : memref<16896xf32, #tpu.memory_space<vmem>>[vector<16xi32>], vector<16xf32>,
        %add3A_176 = arith.constant 1 : i32
        %add3A_177 = arith.addi %mul3A_149, %add3A_176 : i32
        %mul3A_178 = arith.constant 33 : i32
        %mul3A_179 = arith.muli %add3A_177, %mul3A_178 : i32
        %add3A_180 = arith.constant 16 : i32
        %add3A_181 = arith.addi %mul3A_179, %add3A_180 : i32
        %add3A_182 = vector.broadcast %add3A_181 : i32 to vector<16xi32>
        %add3A_183 = arith.addi %iota3A, %add3A_182 : vector<16xi32>
        %gather3A_184 = tpu.vector_load_idx %arg6[%add3A_183] : memref<16896xf32, #tpu.memory_space<vmem>>[vector<16xi32>], vector<16xf32>,
        %add3A_185 = arith.constant 2 : i32
        %add3A_186 = arith.addi %mul3A_149, %add3A_185 : i32
        %mul3A_187 = arith.constant 33 : i32
        %mul3A_188 = arith.muli %add3A_186, %mul3A_187 : i32
        %add3A_189 = arith.constant 0 : i32
        %add3A_190 = arith.addi %mul3A_188, %add3A_189 : i32
        %add3A_191 = vector.broadcast %add3A_190 : i32 to vector<16xi32>
        %add3A_192 = arith.addi %iota3A, %add3A_191 : vector<16xi32>
        %gather3A_193 = tpu.vector_load_idx %arg6[%add3A_192] : memref<16896xf32, #tpu.memory_space<vmem>>[vector<16xi32>], vector<16xf32>,
        %add3A_194 = arith.constant 2 : i32
        %add3A_195 = arith.addi %mul3A_149, %add3A_194 : i32
        %mul3A_196 = arith.constant 33 : i32
        %mul3A_197 = arith.muli %add3A_195, %mul3A_196 : i32
        %add3A_198 = arith.constant 16 : i32
        %add3A_199 = arith.addi %mul3A_197, %add3A_198 : i32
        %add3A_200 = vector.broadcast %add3A_199 : i32 to vector<16xi32>
        %add3A_201 = arith.addi %iota3A, %add3A_200 : vector<16xi32>
        %gather3A_202 = tpu.vector_load_idx %arg6[%add3A_201] : memref<16896xf32, #tpu.memory_space<vmem>>[vector<16xi32>], vector<16xf32>,
        %add3A_203 = arith.constant 3 : i32
        %add3A_204 = arith.addi %mul3A_149, %add3A_203 : i32
        %mul3A_205 = arith.constant 33 : i32
        %mul3A_206 = arith.muli %add3A_204, %mul3A_205 : i32
        %add3A_207 = arith.constant 0 : i32
        %add3A_208 = arith.addi %mul3A_206, %add3A_207 : i32
        %add3A_209 = vector.broadcast %add3A_208 : i32 to vector<16xi32>
        %add3A_210 = arith.addi %iota3A, %add3A_209 : vector<16xi32>
        %gather3A_211 = tpu.vector_load_idx %arg6[%add3A_210] : memref<16896xf32, #tpu.memory_space<vmem>>[vector<16xi32>], vector<16xf32>,
        %add3A_212 = arith.constant 3 : i32
        %add3A_213 = arith.addi %mul3A_149, %add3A_212 : i32
        %mul3A_214 = arith.constant 33 : i32
        %mul3A_215 = arith.muli %add3A_213, %mul3A_214 : i32
        %add3A_216 = arith.constant 16 : i32
        %add3A_217 = arith.addi %mul3A_215, %add3A_216 : i32
        %add3A_218 = vector.broadcast %add3A_217 : i32 to vector<16xi32>
        %add3A_219 = arith.addi %iota3A, %add3A_218 : vector<16xi32>
        %gather3A_220 = tpu.vector_load_idx %arg6[%add3A_219] : memref<16896xf32, #tpu.memory_space<vmem>>[vector<16xi32>], vector<16xf32>,
        %add3A_221 = arith.constant 0 : i32
        %add3A_222 = arith.addi %mul3A_149, %add3A_221 : i32
        %mul3A_223 = arith.constant 32 : i32
        %mul3A_224 = arith.muli %add3A_222, %mul3A_223 : i32
        %add3A_225 = arith.constant 0 : i32
        %add3A_226 = arith.addi %mul3A_224, %add3A_225 : i32
        %swap3A = arith.index_cast %add3A_226 : i32 to index
        %swap3A_227 = tpu.vector_load %arg7[%swap3A] {strides = array<i32>} : memref<16384xf32, #tpu.memory_space<vmem>>, vector<16xf32>,
        tpu.vector_store %arg7[%swap3A], %gather3A {strides = array<i32>} : memref<16384xf32, #tpu.memory_space<vmem>>, vector<16xf32>,
        %add3A_228 = arith.constant 0 : i32
        %add3A_229 = arith.addi %mul3A_149, %add3A_228 : i32
        %mul3A_230 = arith.constant 32 : i32
        %mul3A_231 = arith.muli %add3A_229, %mul3A_230 : i32
        %add3A_232 = arith.constant 16 : i32
        %add3A_233 = arith.addi %mul3A_231, %add3A_232 : i32
        %swap3A_234 = arith.index_cast %add3A_233 : i32 to index
        %swap3A_235 = tpu.vector_load %arg7[%swap3A_234] {strides = array<i32>} : memref<16384xf32, #tpu.memory_space<vmem>>, vector<16xf32>,
        tpu.vector_store %arg7[%swap3A_234], %gather3A_166 {strides = array<i32>} : memref<16384xf32, #tpu.memory_space<vmem>>, vector<16xf32>,
        %add3A_236 = arith.constant 1 : i32
        %add3A_237 = arith.addi %mul3A_149, %add3A_236 : i32
        %mul3A_238 = arith.constant 32 : i32
        %mul3A_239 = arith.muli %add3A_237, %mul3A_238 : i32
        %add3A_240 = arith.constant 0 : i32
        %add3A_241 = arith.addi %mul3A_239, %add3A_240 : i32
        %swap3A_242 = arith.index_cast %add3A_241 : i32 to index
        %swap3A_243 = tpu.vector_load %arg7[%swap3A_242] {strides = array<i32>} : memref<16384xf32, #tpu.memory_space<vmem>>, vector<16xf32>,
        tpu.vector_store %arg7[%swap3A_242], %gather3A_175 {strides = array<i32>} : memref<16384xf32, #tpu.memory_space<vmem>>, vector<16xf32>,
        %add3A_244 = arith.constant 1 : i32
        %add3A_245 = arith.addi %mul3A_149, %add3A_244 : i32
        %mul3A_246 = arith.constant 32 : i32
        %mul3A_247 = arith.muli %add3A_245, %mul3A_246 : i32
        %add3A_248 = arith.constant 16 : i32
        %add3A_249 = arith.addi %mul3A_247, %add3A_248 : i32
        %swap3A_250 = arith.index_cast %add3A_249 : i32 to index
        %swap3A_251 = tpu.vector_load %arg7[%swap3A_250] {strides = array<i32>} : memref<16384xf32, #tpu.memory_space<vmem>>, vector<16xf32>,
        tpu.vector_store %arg7[%swap3A_250], %gather3A_184 {strides = array<i32>} : memref<16384xf32, #tpu.memory_space<vmem>>, vector<16xf32>,
        %add3A_252 = arith.constant 2 : i32
        %add3A_253 = arith.addi %mul3A_149, %add3A_252 : i32
        %mul3A_254 = arith.constant 32 : i32
        %mul3A_255 = arith.muli %add3A_253, %mul3A_254 : i32
        %add3A_256 = arith.constant 0 : i32
        %add3A_257 = arith.addi %mul3A_255, %add3A_256 : i32
        %swap3A_258 = arith.index_cast %add3A_257 : i32 to index
        %swap3A_259 = tpu.vector_load %arg7[%swap3A_258] {strides = array<i32>} : memref<16384xf32, #tpu.memory_space<vmem>>, vector<16xf32>,
        tpu.vector_store %arg7[%swap3A_258], %gather3A_193 {strides = array<i32>} : memref<16384xf32, #tpu.memory_space<vmem>>, vector<16xf32>,
        %add3A_260 = arith.constant 2 : i32
        %add3A_261 = arith.addi %mul3A_149, %add3A_260 : i32
        %mul3A_262 = arith.constant 32 : i32
        %mul3A_263 = arith.muli %add3A_261, %mul3A_262 : i32
        %add3A_264 = arith.constant 16 : i32
        %add3A_265 = arith.addi %mul3A_263, %add3A_264 : i32
        %swap3A_266 = arith.index_cast %add3A_265 : i32 to index
        %swap3A_267 = tpu.vector_load %arg7[%swap3A_266] {strides = array<i32>} : memref<16384xf32, #tpu.memory_space<vmem>>, vector<16xf32>,
        tpu.vector_store %arg7[%swap3A_266], %gather3A_202 {strides = array<i32>} : memref<16384xf32, #tpu.memory_space<vmem>>, vector<16xf32>,
        %add3A_268 = arith.constant 3 : i32
        %add3A_269 = arith.addi %mul3A_149, %add3A_268 : i32
        %mul3A_270 = arith.constant 32 : i32
        %mul3A_271 = arith.muli %add3A_269, %mul3A_270 : i32
        %add3A_272 = arith.constant 0 : i32
        %add3A_273 = arith.addi %mul3A_271, %add3A_272 : i32
        %swap3A_274 = arith.index_cast %add3A_273 : i32 to index
        %swap3A_275 = tpu.vector_load %arg7[%swap3A_274] {strides = array<i32>} : memref<16384xf32, #tpu.memory_space<vmem>>, vector<16xf32>,
        tpu.vector_store %arg7[%swap3A_274], %gather3A_211 {strides = array<i32>} : memref<16384xf32, #tpu.memory_space<vmem>>, vector<16xf32>,
        %add3A_276 = arith.constant 3 : i32
        %add3A_277 = arith.addi %mul3A_149, %add3A_276 : i32
        %mul3A_278 = arith.constant 32 : i32
        %mul3A_279 = arith.muli %add3A_277, %mul3A_278 : i32
        %add3A_280 = arith.constant 16 : i32
        %add3A_281 = arith.addi %mul3A_279, %add3A_280 : i32
        %swap3A_282 = arith.index_cast %add3A_281 : i32 to index
        %swap3A_283 = tpu.vector_load %arg7[%swap3A_282] {strides = array<i32>} : memref<16384xf32, #tpu.memory_space<vmem>>, vector<16xf32>,
        tpu.vector_store %arg7[%swap3A_282], %gather3A_220 {strides = array<i32>} : memref<16384xf32, #tpu.memory_space<vmem>>, vector<16xf32>,
        %scan3A_284 = arith.constant 0 : i32
        scf.yield %scan3A_284 : i32
      }
      %scan3A_94 = arith.constant 128 : i32
      %mul3A_95 = arith.constant 32 : i32
      %mul3A_96 = arith.muli %mul3A_64, %mul3A_95 : i32
      %add3A_97 = arith.addi %add3A, %mul3A_96 : i32
      %mul3A_98 = arith.constant 16384 : i32
      %mul3A_99 = arith.muli %add3A_97, %mul3A_98 : i32
      %dma_start3A_100 = tpu.memref_slice %arg3[%mul3A_99] : memref<32000000xf32, #tpu.memory_space<hbm>> -> memref<16384xf32, #tpu.memory_space<hbm>>
      %dma_start3A_101 = tpu.memref_slice %arg3[%mul3A_99] : memref<32000000xf32, #tpu.memory_space<hbm>> -> memref<16384xf32, #tpu.memory_space<hbm>>
      tpu.enqueue_dma source(%arg7 : memref<16384xf32, #tpu.memory_space<vmem>>) target(%dma_start3A_101 : memref<16384xf32, #tpu.memory_space<hbm>>) target_semaphore(%arg12 : memref<!tpu.dma_semaphore, #tpu.memory_space<semaphore_mem>>)
      %mul3A_102 = arith.constant 2 : i32
      %mul3A_103 = arith.muli %mul3A_102, %scan3A_61 : i32
      %add3A_104 = arith.constant 1 : i32
      %add3A_105 = arith.addi %mul3A_103, %add3A_104 : i32
      %dma_wait3A_106 = arith.constant 0 : i32
      %dma_wait3A_107 = arith.constant 0 : i32
      %dma_wait3A_108 = tpu.memref_slice %arg2[%dma_wait3A_106, %dma_wait3A_107] : memref<32x1000000xf32, #tpu.memory_space<hbm>> -> memref<32x512xf32, #tpu.memory_space<hbm>>
      %dma_wait3A_109 = arith.constant 0 : i32
      %dma_wait3A_110 = arith.constant 0 : i32
      %dma_wait3A_111 = tpu.memref_slice %arg2[%dma_wait3A_109, %dma_wait3A_110] : memref<32x1000000xf32, #tpu.memory_space<hbm>> -> memref<32x512xf32, #tpu.memory_space<hbm>>
      tpu.wait_dma2 semaphore(%arg11 : memref<!tpu.dma_semaphore, #tpu.memory_space<semaphore_mem>>) src(%dma_wait3A_111 : memref<32x512xf32, #tpu.memory_space<hbm>>) dst(%arg5 : memref<32x512xf32, #tpu.memory_space<vmem>>)
      %add3A_112 = arith.constant 1 : i32
      %add3A_113 = arith.addi %add3A_105, %add3A_112 : i32
      %lt3A_114 = arith.constant 61 : i32
      %lt3A_115 = arith.cmpi slt, %add3A_113, %lt3A_114 : i32
      %convert_element_type3A_116 = arith.extui %lt3A_115 : i1 to i32
      %cond3A_117 = arith.constant 0 : i32
      %cond3A_118 = arith.cmpi ne, %convert_element_type3A_116, %cond3A_117 : i32
      scf.if %cond3A_118 {
        %add3A_146 = arith.constant 1 : i32
        %add3A_147 = arith.addi %add3A_105, %add3A_146 : i32
        %mul3A_148 = arith.constant 32 : i32
        %mul3A_149 = arith.muli %add3A_147, %mul3A_148 : i32
        %add3A_150 = arith.addi %add3A, %mul3A_149 : i32
        %mul3A_151 = arith.constant 512 : i32
        %mul3A_152 = arith.muli %add3A_150, %mul3A_151 : i32
        %dma_start3A_153 = arith.constant 0 : i32
        %dma_start3A_154 = tpu.memref_slice %arg2[%dma_start3A_153, %mul3A_152] : memref<32x1000000xf32, #tpu.memory_space<hbm>> -> memref<32x512xf32, #tpu.memory_space<hbm>>
        %dma_start3A_155 = arith.constant 0 : i32
        %dma_start3A_156 = tpu.memref_slice %arg2[%dma_start3A_155, %mul3A_152] : memref<32x1000000xf32, #tpu.memory_space<hbm>> -> memref<32x512xf32, #tpu.memory_space<hbm>>
        tpu.enqueue_dma source(%dma_start3A_156 : memref<32x512xf32, #tpu.memory_space<hbm>>) target(%arg4 : memref<32x512xf32, #tpu.memory_space<vmem>>) target_semaphore(%arg10 : memref<!tpu.dma_semaphore, #tpu.memory_space<semaphore_mem>>)
      } else {
      }
      %ge3A_119 = arith.constant 2 : i32
      %ge3A_120 = arith.cmpi sge, %add3A_105, %ge3A_119 : i32
      %convert_element_type3A_121 = arith.extui %ge3A_120 : i1 to i32
      %cond3A_122 = arith.constant 0 : i32
      %cond3A_123 = arith.cmpi ne, %convert_element_type3A_121, %cond3A_122 : i32
      scf.if %cond3A_123 {
        %dma_wait3A_146 = arith.constant 0 : i32
        %dma_wait3A_147 = tpu.memref_slice %arg3[%dma_wait3A_146] : memref<32000000xf32, #tpu.memory_space<hbm>> -> memref<16384xf32, #tpu.memory_space<hbm>>
        %dma_wait3A_148 = arith.constant 0 : i32
        %dma_wait3A_149 = tpu.memref_slice %arg3[%dma_wait3A_148] : memref<32000000xf32, #tpu.memory_space<hbm>> -> memref<16384xf32, #tpu.memory_space<hbm>>
        tpu.wait_dma2 semaphore(%arg13 : memref<!tpu.dma_semaphore, #tpu.memory_space<semaphore_mem>>) src(%arg8 : memref<16384xf32, #tpu.memory_space<vmem>>) dst(%dma_wait3A_149 : memref<16384xf32, #tpu.memory_space<hbm>>)
      } else {
      }
      %scan3A_124 = arith.constant 0 : i32
      %scan3A_125 = arith.constant 0 : i32
      %scan3A_126 = arith.constant 32 : i32
      %scan3A_127 = arith.addi %scan3A_125, %scan3A_126 : i32
      %scan3A_128 = arith.constant 1 : i32
      %scan3A_129 = scf.for %scan3A_146 = %scan3A_125 to %scan3A_127 step %scan3A_128 iter_args(%scan3A_147 = %scan3A_124) -> (i32)  : i32 {
        %get3A = arith.index_cast %scan3A_146 : i32 to index
        %get3A_148 = arith.constant 0 : index
        %get3A_149 = tpu.vector_load %arg5[%get3A, %get3A_148] {strides = array<i32>} : memref<32x512xf32, #tpu.memory_space<vmem>>, vector<16xf32>,
        %get3A_150 = arith.index_cast %scan3A_146 : i32 to index
        %get3A_151 = arith.constant 16 : index
        %get3A_152 = tpu.vector_load %arg5[%get3A_150, %get3A_151] {strides = array<i32>} : memref<32x512xf32, #tpu.memory_space<vmem>>, vector<16xf32>,
        %get3A_153 = arith.index_cast %scan3A_146 : i32 to index
        %get3A_154 = arith.constant 32 : index
        %get3A_155 = tpu.vector_load %arg5[%get3A_153, %get3A_154] {strides = array<i32>} : memref<32x512xf32, #tpu.memory_space<vmem>>, vector<16xf32>,
        %get3A_156 = arith.index_cast %scan3A_146 : i32 to index
        %get3A_157 = arith.constant 48 : index
        %get3A_158 = tpu.vector_load %arg5[%get3A_156, %get3A_157] {strides = array<i32>} : memref<32x512xf32, #tpu.memory_space<vmem>>, vector<16xf32>,
        %get3A_159 = arith.index_cast %scan3A_146 : i32 to index
        %get3A_160 = arith.constant 64 : index
        %get3A_161 = tpu.vector_load %arg5[%get3A_159, %get3A_160] {strides = array<i32>} : memref<32x512xf32, #tpu.memory_space<vmem>>, vector<16xf32>,
        %get3A_162 = arith.index_cast %scan3A_146 : i32 to index
        %get3A_163 = arith.constant 80 : index
        %get3A_164 = tpu.vector_load %arg5[%get3A_162, %get3A_163] {strides = array<i32>} : memref<32x512xf32, #tpu.memory_space<vmem>>, vector<16xf32>,
        %get3A_165 = arith.index_cast %scan3A_146 : i32 to index
        %get3A_166 = arith.constant 96 : index
        %get3A_167 = tpu.vector_load %arg5[%get3A_165, %get3A_166] {strides = array<i32>} : memref<32x512xf32, #tpu.memory_space<vmem>>, vector<16xf32>,
        %get3A_168 = arith.index_cast %scan3A_146 : i32 to index
        %get3A_169 = arith.constant 112 : index
        %get3A_170 = tpu.vector_load %arg5[%get3A_168, %get3A_169] {strides = array<i32>} : memref<32x512xf32, #tpu.memory_space<vmem>>, vector<16xf32>,
        %add3A_171 = arith.constant 0 : i32
        %add3A_172 = arith.addi %add3A_171, %scan3A_146 : i32
        %add3A_173 = vector.broadcast %add3A_172 : i32 to vector<16xi32>
        %add3A_174 = arith.addi %mul3A_3, %add3A_173 : vector<16xi32>
        tpu.vector_store_idx %arg6[%add3A_174], %get3A_149 : memref<16896xf32, #tpu.memory_space<vmem>>[vector<16xi32>], vector<16xf32>,
        %add3A_175 = arith.constant 528 : i32
        %add3A_176 = arith.addi %add3A_175, %scan3A_146 : i32
        %add3A_177 = vector.broadcast %add3A_176 : i32 to vector<16xi32>
        %add3A_178 = arith.addi %mul3A_3, %add3A_177 : vector<16xi32>
        tpu.vector_store_idx %arg6[%add3A_178], %get3A_152 : memref<16896xf32, #tpu.memory_space<vmem>>[vector<16xi32>], vector<16xf32>,
        %add3A_179 = arith.constant 1056 : i32
        %add3A_180 = arith.addi %add3A_179, %scan3A_146 : i32
        %add3A_181 = vector.broadcast %add3A_180 : i32 to vector<16xi32>
        %add3A_182 = arith.addi %mul3A_3, %add3A_181 : vector<16xi32>
        tpu.vector_store_idx %arg6[%add3A_182], %get3A_155 : memref<16896xf32, #tpu.memory_space<vmem>>[vector<16xi32>], vector<16xf32>,
        %add3A_183 = arith.constant 1584 : i32
        %add3A_184 = arith.addi %add3A_183, %scan3A_146 : i32
        %add3A_185 = vector.broadcast %add3A_184 : i32 to vector<16xi32>
        %add3A_186 = arith.addi %mul3A_3, %add3A_185 : vector<16xi32>
        tpu.vector_store_idx %arg6[%add3A_186], %get3A_158 : memref<16896xf32, #tpu.memory_space<vmem>>[vector<16xi32>], vector<16xf32>,
        %add3A_187 = arith.constant 2112 : i32
        %add3A_188 = arith.addi %add3A_187, %scan3A_146 : i32
        %add3A_189 = vector.broadcast %add3A_188 : i32 to vector<16xi32>
        %add3A_190 = arith.addi %mul3A_3, %add3A_189 : vector<16xi32>
        tpu.vector_store_idx %arg6[%add3A_190], %get3A_161 : memref<16896xf32, #tpu.memory_space<vmem>>[vector<16xi32>], vector<16xf32>,
        %add3A_191 = arith.constant 2640 : i32
        %add3A_192 = arith.addi %add3A_191, %scan3A_146 : i32
        %add3A_193 = vector.broadcast %add3A_192 : i32 to vector<16xi32>
        %add3A_194 = arith.addi %mul3A_3, %add3A_193 : vector<16xi32>
        tpu.vector_store_idx %arg6[%add3A_194], %get3A_164 : memref<16896xf32, #tpu.memory_space<vmem>>[vector<16xi32>], vector<16xf32>,
        %add3A_195 = arith.constant 3168 : i32
        %add3A_196 = arith.addi %add3A_195, %scan3A_146 : i32
        %add3A_197 = vector.broadcast %add3A_196 : i32 to vector<16xi32>
        %add3A_198 = arith.addi %mul3A_3, %add3A_197 : vector<16xi32>
        tpu.vector_store_idx %arg6[%add3A_198], %get3A_167 : memref<16896xf32, #tpu.memory_space<vmem>>[vector<16xi32>], vector<16xf32>,
        %add3A_199 = arith.constant 3696 : i32
        %add3A_200 = arith.addi %add3A_199, %scan3A_146 : i32
        %add3A_201 = vector.broadcast %add3A_200 : i32 to vector<16xi32>
        %add3A_202 = arith.addi %mul3A_3, %add3A_201 : vector<16xi32>
        tpu.vector_store_idx %arg6[%add3A_202], %get3A_170 : memref<16896xf32, #tpu.memory_space<vmem>>[vector<16xi32>], vector<16xf32>,
        %get3A_203 = arith.index_cast %scan3A_146 : i32 to index
        %get3A_204 = arith.constant 128 : index
        %get3A_205 = tpu.vector_load %arg5[%get3A_203, %get3A_204] {strides = array<i32>} : memref<32x512xf32, #tpu.memory_space<vmem>>, vector<16xf32>,
        %get3A_206 = arith.index_cast %scan3A_146 : i32 to index
        %get3A_207 = arith.constant 144 : index
        %get3A_208 = tpu.vector_load %arg5[%get3A_206, %get3A_207] {strides = array<i32>} : memref<32x512xf32, #tpu.memory_space<vmem>>, vector<16xf32>,
        %get3A_209 = arith.index_cast %scan3A_146 : i32 to index
        %get3A_210 = arith.constant 160 : index
        %get3A_211 = tpu.vector_load %arg5[%get3A_209, %get3A_210] {strides = array<i32>} : memref<32x512xf32, #tpu.memory_space<vmem>>, vector<16xf32>,
        %get3A_212 = arith.index_cast %scan3A_146 : i32 to index
        %get3A_213 = arith.constant 176 : index
        %get3A_214 = tpu.vector_load %arg5[%get3A_212, %get3A_213] {strides = array<i32>} : memref<32x512xf32, #tpu.memory_space<vmem>>, vector<16xf32>,
        %get3A_215 = arith.index_cast %scan3A_146 : i32 to index
        %get3A_216 = arith.constant 192 : index
        %get3A_217 = tpu.vector_load %arg5[%get3A_215, %get3A_216] {strides = array<i32>} : memref<32x512xf32, #tpu.memory_space<vmem>>, vector<16xf32>,
        %get3A_218 = arith.index_cast %scan3A_146 : i32 to index
        %get3A_219 = arith.constant 208 : index
        %get3A_220 = tpu.vector_load %arg5[%get3A_218, %get3A_219] {strides = array<i32>} : memref<32x512xf32, #tpu.memory_space<vmem>>, vector<16xf32>,
        %get3A_221 = arith.index_cast %scan3A_146 : i32 to index
        %get3A_222 = arith.constant 224 : index
        %get3A_223 = tpu.vector_load %arg5[%get3A_221, %get3A_222] {strides = array<i32>} : memref<32x512xf32, #tpu.memory_space<vmem>>, vector<16xf32>,
        %get3A_224 = arith.index_cast %scan3A_146 : i32 to index
        %get3A_225 = arith.constant 240 : index
        %get3A_226 = tpu.vector_load %arg5[%get3A_224, %get3A_225] {strides = array<i32>} : memref<32x512xf32, #tpu.memory_space<vmem>>, vector<16xf32>,
        %add3A_227 = arith.constant 4224 : i32
        %add3A_228 = arith.addi %add3A_227, %scan3A_146 : i32
        %add3A_229 = vector.broadcast %add3A_228 : i32 to vector<16xi32>
        %add3A_230 = arith.addi %mul3A_3, %add3A_229 : vector<16xi32>
        tpu.vector_store_idx %arg6[%add3A_230], %get3A_205 : memref<16896xf32, #tpu.memory_space<vmem>>[vector<16xi32>], vector<16xf32>,
        %add3A_231 = arith.constant 4752 : i32
        %add3A_232 = arith.addi %add3A_231, %scan3A_146 : i32
        %add3A_233 = vector.broadcast %add3A_232 : i32 to vector<16xi32>
        %add3A_234 = arith.addi %mul3A_3, %add3A_233 : vector<16xi32>
        tpu.vector_store_idx %arg6[%add3A_234], %get3A_208 : memref<16896xf32, #tpu.memory_space<vmem>>[vector<16xi32>], vector<16xf32>,
        %add3A_235 = arith.constant 5280 : i32
        %add3A_236 = arith.addi %add3A_235, %scan3A_146 : i32
        %add3A_237 = vector.broadcast %add3A_236 : i32 to vector<16xi32>
        %add3A_238 = arith.addi %mul3A_3, %add3A_237 : vector<16xi32>
        tpu.vector_store_idx %arg6[%add3A_238], %get3A_211 : memref<16896xf32, #tpu.memory_space<vmem>>[vector<16xi32>], vector<16xf32>,
        %add3A_239 = arith.constant 5808 : i32
        %add3A_240 = arith.addi %add3A_239, %scan3A_146 : i32
        %add3A_241 = vector.broadcast %add3A_240 : i32 to vector<16xi32>
        %add3A_242 = arith.addi %mul3A_3, %add3A_241 : vector<16xi32>
        tpu.vector_store_idx %arg6[%add3A_242], %get3A_214 : memref<16896xf32, #tpu.memory_space<vmem>>[vector<16xi32>], vector<16xf32>,
        %add3A_243 = arith.constant 6336 : i32
        %add3A_244 = arith.addi %add3A_243, %scan3A_146 : i32
        %add3A_245 = vector.broadcast %add3A_244 : i32 to vector<16xi32>
        %add3A_246 = arith.addi %mul3A_3, %add3A_245 : vector<16xi32>
        tpu.vector_store_idx %arg6[%add3A_246], %get3A_217 : memref<16896xf32, #tpu.memory_space<vmem>>[vector<16xi32>], vector<16xf32>,
        %add3A_247 = arith.constant 6864 : i32
        %add3A_248 = arith.addi %add3A_247, %scan3A_146 : i32
        %add3A_249 = vector.broadcast %add3A_248 : i32 to vector<16xi32>
        %add3A_250 = arith.addi %mul3A_3, %add3A_249 : vector<16xi32>
        tpu.vector_store_idx %arg6[%add3A_250], %get3A_220 : memref<16896xf32, #tpu.memory_space<vmem>>[vector<16xi32>], vector<16xf32>,
        %add3A_251 = arith.constant 7392 : i32
        %add3A_252 = arith.addi %add3A_251, %scan3A_146 : i32
        %add3A_253 = vector.broadcast %add3A_252 : i32 to vector<16xi32>
        %add3A_254 = arith.addi %mul3A_3, %add3A_253 : vector<16xi32>
        tpu.vector_store_idx %arg6[%add3A_254], %get3A_223 : memref<16896xf32, #tpu.memory_space<vmem>>[vector<16xi32>], vector<16xf32>,
        %add3A_255 = arith.constant 7920 : i32
        %add3A_256 = arith.addi %add3A_255, %scan3A_146 : i32
        %add3A_257 = vector.broadcast %add3A_256 : i32 to vector<16xi32>
        %add3A_258 = arith.addi %mul3A_3, %add3A_257 : vector<16xi32>
        tpu.vector_store_idx %arg6[%add3A_258], %get3A_226 : memref<16896xf32, #tpu.memory_space<vmem>>[vector<16xi32>], vector<16xf32>,
        %get3A_259 = arith.index_cast %scan3A_146 : i32 to index
        %get3A_260 = arith.constant 256 : index
        %get3A_261 = tpu.vector_load %arg5[%get3A_259, %get3A_260] {strides = array<i32>} : memref<32x512xf32, #tpu.memory_space<vmem>>, vector<16xf32>,
        %get3A_262 = arith.index_cast %scan3A_146 : i32 to index
        %get3A_263 = arith.constant 272 : index
        %get3A_264 = tpu.vector_load %arg5[%get3A_262, %get3A_263] {strides = array<i32>} : memref<32x512xf32, #tpu.memory_space<vmem>>, vector<16xf32>,
        %get3A_265 = arith.index_cast %scan3A_146 : i32 to index
        %get3A_266 = arith.constant 288 : index
        %get3A_267 = tpu.vector_load %arg5[%get3A_265, %get3A_266] {strides = array<i32>} : memref<32x512xf32, #tpu.memory_space<vmem>>, vector<16xf32>,
        %get3A_268 = arith.index_cast %scan3A_146 : i32 to index
        %get3A_269 = arith.constant 304 : index
        %get3A_270 = tpu.vector_load %arg5[%get3A_268, %get3A_269] {strides = array<i32>} : memref<32x512xf32, #tpu.memory_space<vmem>>, vector<16xf32>,
        %get3A_271 = arith.index_cast %scan3A_146 : i32 to index
        %get3A_272 = arith.constant 320 : index
        %get3A_273 = tpu.vector_load %arg5[%get3A_271, %get3A_272] {strides = array<i32>} : memref<32x512xf32, #tpu.memory_space<vmem>>, vector<16xf32>,
        %get3A_274 = arith.index_cast %scan3A_146 : i32 to index
        %get3A_275 = arith.constant 336 : index
        %get3A_276 = tpu.vector_load %arg5[%get3A_274, %get3A_275] {strides = array<i32>} : memref<32x512xf32, #tpu.memory_space<vmem>>, vector<16xf32>,
        %get3A_277 = arith.index_cast %scan3A_146 : i32 to index
        %get3A_278 = arith.constant 352 : index
        %get3A_279 = tpu.vector_load %arg5[%get3A_277, %get3A_278] {strides = array<i32>} : memref<32x512xf32, #tpu.memory_space<vmem>>, vector<16xf32>,
        %get3A_280 = arith.index_cast %scan3A_146 : i32 to index
        %get3A_281 = arith.constant 368 : index
        %get3A_282 = tpu.vector_load %arg5[%get3A_280, %get3A_281] {strides = array<i32>} : memref<32x512xf32, #tpu.memory_space<vmem>>, vector<16xf32>,
        %add3A_283 = arith.constant 8448 : i32
        %add3A_284 = arith.addi %add3A_283, %scan3A_146 : i32
        %add3A_285 = vector.broadcast %add3A_284 : i32 to vector<16xi32>
        %add3A_286 = arith.addi %mul3A_3, %add3A_285 : vector<16xi32>
        tpu.vector_store_idx %arg6[%add3A_286], %get3A_261 : memref<16896xf32, #tpu.memory_space<vmem>>[vector<16xi32>], vector<16xf32>,
        %add3A_287 = arith.constant 8976 : i32
        %add3A_288 = arith.addi %add3A_287, %scan3A_146 : i32
        %add3A_289 = vector.broadcast %add3A_288 : i32 to vector<16xi32>
        %add3A_290 = arith.addi %mul3A_3, %add3A_289 : vector<16xi32>
        tpu.vector_store_idx %arg6[%add3A_290], %get3A_264 : memref<16896xf32, #tpu.memory_space<vmem>>[vector<16xi32>], vector<16xf32>,
        %add3A_291 = arith.constant 9504 : i32
        %add3A_292 = arith.addi %add3A_291, %scan3A_146 : i32
        %add3A_293 = vector.broadcast %add3A_292 : i32 to vector<16xi32>
        %add3A_294 = arith.addi %mul3A_3, %add3A_293 : vector<16xi32>
        tpu.vector_store_idx %arg6[%add3A_294], %get3A_267 : memref<16896xf32, #tpu.memory_space<vmem>>[vector<16xi32>], vector<16xf32>,
        %add3A_295 = arith.constant 10032 : i32
        %add3A_296 = arith.addi %add3A_295, %scan3A_146 : i32
        %add3A_297 = vector.broadcast %add3A_296 : i32 to vector<16xi32>
        %add3A_298 = arith.addi %mul3A_3, %add3A_297 : vector<16xi32>
        tpu.vector_store_idx %arg6[%add3A_298], %get3A_270 : memref<16896xf32, #tpu.memory_space<vmem>>[vector<16xi32>], vector<16xf32>,
        %add3A_299 = arith.constant 10560 : i32
        %add3A_300 = arith.addi %add3A_299, %scan3A_146 : i32
        %add3A_301 = vector.broadcast %add3A_300 : i32 to vector<16xi32>
        %add3A_302 = arith.addi %mul3A_3, %add3A_301 : vector<16xi32>
        tpu.vector_store_idx %arg6[%add3A_302], %get3A_273 : memref<16896xf32, #tpu.memory_space<vmem>>[vector<16xi32>], vector<16xf32>,
        %add3A_303 = arith.constant 11088 : i32
        %add3A_304 = arith.addi %add3A_303, %scan3A_146 : i32
        %add3A_305 = vector.broadcast %add3A_304 : i32 to vector<16xi32>
        %add3A_306 = arith.addi %mul3A_3, %add3A_305 : vector<16xi32>
        tpu.vector_store_idx %arg6[%add3A_306], %get3A_276 : memref<16896xf32, #tpu.memory_space<vmem>>[vector<16xi32>], vector<16xf32>,
        %add3A_307 = arith.constant 11616 : i32
        %add3A_308 = arith.addi %add3A_307, %scan3A_146 : i32
        %add3A_309 = vector.broadcast %add3A_308 : i32 to vector<16xi32>
        %add3A_310 = arith.addi %mul3A_3, %add3A_309 : vector<16xi32>
        tpu.vector_store_idx %arg6[%add3A_310], %get3A_279 : memref<16896xf32, #tpu.memory_space<vmem>>[vector<16xi32>], vector<16xf32>,
        %add3A_311 = arith.constant 12144 : i32
        %add3A_312 = arith.addi %add3A_311, %scan3A_146 : i32
        %add3A_313 = vector.broadcast %add3A_312 : i32 to vector<16xi32>
        %add3A_314 = arith.addi %mul3A_3, %add3A_313 : vector<16xi32>
        tpu.vector_store_idx %arg6[%add3A_314], %get3A_282 : memref<16896xf32, #tpu.memory_space<vmem>>[vector<16xi32>], vector<16xf32>,
        %get3A_315 = arith.index_cast %scan3A_146 : i32 to index
        %get3A_316 = arith.constant 384 : index
        %get3A_317 = tpu.vector_load %arg5[%get3A_315, %get3A_316] {strides = array<i32>} : memref<32x512xf32, #tpu.memory_space<vmem>>, vector<16xf32>,
        %get3A_318 = arith.index_cast %scan3A_146 : i32 to index
        %get3A_319 = arith.constant 400 : index
        %get3A_320 = tpu.vector_load %arg5[%get3A_318, %get3A_319] {strides = array<i32>} : memref<32x512xf32, #tpu.memory_space<vmem>>, vector<16xf32>,
        %get3A_321 = arith.index_cast %scan3A_146 : i32 to index
        %get3A_322 = arith.constant 416 : index
        %get3A_323 = tpu.vector_load %arg5[%get3A_321, %get3A_322] {strides = array<i32>} : memref<32x512xf32, #tpu.memory_space<vmem>>, vector<16xf32>,
        %get3A_324 = arith.index_cast %scan3A_146 : i32 to index
        %get3A_325 = arith.constant 432 : index
        %get3A_326 = tpu.vector_load %arg5[%get3A_324, %get3A_325] {strides = array<i32>} : memref<32x512xf32, #tpu.memory_space<vmem>>, vector<16xf32>,
        %get3A_327 = arith.index_cast %scan3A_146 : i32 to index
        %get3A_328 = arith.constant 448 : index
        %get3A_329 = tpu.vector_load %arg5[%get3A_327, %get3A_328] {strides = array<i32>} : memref<32x512xf32, #tpu.memory_space<vmem>>, vector<16xf32>,
        %get3A_330 = arith.index_cast %scan3A_146 : i32 to index
        %get3A_331 = arith.constant 464 : index
        %get3A_332 = tpu.vector_load %arg5[%get3A_330, %get3A_331] {strides = array<i32>} : memref<32x512xf32, #tpu.memory_space<vmem>>, vector<16xf32>,
        %get3A_333 = arith.index_cast %scan3A_146 : i32 to index
        %get3A_334 = arith.constant 480 : index
        %get3A_335 = tpu.vector_load %arg5[%get3A_333, %get3A_334] {strides = array<i32>} : memref<32x512xf32, #tpu.memory_space<vmem>>, vector<16xf32>,
        %get3A_336 = arith.index_cast %scan3A_146 : i32 to index
        %get3A_337 = arith.constant 496 : index
        %get3A_338 = tpu.vector_load %arg5[%get3A_336, %get3A_337] {strides = array<i32>} : memref<32x512xf32, #tpu.memory_space<vmem>>, vector<16xf32>,
        %add3A_339 = arith.constant 12672 : i32
        %add3A_340 = arith.addi %add3A_339, %scan3A_146 : i32
        %add3A_341 = vector.broadcast %add3A_340 : i32 to vector<16xi32>
        %add3A_342 = arith.addi %mul3A_3, %add3A_341 : vector<16xi32>
        tpu.vector_store_idx %arg6[%add3A_342], %get3A_317 : memref<16896xf32, #tpu.memory_space<vmem>>[vector<16xi32>], vector<16xf32>,
        %add3A_343 = arith.constant 13200 : i32
        %add3A_344 = arith.addi %add3A_343, %scan3A_146 : i32
        %add3A_345 = vector.broadcast %add3A_344 : i32 to vector<16xi32>
        %add3A_346 = arith.addi %mul3A_3, %add3A_345 : vector<16xi32>
        tpu.vector_store_idx %arg6[%add3A_346], %get3A_320 : memref<16896xf32, #tpu.memory_space<vmem>>[vector<16xi32>], vector<16xf32>,
        %add3A_347 = arith.constant 13728 : i32
        %add3A_348 = arith.addi %add3A_347, %scan3A_146 : i32
        %add3A_349 = vector.broadcast %add3A_348 : i32 to vector<16xi32>
        %add3A_350 = arith.addi %mul3A_3, %add3A_349 : vector<16xi32>
        tpu.vector_store_idx %arg6[%add3A_350], %get3A_323 : memref<16896xf32, #tpu.memory_space<vmem>>[vector<16xi32>], vector<16xf32>,
        %add3A_351 = arith.constant 14256 : i32
        %add3A_352 = arith.addi %add3A_351, %scan3A_146 : i32
        %add3A_353 = vector.broadcast %add3A_352 : i32 to vector<16xi32>
        %add3A_354 = arith.addi %mul3A_3, %add3A_353 : vector<16xi32>
        tpu.vector_store_idx %arg6[%add3A_354], %get3A_326 : memref<16896xf32, #tpu.memory_space<vmem>>[vector<16xi32>], vector<16xf32>,
        %add3A_355 = arith.constant 14784 : i32
        %add3A_356 = arith.addi %add3A_355, %scan3A_146 : i32
        %add3A_357 = vector.broadcast %add3A_356 : i32 to vector<16xi32>
        %add3A_358 = arith.addi %mul3A_3, %add3A_357 : vector<16xi32>
        tpu.vector_store_idx %arg6[%add3A_358], %get3A_329 : memref<16896xf32, #tpu.memory_space<vmem>>[vector<16xi32>], vector<16xf32>,
        %add3A_359 = arith.constant 15312 : i32
        %add3A_360 = arith.addi %add3A_359, %scan3A_146 : i32
        %add3A_361 = vector.broadcast %add3A_360 : i32 to vector<16xi32>
        %add3A_362 = arith.addi %mul3A_3, %add3A_361 : vector<16xi32>
        tpu.vector_store_idx %arg6[%add3A_362], %get3A_332 : memref<16896xf32, #tpu.memory_space<vmem>>[vector<16xi32>], vector<16xf32>,
        %add3A_363 = arith.constant 15840 : i32
        %add3A_364 = arith.addi %add3A_363, %scan3A_146 : i32
        %add3A_365 = vector.broadcast %add3A_364 : i32 to vector<16xi32>
        %add3A_366 = arith.addi %mul3A_3, %add3A_365 : vector<16xi32>
        tpu.vector_store_idx %arg6[%add3A_366], %get3A_335 : memref<16896xf32, #tpu.memory_space<vmem>>[vector<16xi32>], vector<16xf32>,
        %add3A_367 = arith.constant 16368 : i32
        %add3A_368 = arith.addi %add3A_367, %scan3A_146 : i32
        %add3A_369 = vector.broadcast %add3A_368 : i32 to vector<16xi32>
        %add3A_370 = arith.addi %mul3A_3, %add3A_369 : vector<16xi32>
        tpu.vector_store_idx %arg6[%add3A_370], %get3A_338 : memref<16896xf32, #tpu.memory_space<vmem>>[vector<16xi32>], vector<16xf32>,
        %scan3A_371 = arith.constant 0 : i32
        scf.yield %scan3A_371 : i32
      }
      %scan3A_130 = arith.constant 32 : i32
      %scan3A_131 = arith.constant 0 : i32
      %scan3A_132 = arith.constant 0 : i32
      %scan3A_133 = arith.constant 128 : i32
      %scan3A_134 = arith.addi %scan3A_132, %scan3A_133 : i32
      %scan3A_135 = arith.constant 1 : i32
      %scan3A_136 = scf.for %scan3A_146 = %scan3A_132 to %scan3A_134 step %scan3A_135 iter_args(%scan3A_147 = %scan3A_131) -> (i32)  : i32 {
        %mul3A_148 = arith.constant 4 : i32
        %mul3A_149 = arith.muli %scan3A_146, %mul3A_148 : i32
        %add3A_150 = arith.constant 0 : i32
        %add3A_151 = arith.addi %mul3A_149, %add3A_150 : i32
        %mul3A_152 = arith.constant 33 : i32
        %mul3A_153 = arith.muli %add3A_151, %mul3A_152 : i32
        %add3A_154 = arith.constant 0 : i32
        %add3A_155 = arith.addi %mul3A_153, %add3A_154 : i32
        %add3A_156 = vector.broadcast %add3A_155 : i32 to vector<16xi32>
        %add3A_157 = arith.addi %iota3A, %add3A_156 : vector<16xi32>
        %gather3A = tpu.vector_load_idx %arg6[%add3A_157] : memref<16896xf32, #tpu.memory_space<vmem>>[vector<16xi32>], vector<16xf32>,
        %add3A_158 = arith.constant 0 : i32
        %add3A_159 = arith.addi %mul3A_149, %add3A_158 : i32
        %mul3A_160 = arith.constant 33 : i32
        %mul3A_161 = arith.muli %add3A_159, %mul3A_160 : i32
        %add3A_162 = arith.constant 16 : i32
        %add3A_163 = arith.addi %mul3A_161, %add3A_162 : i32
        %add3A_164 = vector.broadcast %add3A_163 : i32 to vector<16xi32>
        %add3A_165 = arith.addi %iota3A, %add3A_164 : vector<16xi32>
        %gather3A_166 = tpu.vector_load_idx %arg6[%add3A_165] : memref<16896xf32, #tpu.memory_space<vmem>>[vector<16xi32>], vector<16xf32>,
        %add3A_167 = arith.constant 1 : i32
        %add3A_168 = arith.addi %mul3A_149, %add3A_167 : i32
        %mul3A_169 = arith.constant 33 : i32
        %mul3A_170 = arith.muli %add3A_168, %mul3A_169 : i32
        %add3A_171 = arith.constant 0 : i32
        %add3A_172 = arith.addi %mul3A_170, %add3A_171 : i32
        %add3A_173 = vector.broadcast %add3A_172 : i32 to vector<16xi32>
        %add3A_174 = arith.addi %iota3A, %add3A_173 : vector<16xi32>
        %gather3A_175 = tpu.vector_load_idx %arg6[%add3A_174] : memref<16896xf32, #tpu.memory_space<vmem>>[vector<16xi32>], vector<16xf32>,
        %add3A_176 = arith.constant 1 : i32
        %add3A_177 = arith.addi %mul3A_149, %add3A_176 : i32
        %mul3A_178 = arith.constant 33 : i32
        %mul3A_179 = arith.muli %add3A_177, %mul3A_178 : i32
        %add3A_180 = arith.constant 16 : i32
        %add3A_181 = arith.addi %mul3A_179, %add3A_180 : i32
        %add3A_182 = vector.broadcast %add3A_181 : i32 to vector<16xi32>
        %add3A_183 = arith.addi %iota3A, %add3A_182 : vector<16xi32>
        %gather3A_184 = tpu.vector_load_idx %arg6[%add3A_183] : memref<16896xf32, #tpu.memory_space<vmem>>[vector<16xi32>], vector<16xf32>,
        %add3A_185 = arith.constant 2 : i32
        %add3A_186 = arith.addi %mul3A_149, %add3A_185 : i32
        %mul3A_187 = arith.constant 33 : i32
        %mul3A_188 = arith.muli %add3A_186, %mul3A_187 : i32
        %add3A_189 = arith.constant 0 : i32
        %add3A_190 = arith.addi %mul3A_188, %add3A_189 : i32
        %add3A_191 = vector.broadcast %add3A_190 : i32 to vector<16xi32>
        %add3A_192 = arith.addi %iota3A, %add3A_191 : vector<16xi32>
        %gather3A_193 = tpu.vector_load_idx %arg6[%add3A_192] : memref<16896xf32, #tpu.memory_space<vmem>>[vector<16xi32>], vector<16xf32>,
        %add3A_194 = arith.constant 2 : i32
        %add3A_195 = arith.addi %mul3A_149, %add3A_194 : i32
        %mul3A_196 = arith.constant 33 : i32
        %mul3A_197 = arith.muli %add3A_195, %mul3A_196 : i32
        %add3A_198 = arith.constant 16 : i32
        %add3A_199 = arith.addi %mul3A_197, %add3A_198 : i32
        %add3A_200 = vector.broadcast %add3A_199 : i32 to vector<16xi32>
        %add3A_201 = arith.addi %iota3A, %add3A_200 : vector<16xi32>
        %gather3A_202 = tpu.vector_load_idx %arg6[%add3A_201] : memref<16896xf32, #tpu.memory_space<vmem>>[vector<16xi32>], vector<16xf32>,
        %add3A_203 = arith.constant 3 : i32
        %add3A_204 = arith.addi %mul3A_149, %add3A_203 : i32
        %mul3A_205 = arith.constant 33 : i32
        %mul3A_206 = arith.muli %add3A_204, %mul3A_205 : i32
        %add3A_207 = arith.constant 0 : i32
        %add3A_208 = arith.addi %mul3A_206, %add3A_207 : i32
        %add3A_209 = vector.broadcast %add3A_208 : i32 to vector<16xi32>
        %add3A_210 = arith.addi %iota3A, %add3A_209 : vector<16xi32>
        %gather3A_211 = tpu.vector_load_idx %arg6[%add3A_210] : memref<16896xf32, #tpu.memory_space<vmem>>[vector<16xi32>], vector<16xf32>,
        %add3A_212 = arith.constant 3 : i32
        %add3A_213 = arith.addi %mul3A_149, %add3A_212 : i32
        %mul3A_214 = arith.constant 33 : i32
        %mul3A_215 = arith.muli %add3A_213, %mul3A_214 : i32
        %add3A_216 = arith.constant 16 : i32
        %add3A_217 = arith.addi %mul3A_215, %add3A_216 : i32
        %add3A_218 = vector.broadcast %add3A_217 : i32 to vector<16xi32>
        %add3A_219 = arith.addi %iota3A, %add3A_218 : vector<16xi32>
        %gather3A_220 = tpu.vector_load_idx %arg6[%add3A_219] : memref<16896xf32, #tpu.memory_space<vmem>>[vector<16xi32>], vector<16xf32>,
        %add3A_221 = arith.constant 0 : i32
        %add3A_222 = arith.addi %mul3A_149, %add3A_221 : i32
        %mul3A_223 = arith.constant 32 : i32
        %mul3A_224 = arith.muli %add3A_222, %mul3A_223 : i32
        %add3A_225 = arith.constant 0 : i32
        %add3A_226 = arith.addi %mul3A_224, %add3A_225 : i32
        %swap3A = arith.index_cast %add3A_226 : i32 to index
        %swap3A_227 = tpu.vector_load %arg8[%swap3A] {strides = array<i32>} : memref<16384xf32, #tpu.memory_space<vmem>>, vector<16xf32>,
        tpu.vector_store %arg8[%swap3A], %gather3A {strides = array<i32>} : memref<16384xf32, #tpu.memory_space<vmem>>, vector<16xf32>,
        %add3A_228 = arith.constant 0 : i32
        %add3A_229 = arith.addi %mul3A_149, %add3A_228 : i32
        %mul3A_230 = arith.constant 32 : i32
        %mul3A_231 = arith.muli %add3A_229, %mul3A_230 : i32
        %add3A_232 = arith.constant 16 : i32
        %add3A_233 = arith.addi %mul3A_231, %add3A_232 : i32
        %swap3A_234 = arith.index_cast %add3A_233 : i32 to index
        %swap3A_235 = tpu.vector_load %arg8[%swap3A_234] {strides = array<i32>} : memref<16384xf32, #tpu.memory_space<vmem>>, vector<16xf32>,
        tpu.vector_store %arg8[%swap3A_234], %gather3A_166 {strides = array<i32>} : memref<16384xf32, #tpu.memory_space<vmem>>, vector<16xf32>,
        %add3A_236 = arith.constant 1 : i32
        %add3A_237 = arith.addi %mul3A_149, %add3A_236 : i32
        %mul3A_238 = arith.constant 32 : i32
        %mul3A_239 = arith.muli %add3A_237, %mul3A_238 : i32
        %add3A_240 = arith.constant 0 : i32
        %add3A_241 = arith.addi %mul3A_239, %add3A_240 : i32
        %swap3A_242 = arith.index_cast %add3A_241 : i32 to index
        %swap3A_243 = tpu.vector_load %arg8[%swap3A_242] {strides = array<i32>} : memref<16384xf32, #tpu.memory_space<vmem>>, vector<16xf32>,
        tpu.vector_store %arg8[%swap3A_242], %gather3A_175 {strides = array<i32>} : memref<16384xf32, #tpu.memory_space<vmem>>, vector<16xf32>,
        %add3A_244 = arith.constant 1 : i32
        %add3A_245 = arith.addi %mul3A_149, %add3A_244 : i32
        %mul3A_246 = arith.constant 32 : i32
        %mul3A_247 = arith.muli %add3A_245, %mul3A_246 : i32
        %add3A_248 = arith.constant 16 : i32
        %add3A_249 = arith.addi %mul3A_247, %add3A_248 : i32
        %swap3A_250 = arith.index_cast %add3A_249 : i32 to index
        %swap3A_251 = tpu.vector_load %arg8[%swap3A_250] {strides = array<i32>} : memref<16384xf32, #tpu.memory_space<vmem>>, vector<16xf32>,
        tpu.vector_store %arg8[%swap3A_250], %gather3A_184 {strides = array<i32>} : memref<16384xf32, #tpu.memory_space<vmem>>, vector<16xf32>,
        %add3A_252 = arith.constant 2 : i32
        %add3A_253 = arith.addi %mul3A_149, %add3A_252 : i32
        %mul3A_254 = arith.constant 32 : i32
        %mul3A_255 = arith.muli %add3A_253, %mul3A_254 : i32
        %add3A_256 = arith.constant 0 : i32
        %add3A_257 = arith.addi %mul3A_255, %add3A_256 : i32
        %swap3A_258 = arith.index_cast %add3A_257 : i32 to index
        %swap3A_259 = tpu.vector_load %arg8[%swap3A_258] {strides = array<i32>} : memref<16384xf32, #tpu.memory_space<vmem>>, vector<16xf32>,
        tpu.vector_store %arg8[%swap3A_258], %gather3A_193 {strides = array<i32>} : memref<16384xf32, #tpu.memory_space<vmem>>, vector<16xf32>,
        %add3A_260 = arith.constant 2 : i32
        %add3A_261 = arith.addi %mul3A_149, %add3A_260 : i32
        %mul3A_262 = arith.constant 32 : i32
        %mul3A_263 = arith.muli %add3A_261, %mul3A_262 : i32
        %add3A_264 = arith.constant 16 : i32
        %add3A_265 = arith.addi %mul3A_263, %add3A_264 : i32
        %swap3A_266 = arith.index_cast %add3A_265 : i32 to index
        %swap3A_267 = tpu.vector_load %arg8[%swap3A_266] {strides = array<i32>} : memref<16384xf32, #tpu.memory_space<vmem>>, vector<16xf32>,
        tpu.vector_store %arg8[%swap3A_266], %gather3A_202 {strides = array<i32>} : memref<16384xf32, #tpu.memory_space<vmem>>, vector<16xf32>,
        %add3A_268 = arith.constant 3 : i32
        %add3A_269 = arith.addi %mul3A_149, %add3A_268 : i32
        %mul3A_270 = arith.constant 32 : i32
        %mul3A_271 = arith.muli %add3A_269, %mul3A_270 : i32
        %add3A_272 = arith.constant 0 : i32
        %add3A_273 = arith.addi %mul3A_271, %add3A_272 : i32
        %swap3A_274 = arith.index_cast %add3A_273 : i32 to index
        %swap3A_275 = tpu.vector_load %arg8[%swap3A_274] {strides = array<i32>} : memref<16384xf32, #tpu.memory_space<vmem>>, vector<16xf32>,
        tpu.vector_store %arg8[%swap3A_274], %gather3A_211 {strides = array<i32>} : memref<16384xf32, #tpu.memory_space<vmem>>, vector<16xf32>,
        %add3A_276 = arith.constant 3 : i32
        %add3A_277 = arith.addi %mul3A_149, %add3A_276 : i32
        %mul3A_278 = arith.constant 32 : i32
        %mul3A_279 = arith.muli %add3A_277, %mul3A_278 : i32
        %add3A_280 = arith.constant 16 : i32
        %add3A_281 = arith.addi %mul3A_279, %add3A_280 : i32
        %swap3A_282 = arith.index_cast %add3A_281 : i32 to index
        %swap3A_283 = tpu.vector_load %arg8[%swap3A_282] {strides = array<i32>} : memref<16384xf32, #tpu.memory_space<vmem>>, vector<16xf32>,
        tpu.vector_store %arg8[%swap3A_282], %gather3A_220 {strides = array<i32>} : memref<16384xf32, #tpu.memory_space<vmem>>, vector<16xf32>,
        %scan3A_284 = arith.constant 0 : i32
        scf.yield %scan3A_284 : i32
      }
      %scan3A_137 = arith.constant 128 : i32
      %mul3A_138 = arith.constant 32 : i32
      %mul3A_139 = arith.muli %add3A_105, %mul3A_138 : i32
      %add3A_140 = arith.addi %add3A, %mul3A_139 : i32
      %mul3A_141 = arith.constant 16384 : i32
      %mul3A_142 = arith.muli %add3A_140, %mul3A_141 : i32
      %dma_start3A_143 = tpu.memref_slice %arg3[%mul3A_142] : memref<32000000xf32, #tpu.memory_space<hbm>> -> memref<16384xf32, #tpu.memory_space<hbm>>
      %dma_start3A_144 = tpu.memref_slice %arg3[%mul3A_142] : memref<32000000xf32, #tpu.memory_space<hbm>> -> memref<16384xf32, #tpu.memory_space<hbm>>
      tpu.enqueue_dma source(%arg8 : memref<16384xf32, #tpu.memory_space<vmem>>) target(%dma_start3A_144 : memref<16384xf32, #tpu.memory_space<hbm>>) target_semaphore(%arg13 : memref<!tpu.dma_semaphore, #tpu.memory_space<semaphore_mem>>)
      %scan3A_145 = arith.constant 0 : i32
      scf.yield %scan3A_145 : i32
    }
    %scan3A_16 = arith.constant 30 : i32
    %dma_wait3A = arith.constant 0 : i32
    %dma_wait3A_17 = arith.constant 0 : i32
    %dma_wait3A_18 = tpu.memref_slice %arg2[%dma_wait3A, %dma_wait3A_17] : memref<32x1000000xf32, #tpu.memory_space<hbm>> -> memref<32x512xf32, #tpu.memory_space<hbm>>
    %dma_wait3A_19 = arith.constant 0 : i32
    %dma_wait3A_20 = arith.constant 0 : i32
    %dma_wait3A_21 = tpu.memref_slice %arg2[%dma_wait3A_19, %dma_wait3A_20] : memref<32x1000000xf32, #tpu.memory_space<hbm>> -> memref<32x512xf32, #tpu.memory_space<hbm>>
    tpu.wait_dma2 semaphore(%arg10 : memref<!tpu.dma_semaphore, #tpu.memory_space<semaphore_mem>>) src(%dma_wait3A_21 : memref<32x512xf32, #tpu.memory_space<hbm>>) dst(%arg4 : memref<32x512xf32, #tpu.memory_space<vmem>>)
    %dma_wait3A_22 = arith.constant 0 : i32
    %dma_wait3A_23 = tpu.memref_slice %arg3[%dma_wait3A_22] : memref<32000000xf32, #tpu.memory_space<hbm>> -> memref<16384xf32, #tpu.memory_space<hbm>>
    %dma_wait3A_24 = arith.constant 0 : i32
    %dma_wait3A_25 = tpu.memref_slice %arg3[%dma_wait3A_24] : memref<32000000xf32, #tpu.memory_space<hbm>> -> memref<16384xf32, #tpu.memory_space<hbm>>
    tpu.wait_dma2 semaphore(%arg12 : memref<!tpu.dma_semaphore, #tpu.memory_space<semaphore_mem>>) src(%arg7 : memref<16384xf32, #tpu.memory_space<vmem>>) dst(%dma_wait3A_25 : memref<16384xf32, #tpu.memory_space<hbm>>)
    %scan3A_26 = arith.constant 0 : i32
    %scan3A_27 = arith.constant 0 : i32
    %scan3A_28 = arith.constant 32 : i32
    %scan3A_29 = arith.addi %scan3A_27, %scan3A_28 : i32
    %scan3A_30 = arith.constant 1 : i32
    %scan3A_31 = scf.for %scan3A_61 = %scan3A_27 to %scan3A_29 step %scan3A_30 iter_args(%scan3A_62 = %scan3A_26) -> (i32)  : i32 {
      %get3A = arith.index_cast %scan3A_61 : i32 to index
      %get3A_63 = arith.constant 0 : index
      %get3A_64 = tpu.vector_load %arg4[%get3A, %get3A_63] {strides = array<i32>} : memref<32x512xf32, #tpu.memory_space<vmem>>, vector<16xf32>,
      %get3A_65 = arith.index_cast %scan3A_61 : i32 to index
      %get3A_66 = arith.constant 16 : index
      %get3A_67 = tpu.vector_load %arg4[%get3A_65, %get3A_66] {strides = array<i32>} : memref<32x512xf32, #tpu.memory_space<vmem>>, vector<16xf32>,
      %get3A_68 = arith.index_cast %scan3A_61 : i32 to index
      %get3A_69 = arith.constant 32 : index
      %get3A_70 = tpu.vector_load %arg4[%get3A_68, %get3A_69] {strides = array<i32>} : memref<32x512xf32, #tpu.memory_space<vmem>>, vector<16xf32>,
      %get3A_71 = arith.index_cast %scan3A_61 : i32 to index
      %get3A_72 = arith.constant 48 : index
      %get3A_73 = tpu.vector_load %arg4[%get3A_71, %get3A_72] {strides = array<i32>} : memref<32x512xf32, #tpu.memory_space<vmem>>, vector<16xf32>,
      %get3A_74 = arith.index_cast %scan3A_61 : i32 to index
      %get3A_75 = arith.constant 64 : index
      %get3A_76 = tpu.vector_load %arg4[%get3A_74, %get3A_75] {strides = array<i32>} : memref<32x512xf32, #tpu.memory_space<vmem>>, vector<16xf32>,
      %get3A_77 = arith.index_cast %scan3A_61 : i32 to index
      %get3A_78 = arith.constant 80 : index
      %get3A_79 = tpu.vector_load %arg4[%get3A_77, %get3A_78] {strides = array<i32>} : memref<32x512xf32, #tpu.memory_space<vmem>>, vector<16xf32>,
      %get3A_80 = arith.index_cast %scan3A_61 : i32 to index
      %get3A_81 = arith.constant 96 : index
      %get3A_82 = tpu.vector_load %arg4[%get3A_80, %get3A_81] {strides = array<i32>} : memref<32x512xf32, #tpu.memory_space<vmem>>, vector<16xf32>,
      %get3A_83 = arith.index_cast %scan3A_61 : i32 to index
      %get3A_84 = arith.constant 112 : index
      %get3A_85 = tpu.vector_load %arg4[%get3A_83, %get3A_84] {strides = array<i32>} : memref<32x512xf32, #tpu.memory_space<vmem>>, vector<16xf32>,
      %add3A_86 = arith.constant 0 : i32
      %add3A_87 = arith.addi %add3A_86, %scan3A_61 : i32
      %add3A_88 = vector.broadcast %add3A_87 : i32 to vector<16xi32>
      %add3A_89 = arith.addi %mul3A_3, %add3A_88 : vector<16xi32>
      tpu.vector_store_idx %arg6[%add3A_89], %get3A_64 : memref<16896xf32, #tpu.memory_space<vmem>>[vector<16xi32>], vector<16xf32>,
      %add3A_90 = arith.constant 528 : i32
      %add3A_91 = arith.addi %add3A_90, %scan3A_61 : i32
      %add3A_92 = vector.broadcast %add3A_91 : i32 to vector<16xi32>
      %add3A_93 = arith.addi %mul3A_3, %add3A_92 : vector<16xi32>
      tpu.vector_store_idx %arg6[%add3A_93], %get3A_67 : memref<16896xf32, #tpu.memory_space<vmem>>[vector<16xi32>], vector<16xf32>,
      %add3A_94 = arith.constant 1056 : i32
      %add3A_95 = arith.addi %add3A_94, %scan3A_61 : i32
      %add3A_96 = vector.broadcast %add3A_95 : i32 to vector<16xi32>
      %add3A_97 = arith.addi %mul3A_3, %add3A_96 : vector<16xi32>
      tpu.vector_store_idx %arg6[%add3A_97], %get3A_70 : memref<16896xf32, #tpu.memory_space<vmem>>[vector<16xi32>], vector<16xf32>,
      %add3A_98 = arith.constant 1584 : i32
      %add3A_99 = arith.addi %add3A_98, %scan3A_61 : i32
      %add3A_100 = vector.broadcast %add3A_99 : i32 to vector<16xi32>
      %add3A_101 = arith.addi %mul3A_3, %add3A_100 : vector<16xi32>
      tpu.vector_store_idx %arg6[%add3A_101], %get3A_73 : memref<16896xf32, #tpu.memory_space<vmem>>[vector<16xi32>], vector<16xf32>,
      %add3A_102 = arith.constant 2112 : i32
      %add3A_103 = arith.addi %add3A_102, %scan3A_61 : i32
      %add3A_104 = vector.broadcast %add3A_103 : i32 to vector<16xi32>
      %add3A_105 = arith.addi %mul3A_3, %add3A_104 : vector<16xi32>
      tpu.vector_store_idx %arg6[%add3A_105], %get3A_76 : memref<16896xf32, #tpu.memory_space<vmem>>[vector<16xi32>], vector<16xf32>,
      %add3A_106 = arith.constant 2640 : i32
      %add3A_107 = arith.addi %add3A_106, %scan3A_61 : i32
      %add3A_108 = vector.broadcast %add3A_107 : i32 to vector<16xi32>
      %add3A_109 = arith.addi %mul3A_3, %add3A_108 : vector<16xi32>
      tpu.vector_store_idx %arg6[%add3A_109], %get3A_79 : memref<16896xf32, #tpu.memory_space<vmem>>[vector<16xi32>], vector<16xf32>,
      %add3A_110 = arith.constant 3168 : i32
      %add3A_111 = arith.addi %add3A_110, %scan3A_61 : i32
      %add3A_112 = vector.broadcast %add3A_111 : i32 to vector<16xi32>
      %add3A_113 = arith.addi %mul3A_3, %add3A_112 : vector<16xi32>
      tpu.vector_store_idx %arg6[%add3A_113], %get3A_82 : memref<16896xf32, #tpu.memory_space<vmem>>[vector<16xi32>], vector<16xf32>,
      %add3A_114 = arith.constant 3696 : i32
      %add3A_115 = arith.addi %add3A_114, %scan3A_61 : i32
      %add3A_116 = vector.broadcast %add3A_115 : i32 to vector<16xi32>
      %add3A_117 = arith.addi %mul3A_3, %add3A_116 : vector<16xi32>
      tpu.vector_store_idx %arg6[%add3A_117], %get3A_85 : memref<16896xf32, #tpu.memory_space<vmem>>[vector<16xi32>], vector<16xf32>,
      %get3A_118 = arith.index_cast %scan3A_61 : i32 to index
      %get3A_119 = arith.constant 128 : index
      %get3A_120 = tpu.vector_load %arg4[%get3A_118, %get3A_119] {strides = array<i32>} : memref<32x512xf32, #tpu.memory_space<vmem>>, vector<16xf32>,
      %get3A_121 = arith.index_cast %scan3A_61 : i32 to index
      %get3A_122 = arith.constant 144 : index
      %get3A_123 = tpu.vector_load %arg4[%get3A_121, %get3A_122] {strides = array<i32>} : memref<32x512xf32, #tpu.memory_space<vmem>>, vector<16xf32>,
      %get3A_124 = arith.index_cast %scan3A_61 : i32 to index
      %get3A_125 = arith.constant 160 : index
      %get3A_126 = tpu.vector_load %arg4[%get3A_124, %get3A_125] {strides = array<i32>} : memref<32x512xf32, #tpu.memory_space<vmem>>, vector<16xf32>,
      %get3A_127 = arith.index_cast %scan3A_61 : i32 to index
      %get3A_128 = arith.constant 176 : index
      %get3A_129 = tpu.vector_load %arg4[%get3A_127, %get3A_128] {strides = array<i32>} : memref<32x512xf32, #tpu.memory_space<vmem>>, vector<16xf32>,
      %get3A_130 = arith.index_cast %scan3A_61 : i32 to index
      %get3A_131 = arith.constant 192 : index
      %get3A_132 = tpu.vector_load %arg4[%get3A_130, %get3A_131] {strides = array<i32>} : memref<32x512xf32, #tpu.memory_space<vmem>>, vector<16xf32>,
      %get3A_133 = arith.index_cast %scan3A_61 : i32 to index
      %get3A_134 = arith.constant 208 : index
      %get3A_135 = tpu.vector_load %arg4[%get3A_133, %get3A_134] {strides = array<i32>} : memref<32x512xf32, #tpu.memory_space<vmem>>, vector<16xf32>,
      %get3A_136 = arith.index_cast %scan3A_61 : i32 to index
      %get3A_137 = arith.constant 224 : index
      %get3A_138 = tpu.vector_load %arg4[%get3A_136, %get3A_137] {strides = array<i32>} : memref<32x512xf32, #tpu.memory_space<vmem>>, vector<16xf32>,
      %get3A_139 = arith.index_cast %scan3A_61 : i32 to index
      %get3A_140 = arith.constant 240 : index
      %get3A_141 = tpu.vector_load %arg4[%get3A_139, %get3A_140] {strides = array<i32>} : memref<32x512xf32, #tpu.memory_space<vmem>>, vector<16xf32>,
      %add3A_142 = arith.constant 4224 : i32
      %add3A_143 = arith.addi %add3A_142, %scan3A_61 : i32
      %add3A_144 = vector.broadcast %add3A_143 : i32 to vector<16xi32>
      %add3A_145 = arith.addi %mul3A_3, %add3A_144 : vector<16xi32>
      tpu.vector_store_idx %arg6[%add3A_145], %get3A_120 : memref<16896xf32, #tpu.memory_space<vmem>>[vector<16xi32>], vector<16xf32>,
      %add3A_146 = arith.constant 4752 : i32
      %add3A_147 = arith.addi %add3A_146, %scan3A_61 : i32
      %add3A_148 = vector.broadcast %add3A_147 : i32 to vector<16xi32>
      %add3A_149 = arith.addi %mul3A_3, %add3A_148 : vector<16xi32>
      tpu.vector_store_idx %arg6[%add3A_149], %get3A_123 : memref<16896xf32, #tpu.memory_space<vmem>>[vector<16xi32>], vector<16xf32>,
      %add3A_150 = arith.constant 5280 : i32
      %add3A_151 = arith.addi %add3A_150, %scan3A_61 : i32
      %add3A_152 = vector.broadcast %add3A_151 : i32 to vector<16xi32>
      %add3A_153 = arith.addi %mul3A_3, %add3A_152 : vector<16xi32>
      tpu.vector_store_idx %arg6[%add3A_153], %get3A_126 : memref<16896xf32, #tpu.memory_space<vmem>>[vector<16xi32>], vector<16xf32>,
      %add3A_154 = arith.constant 5808 : i32
      %add3A_155 = arith.addi %add3A_154, %scan3A_61 : i32
      %add3A_156 = vector.broadcast %add3A_155 : i32 to vector<16xi32>
      %add3A_157 = arith.addi %mul3A_3, %add3A_156 : vector<16xi32>
      tpu.vector_store_idx %arg6[%add3A_157], %get3A_129 : memref<16896xf32, #tpu.memory_space<vmem>>[vector<16xi32>], vector<16xf32>,
      %add3A_158 = arith.constant 6336 : i32
      %add3A_159 = arith.addi %add3A_158, %scan3A_61 : i32
      %add3A_160 = vector.broadcast %add3A_159 : i32 to vector<16xi32>
      %add3A_161 = arith.addi %mul3A_3, %add3A_160 : vector<16xi32>
      tpu.vector_store_idx %arg6[%add3A_161], %get3A_132 : memref<16896xf32, #tpu.memory_space<vmem>>[vector<16xi32>], vector<16xf32>,
      %add3A_162 = arith.constant 6864 : i32
      %add3A_163 = arith.addi %add3A_162, %scan3A_61 : i32
      %add3A_164 = vector.broadcast %add3A_163 : i32 to vector<16xi32>
      %add3A_165 = arith.addi %mul3A_3, %add3A_164 : vector<16xi32>
      tpu.vector_store_idx %arg6[%add3A_165], %get3A_135 : memref<16896xf32, #tpu.memory_space<vmem>>[vector<16xi32>], vector<16xf32>,
      %add3A_166 = arith.constant 7392 : i32
      %add3A_167 = arith.addi %add3A_166, %scan3A_61 : i32
      %add3A_168 = vector.broadcast %add3A_167 : i32 to vector<16xi32>
      %add3A_169 = arith.addi %mul3A_3, %add3A_168 : vector<16xi32>
      tpu.vector_store_idx %arg6[%add3A_169], %get3A_138 : memref<16896xf32, #tpu.memory_space<vmem>>[vector<16xi32>], vector<16xf32>,
      %add3A_170 = arith.constant 7920 : i32
      %add3A_171 = arith.addi %add3A_170, %scan3A_61 : i32
      %add3A_172 = vector.broadcast %add3A_171 : i32 to vector<16xi32>
      %add3A_173 = arith.addi %mul3A_3, %add3A_172 : vector<16xi32>
      tpu.vector_store_idx %arg6[%add3A_173], %get3A_141 : memref<16896xf32, #tpu.memory_space<vmem>>[vector<16xi32>], vector<16xf32>,
      %get3A_174 = arith.index_cast %scan3A_61 : i32 to index
      %get3A_175 = arith.constant 256 : index
      %get3A_176 = tpu.vector_load %arg4[%get3A_174, %get3A_175] {strides = array<i32>} : memref<32x512xf32, #tpu.memory_space<vmem>>, vector<16xf32>,
      %get3A_177 = arith.index_cast %scan3A_61 : i32 to index
      %get3A_178 = arith.constant 272 : index
      %get3A_179 = tpu.vector_load %arg4[%get3A_177, %get3A_178] {strides = array<i32>} : memref<32x512xf32, #tpu.memory_space<vmem>>, vector<16xf32>,
      %get3A_180 = arith.index_cast %scan3A_61 : i32 to index
      %get3A_181 = arith.constant 288 : index
      %get3A_182 = tpu.vector_load %arg4[%get3A_180, %get3A_181] {strides = array<i32>} : memref<32x512xf32, #tpu.memory_space<vmem>>, vector<16xf32>,
      %get3A_183 = arith.index_cast %scan3A_61 : i32 to index
      %get3A_184 = arith.constant 304 : index
      %get3A_185 = tpu.vector_load %arg4[%get3A_183, %get3A_184] {strides = array<i32>} : memref<32x512xf32, #tpu.memory_space<vmem>>, vector<16xf32>,
      %get3A_186 = arith.index_cast %scan3A_61 : i32 to index
      %get3A_187 = arith.constant 320 : index
      %get3A_188 = tpu.vector_load %arg4[%get3A_186, %get3A_187] {strides = array<i32>} : memref<32x512xf32, #tpu.memory_space<vmem>>, vector<16xf32>,
      %get3A_189 = arith.index_cast %scan3A_61 : i32 to index
      %get3A_190 = arith.constant 336 : index
      %get3A_191 = tpu.vector_load %arg4[%get3A_189, %get3A_190] {strides = array<i32>} : memref<32x512xf32, #tpu.memory_space<vmem>>, vector<16xf32>,
      %get3A_192 = arith.index_cast %scan3A_61 : i32 to index
      %get3A_193 = arith.constant 352 : index
      %get3A_194 = tpu.vector_load %arg4[%get3A_192, %get3A_193] {strides = array<i32>} : memref<32x512xf32, #tpu.memory_space<vmem>>, vector<16xf32>,
      %get3A_195 = arith.index_cast %scan3A_61 : i32 to index
      %get3A_196 = arith.constant 368 : index
      %get3A_197 = tpu.vector_load %arg4[%get3A_195, %get3A_196] {strides = array<i32>} : memref<32x512xf32, #tpu.memory_space<vmem>>, vector<16xf32>,
      %add3A_198 = arith.constant 8448 : i32
      %add3A_199 = arith.addi %add3A_198, %scan3A_61 : i32
      %add3A_200 = vector.broadcast %add3A_199 : i32 to vector<16xi32>
      %add3A_201 = arith.addi %mul3A_3, %add3A_200 : vector<16xi32>
      tpu.vector_store_idx %arg6[%add3A_201], %get3A_176 : memref<16896xf32, #tpu.memory_space<vmem>>[vector<16xi32>], vector<16xf32>,
      %add3A_202 = arith.constant 8976 : i32
      %add3A_203 = arith.addi %add3A_202, %scan3A_61 : i32
      %add3A_204 = vector.broadcast %add3A_203 : i32 to vector<16xi32>
      %add3A_205 = arith.addi %mul3A_3, %add3A_204 : vector<16xi32>
      tpu.vector_store_idx %arg6[%add3A_205], %get3A_179 : memref<16896xf32, #tpu.memory_space<vmem>>[vector<16xi32>], vector<16xf32>,
      %add3A_206 = arith.constant 9504 : i32
      %add3A_207 = arith.addi %add3A_206, %scan3A_61 : i32
      %add3A_208 = vector.broadcast %add3A_207 : i32 to vector<16xi32>
      %add3A_209 = arith.addi %mul3A_3, %add3A_208 : vector<16xi32>
      tpu.vector_store_idx %arg6[%add3A_209], %get3A_182 : memref<16896xf32, #tpu.memory_space<vmem>>[vector<16xi32>], vector<16xf32>,
      %add3A_210 = arith.constant 10032 : i32
      %add3A_211 = arith.addi %add3A_210, %scan3A_61 : i32
      %add3A_212 = vector.broadcast %add3A_211 : i32 to vector<16xi32>
      %add3A_213 = arith.addi %mul3A_3, %add3A_212 : vector<16xi32>
      tpu.vector_store_idx %arg6[%add3A_213], %get3A_185 : memref<16896xf32, #tpu.memory_space<vmem>>[vector<16xi32>], vector<16xf32>,
      %add3A_214 = arith.constant 10560 : i32
      %add3A_215 = arith.addi %add3A_214, %scan3A_61 : i32
      %add3A_216 = vector.broadcast %add3A_215 : i32 to vector<16xi32>
      %add3A_217 = arith.addi %mul3A_3, %add3A_216 : vector<16xi32>
      tpu.vector_store_idx %arg6[%add3A_217], %get3A_188 : memref<16896xf32, #tpu.memory_space<vmem>>[vector<16xi32>], vector<16xf32>,
      %add3A_218 = arith.constant 11088 : i32
      %add3A_219 = arith.addi %add3A_218, %scan3A_61 : i32
      %add3A_220 = vector.broadcast %add3A_219 : i32 to vector<16xi32>
      %add3A_221 = arith.addi %mul3A_3, %add3A_220 : vector<16xi32>
      tpu.vector_store_idx %arg6[%add3A_221], %get3A_191 : memref<16896xf32, #tpu.memory_space<vmem>>[vector<16xi32>], vector<16xf32>,
      %add3A_222 = arith.constant 11616 : i32
      %add3A_223 = arith.addi %add3A_222, %scan3A_61 : i32
      %add3A_224 = vector.broadcast %add3A_223 : i32 to vector<16xi32>
      %add3A_225 = arith.addi %mul3A_3, %add3A_224 : vector<16xi32>
      tpu.vector_store_idx %arg6[%add3A_225], %get3A_194 : memref<16896xf32, #tpu.memory_space<vmem>>[vector<16xi32>], vector<16xf32>,
      %add3A_226 = arith.constant 12144 : i32
      %add3A_227 = arith.addi %add3A_226, %scan3A_61 : i32
      %add3A_228 = vector.broadcast %add3A_227 : i32 to vector<16xi32>
      %add3A_229 = arith.addi %mul3A_3, %add3A_228 : vector<16xi32>
      tpu.vector_store_idx %arg6[%add3A_229], %get3A_197 : memref<16896xf32, #tpu.memory_space<vmem>>[vector<16xi32>], vector<16xf32>,
      %get3A_230 = arith.index_cast %scan3A_61 : i32 to index
      %get3A_231 = arith.constant 384 : index
      %get3A_232 = tpu.vector_load %arg4[%get3A_230, %get3A_231] {strides = array<i32>} : memref<32x512xf32, #tpu.memory_space<vmem>>, vector<16xf32>,
      %get3A_233 = arith.index_cast %scan3A_61 : i32 to index
      %get3A_234 = arith.constant 400 : index
      %get3A_235 = tpu.vector_load %arg4[%get3A_233, %get3A_234] {strides = array<i32>} : memref<32x512xf32, #tpu.memory_space<vmem>>, vector<16xf32>,
      %get3A_236 = arith.index_cast %scan3A_61 : i32 to index
      %get3A_237 = arith.constant 416 : index
      %get3A_238 = tpu.vector_load %arg4[%get3A_236, %get3A_237] {strides = array<i32>} : memref<32x512xf32, #tpu.memory_space<vmem>>, vector<16xf32>,
      %get3A_239 = arith.index_cast %scan3A_61 : i32 to index
      %get3A_240 = arith.constant 432 : index
      %get3A_241 = tpu.vector_load %arg4[%get3A_239, %get3A_240] {strides = array<i32>} : memref<32x512xf32, #tpu.memory_space<vmem>>, vector<16xf32>,
      %get3A_242 = arith.index_cast %scan3A_61 : i32 to index
      %get3A_243 = arith.constant 448 : index
      %get3A_244 = tpu.vector_load %arg4[%get3A_242, %get3A_243] {strides = array<i32>} : memref<32x512xf32, #tpu.memory_space<vmem>>, vector<16xf32>,
      %get3A_245 = arith.index_cast %scan3A_61 : i32 to index
      %get3A_246 = arith.constant 464 : index
      %get3A_247 = tpu.vector_load %arg4[%get3A_245, %get3A_246] {strides = array<i32>} : memref<32x512xf32, #tpu.memory_space<vmem>>, vector<16xf32>,
      %get3A_248 = arith.index_cast %scan3A_61 : i32 to index
      %get3A_249 = arith.constant 480 : index
      %get3A_250 = tpu.vector_load %arg4[%get3A_248, %get3A_249] {strides = array<i32>} : memref<32x512xf32, #tpu.memory_space<vmem>>, vector<16xf32>,
      %get3A_251 = arith.index_cast %scan3A_61 : i32 to index
      %get3A_252 = arith.constant 496 : index
      %get3A_253 = tpu.vector_load %arg4[%get3A_251, %get3A_252] {strides = array<i32>} : memref<32x512xf32, #tpu.memory_space<vmem>>, vector<16xf32>,
      %add3A_254 = arith.constant 12672 : i32
      %add3A_255 = arith.addi %add3A_254, %scan3A_61 : i32
      %add3A_256 = vector.broadcast %add3A_255 : i32 to vector<16xi32>
      %add3A_257 = arith.addi %mul3A_3, %add3A_256 : vector<16xi32>
      tpu.vector_store_idx %arg6[%add3A_257], %get3A_232 : memref<16896xf32, #tpu.memory_space<vmem>>[vector<16xi32>], vector<16xf32>,
      %add3A_258 = arith.constant 13200 : i32
      %add3A_259 = arith.addi %add3A_258, %scan3A_61 : i32
      %add3A_260 = vector.broadcast %add3A_259 : i32 to vector<16xi32>
      %add3A_261 = arith.addi %mul3A_3, %add3A_260 : vector<16xi32>
      tpu.vector_store_idx %arg6[%add3A_261], %get3A_235 : memref<16896xf32, #tpu.memory_space<vmem>>[vector<16xi32>], vector<16xf32>,
      %add3A_262 = arith.constant 13728 : i32
      %add3A_263 = arith.addi %add3A_262, %scan3A_61 : i32
      %add3A_264 = vector.broadcast %add3A_263 : i32 to vector<16xi32>
      %add3A_265 = arith.addi %mul3A_3, %add3A_264 : vector<16xi32>
      tpu.vector_store_idx %arg6[%add3A_265], %get3A_238 : memref<16896xf32, #tpu.memory_space<vmem>>[vector<16xi32>], vector<16xf32>,
      %add3A_266 = arith.constant 14256 : i32
      %add3A_267 = arith.addi %add3A_266, %scan3A_61 : i32
      %add3A_268 = vector.broadcast %add3A_267 : i32 to vector<16xi32>
      %add3A_269 = arith.addi %mul3A_3, %add3A_268 : vector<16xi32>
      tpu.vector_store_idx %arg6[%add3A_269], %get3A_241 : memref<16896xf32, #tpu.memory_space<vmem>>[vector<16xi32>], vector<16xf32>,
      %add3A_270 = arith.constant 14784 : i32
      %add3A_271 = arith.addi %add3A_270, %scan3A_61 : i32
      %add3A_272 = vector.broadcast %add3A_271 : i32 to vector<16xi32>
      %add3A_273 = arith.addi %mul3A_3, %add3A_272 : vector<16xi32>
      tpu.vector_store_idx %arg6[%add3A_273], %get3A_244 : memref<16896xf32, #tpu.memory_space<vmem>>[vector<16xi32>], vector<16xf32>,
      %add3A_274 = arith.constant 15312 : i32
      %add3A_275 = arith.addi %add3A_274, %scan3A_61 : i32
      %add3A_276 = vector.broadcast %add3A_275 : i32 to vector<16xi32>
      %add3A_277 = arith.addi %mul3A_3, %add3A_276 : vector<16xi32>
      tpu.vector_store_idx %arg6[%add3A_277], %get3A_247 : memref<16896xf32, #tpu.memory_space<vmem>>[vector<16xi32>], vector<16xf32>,
      %add3A_278 = arith.constant 15840 : i32
      %add3A_279 = arith.addi %add3A_278, %scan3A_61 : i32
      %add3A_280 = vector.broadcast %add3A_279 : i32 to vector<16xi32>
      %add3A_281 = arith.addi %mul3A_3, %add3A_280 : vector<16xi32>
      tpu.vector_store_idx %arg6[%add3A_281], %get3A_250 : memref<16896xf32, #tpu.memory_space<vmem>>[vector<16xi32>], vector<16xf32>,
      %add3A_282 = arith.constant 16368 : i32
      %add3A_283 = arith.addi %add3A_282, %scan3A_61 : i32
      %add3A_284 = vector.broadcast %add3A_283 : i32 to vector<16xi32>
      %add3A_285 = arith.addi %mul3A_3, %add3A_284 : vector<16xi32>
      tpu.vector_store_idx %arg6[%add3A_285], %get3A_253 : memref<16896xf32, #tpu.memory_space<vmem>>[vector<16xi32>], vector<16xf32>,
      %scan3A_286 = arith.constant 0 : i32
      scf.yield %scan3A_286 : i32
    }
    %scan3A_32 = arith.constant 32 : i32
    %scan3A_33 = arith.constant 0 : i32
    %scan3A_34 = arith.constant 0 : i32
    %scan3A_35 = arith.constant 128 : i32
    %scan3A_36 = arith.addi %scan3A_34, %scan3A_35 : i32
    %scan3A_37 = arith.constant 1 : i32
    %scan3A_38 = scf.for %scan3A_61 = %scan3A_34 to %scan3A_36 step %scan3A_37 iter_args(%scan3A_62 = %scan3A_33) -> (i32)  : i32 {
      %mul3A_63 = arith.constant 4 : i32
      %mul3A_64 = arith.muli %scan3A_61, %mul3A_63 : i32
      %add3A_65 = arith.constant 0 : i32
      %add3A_66 = arith.addi %mul3A_64, %add3A_65 : i32
      %mul3A_67 = arith.constant 33 : i32
      %mul3A_68 = arith.muli %add3A_66, %mul3A_67 : i32
      %add3A_69 = arith.constant 0 : i32
      %add3A_70 = arith.addi %mul3A_68, %add3A_69 : i32
      %add3A_71 = vector.broadcast %add3A_70 : i32 to vector<16xi32>
      %add3A_72 = arith.addi %iota3A, %add3A_71 : vector<16xi32>
      %gather3A = tpu.vector_load_idx %arg6[%add3A_72] : memref<16896xf32, #tpu.memory_space<vmem>>[vector<16xi32>], vector<16xf32>,
      %add3A_73 = arith.constant 0 : i32
      %add3A_74 = arith.addi %mul3A_64, %add3A_73 : i32
      %mul3A_75 = arith.constant 33 : i32
      %mul3A_76 = arith.muli %add3A_74, %mul3A_75 : i32
      %add3A_77 = arith.constant 16 : i32
      %add3A_78 = arith.addi %mul3A_76, %add3A_77 : i32
      %add3A_79 = vector.broadcast %add3A_78 : i32 to vector<16xi32>
      %add3A_80 = arith.addi %iota3A, %add3A_79 : vector<16xi32>
      %gather3A_81 = tpu.vector_load_idx %arg6[%add3A_80] : memref<16896xf32, #tpu.memory_space<vmem>>[vector<16xi32>], vector<16xf32>,
      %add3A_82 = arith.constant 1 : i32
      %add3A_83 = arith.addi %mul3A_64, %add3A_82 : i32
      %mul3A_84 = arith.constant 33 : i32
      %mul3A_85 = arith.muli %add3A_83, %mul3A_84 : i32
      %add3A_86 = arith.constant 0 : i32
      %add3A_87 = arith.addi %mul3A_85, %add3A_86 : i32
      %add3A_88 = vector.broadcast %add3A_87 : i32 to vector<16xi32>
      %add3A_89 = arith.addi %iota3A, %add3A_88 : vector<16xi32>
      %gather3A_90 = tpu.vector_load_idx %arg6[%add3A_89] : memref<16896xf32, #tpu.memory_space<vmem>>[vector<16xi32>], vector<16xf32>,
      %add3A_91 = arith.constant 1 : i32
      %add3A_92 = arith.addi %mul3A_64, %add3A_91 : i32
      %mul3A_93 = arith.constant 33 : i32
      %mul3A_94 = arith.muli %add3A_92, %mul3A_93 : i32
      %add3A_95 = arith.constant 16 : i32
      %add3A_96 = arith.addi %mul3A_94, %add3A_95 : i32
      %add3A_97 = vector.broadcast %add3A_96 : i32 to vector<16xi32>
      %add3A_98 = arith.addi %iota3A, %add3A_97 : vector<16xi32>
      %gather3A_99 = tpu.vector_load_idx %arg6[%add3A_98] : memref<16896xf32, #tpu.memory_space<vmem>>[vector<16xi32>], vector<16xf32>,
      %add3A_100 = arith.constant 2 : i32
      %add3A_101 = arith.addi %mul3A_64, %add3A_100 : i32
      %mul3A_102 = arith.constant 33 : i32
      %mul3A_103 = arith.muli %add3A_101, %mul3A_102 : i32
      %add3A_104 = arith.constant 0 : i32
      %add3A_105 = arith.addi %mul3A_103, %add3A_104 : i32
      %add3A_106 = vector.broadcast %add3A_105 : i32 to vector<16xi32>
      %add3A_107 = arith.addi %iota3A, %add3A_106 : vector<16xi32>
      %gather3A_108 = tpu.vector_load_idx %arg6[%add3A_107] : memref<16896xf32, #tpu.memory_space<vmem>>[vector<16xi32>], vector<16xf32>,
      %add3A_109 = arith.constant 2 : i32
      %add3A_110 = arith.addi %mul3A_64, %add3A_109 : i32
      %mul3A_111 = arith.constant 33 : i32
      %mul3A_112 = arith.muli %add3A_110, %mul3A_111 : i32
      %add3A_113 = arith.constant 16 : i32
      %add3A_114 = arith.addi %mul3A_112, %add3A_113 : i32
      %add3A_115 = vector.broadcast %add3A_114 : i32 to vector<16xi32>
      %add3A_116 = arith.addi %iota3A, %add3A_115 : vector<16xi32>
      %gather3A_117 = tpu.vector_load_idx %arg6[%add3A_116] : memref<16896xf32, #tpu.memory_space<vmem>>[vector<16xi32>], vector<16xf32>,
      %add3A_118 = arith.constant 3 : i32
      %add3A_119 = arith.addi %mul3A_64, %add3A_118 : i32
      %mul3A_120 = arith.constant 33 : i32
      %mul3A_121 = arith.muli %add3A_119, %mul3A_120 : i32
      %add3A_122 = arith.constant 0 : i32
      %add3A_123 = arith.addi %mul3A_121, %add3A_122 : i32
      %add3A_124 = vector.broadcast %add3A_123 : i32 to vector<16xi32>
      %add3A_125 = arith.addi %iota3A, %add3A_124 : vector<16xi32>
      %gather3A_126 = tpu.vector_load_idx %arg6[%add3A_125] : memref<16896xf32, #tpu.memory_space<vmem>>[vector<16xi32>], vector<16xf32>,
      %add3A_127 = arith.constant 3 : i32
      %add3A_128 = arith.addi %mul3A_64, %add3A_127 : i32
      %mul3A_129 = arith.constant 33 : i32
      %mul3A_130 = arith.muli %add3A_128, %mul3A_129 : i32
      %add3A_131 = arith.constant 16 : i32
      %add3A_132 = arith.addi %mul3A_130, %add3A_131 : i32
      %add3A_133 = vector.broadcast %add3A_132 : i32 to vector<16xi32>
      %add3A_134 = arith.addi %iota3A, %add3A_133 : vector<16xi32>
      %gather3A_135 = tpu.vector_load_idx %arg6[%add3A_134] : memref<16896xf32, #tpu.memory_space<vmem>>[vector<16xi32>], vector<16xf32>,
      %add3A_136 = arith.constant 0 : i32
      %add3A_137 = arith.addi %mul3A_64, %add3A_136 : i32
      %mul3A_138 = arith.constant 32 : i32
      %mul3A_139 = arith.muli %add3A_137, %mul3A_138 : i32
      %add3A_140 = arith.constant 0 : i32
      %add3A_141 = arith.addi %mul3A_139, %add3A_140 : i32
      %swap3A = arith.index_cast %add3A_141 : i32 to index
      %swap3A_142 = tpu.vector_load %arg7[%swap3A] {strides = array<i32>} : memref<16384xf32, #tpu.memory_space<vmem>>, vector<16xf32>,
      tpu.vector_store %arg7[%swap3A], %gather3A {strides = array<i32>} : memref<16384xf32, #tpu.memory_space<vmem>>, vector<16xf32>,
      %add3A_143 = arith.constant 0 : i32
      %add3A_144 = arith.addi %mul3A_64, %add3A_143 : i32
      %mul3A_145 = arith.constant 32 : i32
      %mul3A_146 = arith.muli %add3A_144, %mul3A_145 : i32
      %add3A_147 = arith.constant 16 : i32
      %add3A_148 = arith.addi %mul3A_146, %add3A_147 : i32
      %swap3A_149 = arith.index_cast %add3A_148 : i32 to index
      %swap3A_150 = tpu.vector_load %arg7[%swap3A_149] {strides = array<i32>} : memref<16384xf32, #tpu.memory_space<vmem>>, vector<16xf32>,
      tpu.vector_store %arg7[%swap3A_149], %gather3A_81 {strides = array<i32>} : memref<16384xf32, #tpu.memory_space<vmem>>, vector<16xf32>,
      %add3A_151 = arith.constant 1 : i32
      %add3A_152 = arith.addi %mul3A_64, %add3A_151 : i32
      %mul3A_153 = arith.constant 32 : i32
      %mul3A_154 = arith.muli %add3A_152, %mul3A_153 : i32
      %add3A_155 = arith.constant 0 : i32
      %add3A_156 = arith.addi %mul3A_154, %add3A_155 : i32
      %swap3A_157 = arith.index_cast %add3A_156 : i32 to index
      %swap3A_158 = tpu.vector_load %arg7[%swap3A_157] {strides = array<i32>} : memref<16384xf32, #tpu.memory_space<vmem>>, vector<16xf32>,
      tpu.vector_store %arg7[%swap3A_157], %gather3A_90 {strides = array<i32>} : memref<16384xf32, #tpu.memory_space<vmem>>, vector<16xf32>,
      %add3A_159 = arith.constant 1 : i32
      %add3A_160 = arith.addi %mul3A_64, %add3A_159 : i32
      %mul3A_161 = arith.constant 32 : i32
      %mul3A_162 = arith.muli %add3A_160, %mul3A_161 : i32
      %add3A_163 = arith.constant 16 : i32
      %add3A_164 = arith.addi %mul3A_162, %add3A_163 : i32
      %swap3A_165 = arith.index_cast %add3A_164 : i32 to index
      %swap3A_166 = tpu.vector_load %arg7[%swap3A_165] {strides = array<i32>} : memref<16384xf32, #tpu.memory_space<vmem>>, vector<16xf32>,
      tpu.vector_store %arg7[%swap3A_165], %gather3A_99 {strides = array<i32>} : memref<16384xf32, #tpu.memory_space<vmem>>, vector<16xf32>,
      %add3A_167 = arith.constant 2 : i32
      %add3A_168 = arith.addi %mul3A_64, %add3A_167 : i32
      %mul3A_169 = arith.constant 32 : i32
      %mul3A_170 = arith.muli %add3A_168, %mul3A_169 : i32
      %add3A_171 = arith.constant 0 : i32
      %add3A_172 = arith.addi %mul3A_170, %add3A_171 : i32
      %swap3A_173 = arith.index_cast %add3A_172 : i32 to index
      %swap3A_174 = tpu.vector_load %arg7[%swap3A_173] {strides = array<i32>} : memref<16384xf32, #tpu.memory_space<vmem>>, vector<16xf32>,
      tpu.vector_store %arg7[%swap3A_173], %gather3A_108 {strides = array<i32>} : memref<16384xf32, #tpu.memory_space<vmem>>, vector<16xf32>,
      %add3A_175 = arith.constant 2 : i32
      %add3A_176 = arith.addi %mul3A_64, %add3A_175 : i32
      %mul3A_177 = arith.constant 32 : i32
      %mul3A_178 = arith.muli %add3A_176, %mul3A_177 : i32
      %add3A_179 = arith.constant 16 : i32
      %add3A_180 = arith.addi %mul3A_178, %add3A_179 : i32
      %swap3A_181 = arith.index_cast %add3A_180 : i32 to index
      %swap3A_182 = tpu.vector_load %arg7[%swap3A_181] {strides = array<i32>} : memref<16384xf32, #tpu.memory_space<vmem>>, vector<16xf32>,
      tpu.vector_store %arg7[%swap3A_181], %gather3A_117 {strides = array<i32>} : memref<16384xf32, #tpu.memory_space<vmem>>, vector<16xf32>,
      %add3A_183 = arith.constant 3 : i32
      %add3A_184 = arith.addi %mul3A_64, %add3A_183 : i32
      %mul3A_185 = arith.constant 32 : i32
      %mul3A_186 = arith.muli %add3A_184, %mul3A_185 : i32
      %add3A_187 = arith.constant 0 : i32
      %add3A_188 = arith.addi %mul3A_186, %add3A_187 : i32
      %swap3A_189 = arith.index_cast %add3A_188 : i32 to index
      %swap3A_190 = tpu.vector_load %arg7[%swap3A_189] {strides = array<i32>} : memref<16384xf32, #tpu.memory_space<vmem>>, vector<16xf32>,
      tpu.vector_store %arg7[%swap3A_189], %gather3A_126 {strides = array<i32>} : memref<16384xf32, #tpu.memory_space<vmem>>, vector<16xf32>,
      %add3A_191 = arith.constant 3 : i32
      %add3A_192 = arith.addi %mul3A_64, %add3A_191 : i32
      %mul3A_193 = arith.constant 32 : i32
      %mul3A_194 = arith.muli %add3A_192, %mul3A_193 : i32
      %add3A_195 = arith.constant 16 : i32
      %add3A_196 = arith.addi %mul3A_194, %add3A_195 : i32
      %swap3A_197 = arith.index_cast %add3A_196 : i32 to index
      %swap3A_198 = tpu.vector_load %arg7[%swap3A_197] {strides = array<i32>} : memref<16384xf32, #tpu.memory_space<vmem>>, vector<16xf32>,
      tpu.vector_store %arg7[%swap3A_197], %gather3A_135 {strides = array<i32>} : memref<16384xf32, #tpu.memory_space<vmem>>, vector<16xf32>,
      %scan3A_199 = arith.constant 0 : i32
      scf.yield %scan3A_199 : i32
    }
    %scan3A_39 = arith.constant 128 : i32
    %add3A_40 = arith.constant 1920 : i32
    %add3A_41 = arith.addi %add3A, %add3A_40 : i32
    %mul3A_42 = arith.constant 16384 : i32
    %mul3A_43 = arith.muli %add3A_41, %mul3A_42 : i32
    %dma_start3A_44 = tpu.memref_slice %arg3[%mul3A_43] : memref<32000000xf32, #tpu.memory_space<hbm>> -> memref<16384xf32, #tpu.memory_space<hbm>>
    %dma_start3A_45 = tpu.memref_slice %arg3[%mul3A_43] : memref<32000000xf32, #tpu.memory_space<hbm>> -> memref<16384xf32, #tpu.memory_space<hbm>>
    tpu.enqueue_dma source(%arg7 : memref<16384xf32, #tpu.memory_space<vmem>>) target(%dma_start3A_45 : memref<16384xf32, #tpu.memory_space<hbm>>) target_semaphore(%arg12 : memref<!tpu.dma_semaphore, #tpu.memory_space<semaphore_mem>>)
    %dma_wait3A_46 = arith.constant 0 : i32
    %dma_wait3A_47 = tpu.memref_slice %arg3[%dma_wait3A_46] : memref<32000000xf32, #tpu.memory_space<hbm>> -> memref<16384xf32, #tpu.memory_space<hbm>>
    %dma_wait3A_48 = arith.constant 0 : i32
    %dma_wait3A_49 = tpu.memref_slice %arg3[%dma_wait3A_48] : memref<32000000xf32, #tpu.memory_space<hbm>> -> memref<16384xf32, #tpu.memory_space<hbm>>
    tpu.wait_dma2 semaphore(%arg12 : memref<!tpu.dma_semaphore, #tpu.memory_space<semaphore_mem>>) src(%arg7 : memref<16384xf32, #tpu.memory_space<vmem>>) dst(%dma_wait3A_49 : memref<16384xf32, #tpu.memory_space<hbm>>)
    %dma_wait3A_50 = arith.constant 0 : i32
    %dma_wait3A_51 = tpu.memref_slice %arg3[%dma_wait3A_50] : memref<32000000xf32, #tpu.memory_space<hbm>> -> memref<16384xf32, #tpu.memory_space<hbm>>
    %dma_wait3A_52 = arith.constant 0 : i32
    %dma_wait3A_53 = tpu.memref_slice %arg3[%dma_wait3A_52] : memref<32000000xf32, #tpu.memory_space<hbm>> -> memref<16384xf32, #tpu.memory_space<hbm>>
    tpu.wait_dma2 semaphore(%arg13 : memref<!tpu.dma_semaphore, #tpu.memory_space<semaphore_mem>>) src(%arg8 : memref<16384xf32, #tpu.memory_space<vmem>>) dst(%dma_wait3A_53 : memref<16384xf32, #tpu.memory_space<hbm>>)
    %eq3A = arith.constant 0 : i32
    %eq3A_54 = arith.cmpi eq, %add3A, %eq3A : i32
    %convert_element_type3A = arith.extui %eq3A_54 : i1 to i32
    %cond3A = arith.constant 0 : i32
    %cond3A_55 = arith.cmpi ne, %convert_element_type3A, %cond3A : i32
    scf.if %cond3A_55 {
      "tpu.region"() ({
        %run_scoped3A = tpu.sem_alloc : memref<!tpu.dma_semaphore, #tpu.memory_space<semaphore_mem>>
        %dma_start3A_75 = arith.constant 0 : i32
        %dma_start3A_76 = arith.constant 999424 : i32
        %dma_start3A_77 = tpu.memref_slice %arg2[%dma_start3A_75, %dma_start3A_76] : memref<32x1000000xf32, #tpu.memory_space<hbm>> -> memref<32x512xf32, #tpu.memory_space<hbm>>
        %dma_start3A_78 = arith.constant 0 : i32
        %dma_start3A_79 = arith.constant 999424 : i32
        %dma_start3A_80 = tpu.memref_slice %arg2[%dma_start3A_78, %dma_start3A_79] : memref<32x1000000xf32, #tpu.memory_space<hbm>> -> memref<32x512xf32, #tpu.memory_space<hbm>>
        tpu.enqueue_dma source(%dma_start3A_80 : memref<32x512xf32, #tpu.memory_space<hbm>>) target(%arg4 : memref<32x512xf32, #tpu.memory_space<vmem>>) target_semaphore(%run_scoped3A : memref<!tpu.dma_semaphore, #tpu.memory_space<semaphore_mem>>)
        %dma_wait3A_81 = arith.constant 0 : i32
        %dma_wait3A_82 = arith.constant 999424 : i32
        %dma_wait3A_83 = tpu.memref_slice %arg2[%dma_wait3A_81, %dma_wait3A_82] : memref<32x1000000xf32, #tpu.memory_space<hbm>> -> memref<32x512xf32, #tpu.memory_space<hbm>>
        %dma_wait3A_84 = arith.constant 0 : i32
        %dma_wait3A_85 = arith.constant 999424 : i32
        %dma_wait3A_86 = tpu.memref_slice %arg2[%dma_wait3A_84, %dma_wait3A_85] : memref<32x1000000xf32, #tpu.memory_space<hbm>> -> memref<32x512xf32, #tpu.memory_space<hbm>>
        tpu.wait_dma2 semaphore(%run_scoped3A : memref<!tpu.dma_semaphore, #tpu.memory_space<semaphore_mem>>) src(%dma_wait3A_86 : memref<32x512xf32, #tpu.memory_space<hbm>>) dst(%arg4 : memref<32x512xf32, #tpu.memory_space<vmem>>)
        tpu.yield
      }) : () -> ()
      %scan3A_61 = arith.constant 0 : i32
      %scan3A_62 = arith.constant 0 : i32
      %scan3A_63 = arith.constant 32 : i32
      %scan3A_64 = arith.addi %scan3A_62, %scan3A_63 : i32
      %scan3A_65 = arith.constant 1 : i32
      %scan3A_66 = scf.for %scan3A_75 = %scan3A_62 to %scan3A_64 step %scan3A_65 iter_args(%scan3A_76 = %scan3A_61) -> (i32)  : i32 {
        %get3A = arith.index_cast %scan3A_75 : i32 to index
        %get3A_77 = arith.constant 0 : index
        %get3A_78 = tpu.vector_load %arg4[%get3A, %get3A_77] {strides = array<i32>} : memref<32x512xf32, #tpu.memory_space<vmem>>, vector<16xf32>,
        %get3A_79 = arith.index_cast %scan3A_75 : i32 to index
        %get3A_80 = arith.constant 16 : index
        %get3A_81 = tpu.vector_load %arg4[%get3A_79, %get3A_80] {strides = array<i32>} : memref<32x512xf32, #tpu.memory_space<vmem>>, vector<16xf32>,
        %get3A_82 = arith.index_cast %scan3A_75 : i32 to index
        %get3A_83 = arith.constant 32 : index
        %get3A_84 = tpu.vector_load %arg4[%get3A_82, %get3A_83] {strides = array<i32>} : memref<32x512xf32, #tpu.memory_space<vmem>>, vector<16xf32>,
        %get3A_85 = arith.index_cast %scan3A_75 : i32 to index
        %get3A_86 = arith.constant 48 : index
        %get3A_87 = tpu.vector_load %arg4[%get3A_85, %get3A_86] {strides = array<i32>} : memref<32x512xf32, #tpu.memory_space<vmem>>, vector<16xf32>,
        %get3A_88 = arith.index_cast %scan3A_75 : i32 to index
        %get3A_89 = arith.constant 64 : index
        %get3A_90 = tpu.vector_load %arg4[%get3A_88, %get3A_89] {strides = array<i32>} : memref<32x512xf32, #tpu.memory_space<vmem>>, vector<16xf32>,
        %get3A_91 = arith.index_cast %scan3A_75 : i32 to index
        %get3A_92 = arith.constant 80 : index
        %get3A_93 = tpu.vector_load %arg4[%get3A_91, %get3A_92] {strides = array<i32>} : memref<32x512xf32, #tpu.memory_space<vmem>>, vector<16xf32>,
        %get3A_94 = arith.index_cast %scan3A_75 : i32 to index
        %get3A_95 = arith.constant 96 : index
        %get3A_96 = tpu.vector_load %arg4[%get3A_94, %get3A_95] {strides = array<i32>} : memref<32x512xf32, #tpu.memory_space<vmem>>, vector<16xf32>,
        %get3A_97 = arith.index_cast %scan3A_75 : i32 to index
        %get3A_98 = arith.constant 112 : index
        %get3A_99 = tpu.vector_load %arg4[%get3A_97, %get3A_98] {strides = array<i32>} : memref<32x512xf32, #tpu.memory_space<vmem>>, vector<16xf32>,
        %add3A_100 = arith.constant 0 : i32
        %add3A_101 = arith.addi %add3A_100, %scan3A_75 : i32
        %add3A_102 = vector.broadcast %add3A_101 : i32 to vector<16xi32>
        %add3A_103 = arith.addi %mul3A_3, %add3A_102 : vector<16xi32>
        tpu.vector_store_idx %arg6[%add3A_103], %get3A_78 : memref<16896xf32, #tpu.memory_space<vmem>>[vector<16xi32>], vector<16xf32>,
        %add3A_104 = arith.constant 528 : i32
        %add3A_105 = arith.addi %add3A_104, %scan3A_75 : i32
        %add3A_106 = vector.broadcast %add3A_105 : i32 to vector<16xi32>
        %add3A_107 = arith.addi %mul3A_3, %add3A_106 : vector<16xi32>
        tpu.vector_store_idx %arg6[%add3A_107], %get3A_81 : memref<16896xf32, #tpu.memory_space<vmem>>[vector<16xi32>], vector<16xf32>,
        %add3A_108 = arith.constant 1056 : i32
        %add3A_109 = arith.addi %add3A_108, %scan3A_75 : i32
        %add3A_110 = vector.broadcast %add3A_109 : i32 to vector<16xi32>
        %add3A_111 = arith.addi %mul3A_3, %add3A_110 : vector<16xi32>
        tpu.vector_store_idx %arg6[%add3A_111], %get3A_84 : memref<16896xf32, #tpu.memory_space<vmem>>[vector<16xi32>], vector<16xf32>,
        %add3A_112 = arith.constant 1584 : i32
        %add3A_113 = arith.addi %add3A_112, %scan3A_75 : i32
        %add3A_114 = vector.broadcast %add3A_113 : i32 to vector<16xi32>
        %add3A_115 = arith.addi %mul3A_3, %add3A_114 : vector<16xi32>
        tpu.vector_store_idx %arg6[%add3A_115], %get3A_87 : memref<16896xf32, #tpu.memory_space<vmem>>[vector<16xi32>], vector<16xf32>,
        %add3A_116 = arith.constant 2112 : i32
        %add3A_117 = arith.addi %add3A_116, %scan3A_75 : i32
        %add3A_118 = vector.broadcast %add3A_117 : i32 to vector<16xi32>
        %add3A_119 = arith.addi %mul3A_3, %add3A_118 : vector<16xi32>
        tpu.vector_store_idx %arg6[%add3A_119], %get3A_90 : memref<16896xf32, #tpu.memory_space<vmem>>[vector<16xi32>], vector<16xf32>,
        %add3A_120 = arith.constant 2640 : i32
        %add3A_121 = arith.addi %add3A_120, %scan3A_75 : i32
        %add3A_122 = vector.broadcast %add3A_121 : i32 to vector<16xi32>
        %add3A_123 = arith.addi %mul3A_3, %add3A_122 : vector<16xi32>
        tpu.vector_store_idx %arg6[%add3A_123], %get3A_93 : memref<16896xf32, #tpu.memory_space<vmem>>[vector<16xi32>], vector<16xf32>,
        %add3A_124 = arith.constant 3168 : i32
        %add3A_125 = arith.addi %add3A_124, %scan3A_75 : i32
        %add3A_126 = vector.broadcast %add3A_125 : i32 to vector<16xi32>
        %add3A_127 = arith.addi %mul3A_3, %add3A_126 : vector<16xi32>
        tpu.vector_store_idx %arg6[%add3A_127], %get3A_96 : memref<16896xf32, #tpu.memory_space<vmem>>[vector<16xi32>], vector<16xf32>,
        %add3A_128 = arith.constant 3696 : i32
        %add3A_129 = arith.addi %add3A_128, %scan3A_75 : i32
        %add3A_130 = vector.broadcast %add3A_129 : i32 to vector<16xi32>
        %add3A_131 = arith.addi %mul3A_3, %add3A_130 : vector<16xi32>
        tpu.vector_store_idx %arg6[%add3A_131], %get3A_99 : memref<16896xf32, #tpu.memory_space<vmem>>[vector<16xi32>], vector<16xf32>,
        %get3A_132 = arith.index_cast %scan3A_75 : i32 to index
        %get3A_133 = arith.constant 128 : index
        %get3A_134 = tpu.vector_load %arg4[%get3A_132, %get3A_133] {strides = array<i32>} : memref<32x512xf32, #tpu.memory_space<vmem>>, vector<16xf32>,
        %get3A_135 = arith.index_cast %scan3A_75 : i32 to index
        %get3A_136 = arith.constant 144 : index
        %get3A_137 = tpu.vector_load %arg4[%get3A_135, %get3A_136] {strides = array<i32>} : memref<32x512xf32, #tpu.memory_space<vmem>>, vector<16xf32>,
        %get3A_138 = arith.index_cast %scan3A_75 : i32 to index
        %get3A_139 = arith.constant 160 : index
        %get3A_140 = tpu.vector_load %arg4[%get3A_138, %get3A_139] {strides = array<i32>} : memref<32x512xf32, #tpu.memory_space<vmem>>, vector<16xf32>,
        %get3A_141 = arith.index_cast %scan3A_75 : i32 to index
        %get3A_142 = arith.constant 176 : index
        %get3A_143 = tpu.vector_load %arg4[%get3A_141, %get3A_142] {strides = array<i32>} : memref<32x512xf32, #tpu.memory_space<vmem>>, vector<16xf32>,
        %get3A_144 = arith.index_cast %scan3A_75 : i32 to index
        %get3A_145 = arith.constant 192 : index
        %get3A_146 = tpu.vector_load %arg4[%get3A_144, %get3A_145] {strides = array<i32>} : memref<32x512xf32, #tpu.memory_space<vmem>>, vector<16xf32>,
        %get3A_147 = arith.index_cast %scan3A_75 : i32 to index
        %get3A_148 = arith.constant 208 : index
        %get3A_149 = tpu.vector_load %arg4[%get3A_147, %get3A_148] {strides = array<i32>} : memref<32x512xf32, #tpu.memory_space<vmem>>, vector<16xf32>,
        %get3A_150 = arith.index_cast %scan3A_75 : i32 to index
        %get3A_151 = arith.constant 224 : index
        %get3A_152 = tpu.vector_load %arg4[%get3A_150, %get3A_151] {strides = array<i32>} : memref<32x512xf32, #tpu.memory_space<vmem>>, vector<16xf32>,
        %get3A_153 = arith.index_cast %scan3A_75 : i32 to index
        %get3A_154 = arith.constant 240 : index
        %get3A_155 = tpu.vector_load %arg4[%get3A_153, %get3A_154] {strides = array<i32>} : memref<32x512xf32, #tpu.memory_space<vmem>>, vector<16xf32>,
        %add3A_156 = arith.constant 4224 : i32
        %add3A_157 = arith.addi %add3A_156, %scan3A_75 : i32
        %add3A_158 = vector.broadcast %add3A_157 : i32 to vector<16xi32>
        %add3A_159 = arith.addi %mul3A_3, %add3A_158 : vector<16xi32>
        tpu.vector_store_idx %arg6[%add3A_159], %get3A_134 : memref<16896xf32, #tpu.memory_space<vmem>>[vector<16xi32>], vector<16xf32>,
        %add3A_160 = arith.constant 4752 : i32
        %add3A_161 = arith.addi %add3A_160, %scan3A_75 : i32
        %add3A_162 = vector.broadcast %add3A_161 : i32 to vector<16xi32>
        %add3A_163 = arith.addi %mul3A_3, %add3A_162 : vector<16xi32>
        tpu.vector_store_idx %arg6[%add3A_163], %get3A_137 : memref<16896xf32, #tpu.memory_space<vmem>>[vector<16xi32>], vector<16xf32>,
        %add3A_164 = arith.constant 5280 : i32
        %add3A_165 = arith.addi %add3A_164, %scan3A_75 : i32
        %add3A_166 = vector.broadcast %add3A_165 : i32 to vector<16xi32>
        %add3A_167 = arith.addi %mul3A_3, %add3A_166 : vector<16xi32>
        tpu.vector_store_idx %arg6[%add3A_167], %get3A_140 : memref<16896xf32, #tpu.memory_space<vmem>>[vector<16xi32>], vector<16xf32>,
        %add3A_168 = arith.constant 5808 : i32
        %add3A_169 = arith.addi %add3A_168, %scan3A_75 : i32
        %add3A_170 = vector.broadcast %add3A_169 : i32 to vector<16xi32>
        %add3A_171 = arith.addi %mul3A_3, %add3A_170 : vector<16xi32>
        tpu.vector_store_idx %arg6[%add3A_171], %get3A_143 : memref<16896xf32, #tpu.memory_space<vmem>>[vector<16xi32>], vector<16xf32>,
        %add3A_172 = arith.constant 6336 : i32
        %add3A_173 = arith.addi %add3A_172, %scan3A_75 : i32
        %add3A_174 = vector.broadcast %add3A_173 : i32 to vector<16xi32>
        %add3A_175 = arith.addi %mul3A_3, %add3A_174 : vector<16xi32>
        tpu.vector_store_idx %arg6[%add3A_175], %get3A_146 : memref<16896xf32, #tpu.memory_space<vmem>>[vector<16xi32>], vector<16xf32>,
        %add3A_176 = arith.constant 6864 : i32
        %add3A_177 = arith.addi %add3A_176, %scan3A_75 : i32
        %add3A_178 = vector.broadcast %add3A_177 : i32 to vector<16xi32>
        %add3A_179 = arith.addi %mul3A_3, %add3A_178 : vector<16xi32>
        tpu.vector_store_idx %arg6[%add3A_179], %get3A_149 : memref<16896xf32, #tpu.memory_space<vmem>>[vector<16xi32>], vector<16xf32>,
        %add3A_180 = arith.constant 7392 : i32
        %add3A_181 = arith.addi %add3A_180, %scan3A_75 : i32
        %add3A_182 = vector.broadcast %add3A_181 : i32 to vector<16xi32>
        %add3A_183 = arith.addi %mul3A_3, %add3A_182 : vector<16xi32>
        tpu.vector_store_idx %arg6[%add3A_183], %get3A_152 : memref<16896xf32, #tpu.memory_space<vmem>>[vector<16xi32>], vector<16xf32>,
        %add3A_184 = arith.constant 7920 : i32
        %add3A_185 = arith.addi %add3A_184, %scan3A_75 : i32
        %add3A_186 = vector.broadcast %add3A_185 : i32 to vector<16xi32>
        %add3A_187 = arith.addi %mul3A_3, %add3A_186 : vector<16xi32>
        tpu.vector_store_idx %arg6[%add3A_187], %get3A_155 : memref<16896xf32, #tpu.memory_space<vmem>>[vector<16xi32>], vector<16xf32>,
        %get3A_188 = arith.index_cast %scan3A_75 : i32 to index
        %get3A_189 = arith.constant 256 : index
        %get3A_190 = tpu.vector_load %arg4[%get3A_188, %get3A_189] {strides = array<i32>} : memref<32x512xf32, #tpu.memory_space<vmem>>, vector<16xf32>,
        %get3A_191 = arith.index_cast %scan3A_75 : i32 to index
        %get3A_192 = arith.constant 272 : index
        %get3A_193 = tpu.vector_load %arg4[%get3A_191, %get3A_192] {strides = array<i32>} : memref<32x512xf32, #tpu.memory_space<vmem>>, vector<16xf32>,
        %get3A_194 = arith.index_cast %scan3A_75 : i32 to index
        %get3A_195 = arith.constant 288 : index
        %get3A_196 = tpu.vector_load %arg4[%get3A_194, %get3A_195] {strides = array<i32>} : memref<32x512xf32, #tpu.memory_space<vmem>>, vector<16xf32>,
        %get3A_197 = arith.index_cast %scan3A_75 : i32 to index
        %get3A_198 = arith.constant 304 : index
        %get3A_199 = tpu.vector_load %arg4[%get3A_197, %get3A_198] {strides = array<i32>} : memref<32x512xf32, #tpu.memory_space<vmem>>, vector<16xf32>,
        %get3A_200 = arith.index_cast %scan3A_75 : i32 to index
        %get3A_201 = arith.constant 320 : index
        %get3A_202 = tpu.vector_load %arg4[%get3A_200, %get3A_201] {strides = array<i32>} : memref<32x512xf32, #tpu.memory_space<vmem>>, vector<16xf32>,
        %get3A_203 = arith.index_cast %scan3A_75 : i32 to index
        %get3A_204 = arith.constant 336 : index
        %get3A_205 = tpu.vector_load %arg4[%get3A_203, %get3A_204] {strides = array<i32>} : memref<32x512xf32, #tpu.memory_space<vmem>>, vector<16xf32>,
        %get3A_206 = arith.index_cast %scan3A_75 : i32 to index
        %get3A_207 = arith.constant 352 : index
        %get3A_208 = tpu.vector_load %arg4[%get3A_206, %get3A_207] {strides = array<i32>} : memref<32x512xf32, #tpu.memory_space<vmem>>, vector<16xf32>,
        %get3A_209 = arith.index_cast %scan3A_75 : i32 to index
        %get3A_210 = arith.constant 368 : index
        %get3A_211 = tpu.vector_load %arg4[%get3A_209, %get3A_210] {strides = array<i32>} : memref<32x512xf32, #tpu.memory_space<vmem>>, vector<16xf32>,
        %add3A_212 = arith.constant 8448 : i32
        %add3A_213 = arith.addi %add3A_212, %scan3A_75 : i32
        %add3A_214 = vector.broadcast %add3A_213 : i32 to vector<16xi32>
        %add3A_215 = arith.addi %mul3A_3, %add3A_214 : vector<16xi32>
        tpu.vector_store_idx %arg6[%add3A_215], %get3A_190 : memref<16896xf32, #tpu.memory_space<vmem>>[vector<16xi32>], vector<16xf32>,
        %add3A_216 = arith.constant 8976 : i32
        %add3A_217 = arith.addi %add3A_216, %scan3A_75 : i32
        %add3A_218 = vector.broadcast %add3A_217 : i32 to vector<16xi32>
        %add3A_219 = arith.addi %mul3A_3, %add3A_218 : vector<16xi32>
        tpu.vector_store_idx %arg6[%add3A_219], %get3A_193 : memref<16896xf32, #tpu.memory_space<vmem>>[vector<16xi32>], vector<16xf32>,
        %add3A_220 = arith.constant 9504 : i32
        %add3A_221 = arith.addi %add3A_220, %scan3A_75 : i32
        %add3A_222 = vector.broadcast %add3A_221 : i32 to vector<16xi32>
        %add3A_223 = arith.addi %mul3A_3, %add3A_222 : vector<16xi32>
        tpu.vector_store_idx %arg6[%add3A_223], %get3A_196 : memref<16896xf32, #tpu.memory_space<vmem>>[vector<16xi32>], vector<16xf32>,
        %add3A_224 = arith.constant 10032 : i32
        %add3A_225 = arith.addi %add3A_224, %scan3A_75 : i32
        %add3A_226 = vector.broadcast %add3A_225 : i32 to vector<16xi32>
        %add3A_227 = arith.addi %mul3A_3, %add3A_226 : vector<16xi32>
        tpu.vector_store_idx %arg6[%add3A_227], %get3A_199 : memref<16896xf32, #tpu.memory_space<vmem>>[vector<16xi32>], vector<16xf32>,
        %add3A_228 = arith.constant 10560 : i32
        %add3A_229 = arith.addi %add3A_228, %scan3A_75 : i32
        %add3A_230 = vector.broadcast %add3A_229 : i32 to vector<16xi32>
        %add3A_231 = arith.addi %mul3A_3, %add3A_230 : vector<16xi32>
        tpu.vector_store_idx %arg6[%add3A_231], %get3A_202 : memref<16896xf32, #tpu.memory_space<vmem>>[vector<16xi32>], vector<16xf32>,
        %add3A_232 = arith.constant 11088 : i32
        %add3A_233 = arith.addi %add3A_232, %scan3A_75 : i32
        %add3A_234 = vector.broadcast %add3A_233 : i32 to vector<16xi32>
        %add3A_235 = arith.addi %mul3A_3, %add3A_234 : vector<16xi32>
        tpu.vector_store_idx %arg6[%add3A_235], %get3A_205 : memref<16896xf32, #tpu.memory_space<vmem>>[vector<16xi32>], vector<16xf32>,
        %add3A_236 = arith.constant 11616 : i32
        %add3A_237 = arith.addi %add3A_236, %scan3A_75 : i32
        %add3A_238 = vector.broadcast %add3A_237 : i32 to vector<16xi32>
        %add3A_239 = arith.addi %mul3A_3, %add3A_238 : vector<16xi32>
        tpu.vector_store_idx %arg6[%add3A_239], %get3A_208 : memref<16896xf32, #tpu.memory_space<vmem>>[vector<16xi32>], vector<16xf32>,
        %add3A_240 = arith.constant 12144 : i32
        %add3A_241 = arith.addi %add3A_240, %scan3A_75 : i32
        %add3A_242 = vector.broadcast %add3A_241 : i32 to vector<16xi32>
        %add3A_243 = arith.addi %mul3A_3, %add3A_242 : vector<16xi32>
        tpu.vector_store_idx %arg6[%add3A_243], %get3A_211 : memref<16896xf32, #tpu.memory_space<vmem>>[vector<16xi32>], vector<16xf32>,
        %get3A_244 = arith.index_cast %scan3A_75 : i32 to index
        %get3A_245 = arith.constant 384 : index
        %get3A_246 = tpu.vector_load %arg4[%get3A_244, %get3A_245] {strides = array<i32>} : memref<32x512xf32, #tpu.memory_space<vmem>>, vector<16xf32>,
        %get3A_247 = arith.index_cast %scan3A_75 : i32 to index
        %get3A_248 = arith.constant 400 : index
        %get3A_249 = tpu.vector_load %arg4[%get3A_247, %get3A_248] {strides = array<i32>} : memref<32x512xf32, #tpu.memory_space<vmem>>, vector<16xf32>,
        %get3A_250 = arith.index_cast %scan3A_75 : i32 to index
        %get3A_251 = arith.constant 416 : index
        %get3A_252 = tpu.vector_load %arg4[%get3A_250, %get3A_251] {strides = array<i32>} : memref<32x512xf32, #tpu.memory_space<vmem>>, vector<16xf32>,
        %get3A_253 = arith.index_cast %scan3A_75 : i32 to index
        %get3A_254 = arith.constant 432 : index
        %get3A_255 = tpu.vector_load %arg4[%get3A_253, %get3A_254] {strides = array<i32>} : memref<32x512xf32, #tpu.memory_space<vmem>>, vector<16xf32>,
        %get3A_256 = arith.index_cast %scan3A_75 : i32 to index
        %get3A_257 = arith.constant 448 : index
        %get3A_258 = tpu.vector_load %arg4[%get3A_256, %get3A_257] {strides = array<i32>} : memref<32x512xf32, #tpu.memory_space<vmem>>, vector<16xf32>,
        %get3A_259 = arith.index_cast %scan3A_75 : i32 to index
        %get3A_260 = arith.constant 464 : index
        %get3A_261 = tpu.vector_load %arg4[%get3A_259, %get3A_260] {strides = array<i32>} : memref<32x512xf32, #tpu.memory_space<vmem>>, vector<16xf32>,
        %get3A_262 = arith.index_cast %scan3A_75 : i32 to index
        %get3A_263 = arith.constant 480 : index
        %get3A_264 = tpu.vector_load %arg4[%get3A_262, %get3A_263] {strides = array<i32>} : memref<32x512xf32, #tpu.memory_space<vmem>>, vector<16xf32>,
        %get3A_265 = arith.index_cast %scan3A_75 : i32 to index
        %get3A_266 = arith.constant 496 : index
        %get3A_267 = tpu.vector_load %arg4[%get3A_265, %get3A_266] {strides = array<i32>} : memref<32x512xf32, #tpu.memory_space<vmem>>, vector<16xf32>,
        %add3A_268 = arith.constant 12672 : i32
        %add3A_269 = arith.addi %add3A_268, %scan3A_75 : i32
        %add3A_270 = vector.broadcast %add3A_269 : i32 to vector<16xi32>
        %add3A_271 = arith.addi %mul3A_3, %add3A_270 : vector<16xi32>
        tpu.vector_store_idx %arg6[%add3A_271], %get3A_246 : memref<16896xf32, #tpu.memory_space<vmem>>[vector<16xi32>], vector<16xf32>,
        %add3A_272 = arith.constant 13200 : i32
        %add3A_273 = arith.addi %add3A_272, %scan3A_75 : i32
        %add3A_274 = vector.broadcast %add3A_273 : i32 to vector<16xi32>
        %add3A_275 = arith.addi %mul3A_3, %add3A_274 : vector<16xi32>
        tpu.vector_store_idx %arg6[%add3A_275], %get3A_249 : memref<16896xf32, #tpu.memory_space<vmem>>[vector<16xi32>], vector<16xf32>,
        %add3A_276 = arith.constant 13728 : i32
        %add3A_277 = arith.addi %add3A_276, %scan3A_75 : i32
        %add3A_278 = vector.broadcast %add3A_277 : i32 to vector<16xi32>
        %add3A_279 = arith.addi %mul3A_3, %add3A_278 : vector<16xi32>
        tpu.vector_store_idx %arg6[%add3A_279], %get3A_252 : memref<16896xf32, #tpu.memory_space<vmem>>[vector<16xi32>], vector<16xf32>,
        %add3A_280 = arith.constant 14256 : i32
        %add3A_281 = arith.addi %add3A_280, %scan3A_75 : i32
        %add3A_282 = vector.broadcast %add3A_281 : i32 to vector<16xi32>
        %add3A_283 = arith.addi %mul3A_3, %add3A_282 : vector<16xi32>
        tpu.vector_store_idx %arg6[%add3A_283], %get3A_255 : memref<16896xf32, #tpu.memory_space<vmem>>[vector<16xi32>], vector<16xf32>,
        %add3A_284 = arith.constant 14784 : i32
        %add3A_285 = arith.addi %add3A_284, %scan3A_75 : i32
        %add3A_286 = vector.broadcast %add3A_285 : i32 to vector<16xi32>
        %add3A_287 = arith.addi %mul3A_3, %add3A_286 : vector<16xi32>
        tpu.vector_store_idx %arg6[%add3A_287], %get3A_258 : memref<16896xf32, #tpu.memory_space<vmem>>[vector<16xi32>], vector<16xf32>,
        %add3A_288 = arith.constant 15312 : i32
        %add3A_289 = arith.addi %add3A_288, %scan3A_75 : i32
        %add3A_290 = vector.broadcast %add3A_289 : i32 to vector<16xi32>
        %add3A_291 = arith.addi %mul3A_3, %add3A_290 : vector<16xi32>
        tpu.vector_store_idx %arg6[%add3A_291], %get3A_261 : memref<16896xf32, #tpu.memory_space<vmem>>[vector<16xi32>], vector<16xf32>,
        %add3A_292 = arith.constant 15840 : i32
        %add3A_293 = arith.addi %add3A_292, %scan3A_75 : i32
        %add3A_294 = vector.broadcast %add3A_293 : i32 to vector<16xi32>
        %add3A_295 = arith.addi %mul3A_3, %add3A_294 : vector<16xi32>
        tpu.vector_store_idx %arg6[%add3A_295], %get3A_264 : memref<16896xf32, #tpu.memory_space<vmem>>[vector<16xi32>], vector<16xf32>,
        %add3A_296 = arith.constant 16368 : i32
        %add3A_297 = arith.addi %add3A_296, %scan3A_75 : i32
        %add3A_298 = vector.broadcast %add3A_297 : i32 to vector<16xi32>
        %add3A_299 = arith.addi %mul3A_3, %add3A_298 : vector<16xi32>
        tpu.vector_store_idx %arg6[%add3A_299], %get3A_267 : memref<16896xf32, #tpu.memory_space<vmem>>[vector<16xi32>], vector<16xf32>,
        %scan3A_300 = arith.constant 0 : i32
        scf.yield %scan3A_300 : i32
      }
      %scan3A_67 = arith.constant 32 : i32
      %scan3A_68 = arith.constant 0 : i32
      %scan3A_69 = arith.constant 0 : i32
      %scan3A_70 = arith.constant 128 : i32
      %scan3A_71 = arith.addi %scan3A_69, %scan3A_70 : i32
      %scan3A_72 = arith.constant 1 : i32
      %scan3A_73 = scf.for %scan3A_75 = %scan3A_69 to %scan3A_71 step %scan3A_72 iter_args(%scan3A_76 = %scan3A_68) -> (i32)  : i32 {
        %mul3A_77 = arith.constant 4 : i32
        %mul3A_78 = arith.muli %scan3A_75, %mul3A_77 : i32
        %add3A_79 = arith.constant 0 : i32
        %add3A_80 = arith.addi %mul3A_78, %add3A_79 : i32
        %mul3A_81 = arith.constant 33 : i32
        %mul3A_82 = arith.muli %add3A_80, %mul3A_81 : i32
        %add3A_83 = arith.constant 0 : i32
        %add3A_84 = arith.addi %mul3A_82, %add3A_83 : i32
        %add3A_85 = vector.broadcast %add3A_84 : i32 to vector<16xi32>
        %add3A_86 = arith.addi %iota3A, %add3A_85 : vector<16xi32>
        %gather3A = tpu.vector_load_idx %arg6[%add3A_86] : memref<16896xf32, #tpu.memory_space<vmem>>[vector<16xi32>], vector<16xf32>,
        %add3A_87 = arith.constant 0 : i32
        %add3A_88 = arith.addi %mul3A_78, %add3A_87 : i32
        %mul3A_89 = arith.constant 33 : i32
        %mul3A_90 = arith.muli %add3A_88, %mul3A_89 : i32
        %add3A_91 = arith.constant 16 : i32
        %add3A_92 = arith.addi %mul3A_90, %add3A_91 : i32
        %add3A_93 = vector.broadcast %add3A_92 : i32 to vector<16xi32>
        %add3A_94 = arith.addi %iota3A, %add3A_93 : vector<16xi32>
        %gather3A_95 = tpu.vector_load_idx %arg6[%add3A_94] : memref<16896xf32, #tpu.memory_space<vmem>>[vector<16xi32>], vector<16xf32>,
        %add3A_96 = arith.constant 1 : i32
        %add3A_97 = arith.addi %mul3A_78, %add3A_96 : i32
        %mul3A_98 = arith.constant 33 : i32
        %mul3A_99 = arith.muli %add3A_97, %mul3A_98 : i32
        %add3A_100 = arith.constant 0 : i32
        %add3A_101 = arith.addi %mul3A_99, %add3A_100 : i32
        %add3A_102 = vector.broadcast %add3A_101 : i32 to vector<16xi32>
        %add3A_103 = arith.addi %iota3A, %add3A_102 : vector<16xi32>
        %gather3A_104 = tpu.vector_load_idx %arg6[%add3A_103] : memref<16896xf32, #tpu.memory_space<vmem>>[vector<16xi32>], vector<16xf32>,
        %add3A_105 = arith.constant 1 : i32
        %add3A_106 = arith.addi %mul3A_78, %add3A_105 : i32
        %mul3A_107 = arith.constant 33 : i32
        %mul3A_108 = arith.muli %add3A_106, %mul3A_107 : i32
        %add3A_109 = arith.constant 16 : i32
        %add3A_110 = arith.addi %mul3A_108, %add3A_109 : i32
        %add3A_111 = vector.broadcast %add3A_110 : i32 to vector<16xi32>
        %add3A_112 = arith.addi %iota3A, %add3A_111 : vector<16xi32>
        %gather3A_113 = tpu.vector_load_idx %arg6[%add3A_112] : memref<16896xf32, #tpu.memory_space<vmem>>[vector<16xi32>], vector<16xf32>,
        %add3A_114 = arith.constant 2 : i32
        %add3A_115 = arith.addi %mul3A_78, %add3A_114 : i32
        %mul3A_116 = arith.constant 33 : i32
        %mul3A_117 = arith.muli %add3A_115, %mul3A_116 : i32
        %add3A_118 = arith.constant 0 : i32
        %add3A_119 = arith.addi %mul3A_117, %add3A_118 : i32
        %add3A_120 = vector.broadcast %add3A_119 : i32 to vector<16xi32>
        %add3A_121 = arith.addi %iota3A, %add3A_120 : vector<16xi32>
        %gather3A_122 = tpu.vector_load_idx %arg6[%add3A_121] : memref<16896xf32, #tpu.memory_space<vmem>>[vector<16xi32>], vector<16xf32>,
        %add3A_123 = arith.constant 2 : i32
        %add3A_124 = arith.addi %mul3A_78, %add3A_123 : i32
        %mul3A_125 = arith.constant 33 : i32
        %mul3A_126 = arith.muli %add3A_124, %mul3A_125 : i32
        %add3A_127 = arith.constant 16 : i32
        %add3A_128 = arith.addi %mul3A_126, %add3A_127 : i32
        %add3A_129 = vector.broadcast %add3A_128 : i32 to vector<16xi32>
        %add3A_130 = arith.addi %iota3A, %add3A_129 : vector<16xi32>
        %gather3A_131 = tpu.vector_load_idx %arg6[%add3A_130] : memref<16896xf32, #tpu.memory_space<vmem>>[vector<16xi32>], vector<16xf32>,
        %add3A_132 = arith.constant 3 : i32
        %add3A_133 = arith.addi %mul3A_78, %add3A_132 : i32
        %mul3A_134 = arith.constant 33 : i32
        %mul3A_135 = arith.muli %add3A_133, %mul3A_134 : i32
        %add3A_136 = arith.constant 0 : i32
        %add3A_137 = arith.addi %mul3A_135, %add3A_136 : i32
        %add3A_138 = vector.broadcast %add3A_137 : i32 to vector<16xi32>
        %add3A_139 = arith.addi %iota3A, %add3A_138 : vector<16xi32>
        %gather3A_140 = tpu.vector_load_idx %arg6[%add3A_139] : memref<16896xf32, #tpu.memory_space<vmem>>[vector<16xi32>], vector<16xf32>,
        %add3A_141 = arith.constant 3 : i32
        %add3A_142 = arith.addi %mul3A_78, %add3A_141 : i32
        %mul3A_143 = arith.constant 33 : i32
        %mul3A_144 = arith.muli %add3A_142, %mul3A_143 : i32
        %add3A_145 = arith.constant 16 : i32
        %add3A_146 = arith.addi %mul3A_144, %add3A_145 : i32
        %add3A_147 = vector.broadcast %add3A_146 : i32 to vector<16xi32>
        %add3A_148 = arith.addi %iota3A, %add3A_147 : vector<16xi32>
        %gather3A_149 = tpu.vector_load_idx %arg6[%add3A_148] : memref<16896xf32, #tpu.memory_space<vmem>>[vector<16xi32>], vector<16xf32>,
        %add3A_150 = arith.constant 0 : i32
        %add3A_151 = arith.addi %mul3A_78, %add3A_150 : i32
        %mul3A_152 = arith.constant 32 : i32
        %mul3A_153 = arith.muli %add3A_151, %mul3A_152 : i32
        %add3A_154 = arith.constant 0 : i32
        %add3A_155 = arith.addi %mul3A_153, %add3A_154 : i32
        %swap3A = arith.index_cast %add3A_155 : i32 to index
        %swap3A_156 = tpu.vector_load %arg7[%swap3A] {strides = array<i32>} : memref<16384xf32, #tpu.memory_space<vmem>>, vector<16xf32>,
        tpu.vector_store %arg7[%swap3A], %gather3A {strides = array<i32>} : memref<16384xf32, #tpu.memory_space<vmem>>, vector<16xf32>,
        %add3A_157 = arith.constant 0 : i32
        %add3A_158 = arith.addi %mul3A_78, %add3A_157 : i32
        %mul3A_159 = arith.constant 32 : i32
        %mul3A_160 = arith.muli %add3A_158, %mul3A_159 : i32
        %add3A_161 = arith.constant 16 : i32
        %add3A_162 = arith.addi %mul3A_160, %add3A_161 : i32
        %swap3A_163 = arith.index_cast %add3A_162 : i32 to index
        %swap3A_164 = tpu.vector_load %arg7[%swap3A_163] {strides = array<i32>} : memref<16384xf32, #tpu.memory_space<vmem>>, vector<16xf32>,
        tpu.vector_store %arg7[%swap3A_163], %gather3A_95 {strides = array<i32>} : memref<16384xf32, #tpu.memory_space<vmem>>, vector<16xf32>,
        %add3A_165 = arith.constant 1 : i32
        %add3A_166 = arith.addi %mul3A_78, %add3A_165 : i32
        %mul3A_167 = arith.constant 32 : i32
        %mul3A_168 = arith.muli %add3A_166, %mul3A_167 : i32
        %add3A_169 = arith.constant 0 : i32
        %add3A_170 = arith.addi %mul3A_168, %add3A_169 : i32
        %swap3A_171 = arith.index_cast %add3A_170 : i32 to index
        %swap3A_172 = tpu.vector_load %arg7[%swap3A_171] {strides = array<i32>} : memref<16384xf32, #tpu.memory_space<vmem>>, vector<16xf32>,
        tpu.vector_store %arg7[%swap3A_171], %gather3A_104 {strides = array<i32>} : memref<16384xf32, #tpu.memory_space<vmem>>, vector<16xf32>,
        %add3A_173 = arith.constant 1 : i32
        %add3A_174 = arith.addi %mul3A_78, %add3A_173 : i32
        %mul3A_175 = arith.constant 32 : i32
        %mul3A_176 = arith.muli %add3A_174, %mul3A_175 : i32
        %add3A_177 = arith.constant 16 : i32
        %add3A_178 = arith.addi %mul3A_176, %add3A_177 : i32
        %swap3A_179 = arith.index_cast %add3A_178 : i32 to index
        %swap3A_180 = tpu.vector_load %arg7[%swap3A_179] {strides = array<i32>} : memref<16384xf32, #tpu.memory_space<vmem>>, vector<16xf32>,
        tpu.vector_store %arg7[%swap3A_179], %gather3A_113 {strides = array<i32>} : memref<16384xf32, #tpu.memory_space<vmem>>, vector<16xf32>,
        %add3A_181 = arith.constant 2 : i32
        %add3A_182 = arith.addi %mul3A_78, %add3A_181 : i32
        %mul3A_183 = arith.constant 32 : i32
        %mul3A_184 = arith.muli %add3A_182, %mul3A_183 : i32
        %add3A_185 = arith.constant 0 : i32
        %add3A_186 = arith.addi %mul3A_184, %add3A_185 : i32
        %swap3A_187 = arith.index_cast %add3A_186 : i32 to index
        %swap3A_188 = tpu.vector_load %arg7[%swap3A_187] {strides = array<i32>} : memref<16384xf32, #tpu.memory_space<vmem>>, vector<16xf32>,
        tpu.vector_store %arg7[%swap3A_187], %gather3A_122 {strides = array<i32>} : memref<16384xf32, #tpu.memory_space<vmem>>, vector<16xf32>,
        %add3A_189 = arith.constant 2 : i32
        %add3A_190 = arith.addi %mul3A_78, %add3A_189 : i32
        %mul3A_191 = arith.constant 32 : i32
        %mul3A_192 = arith.muli %add3A_190, %mul3A_191 : i32
        %add3A_193 = arith.constant 16 : i32
        %add3A_194 = arith.addi %mul3A_192, %add3A_193 : i32
        %swap3A_195 = arith.index_cast %add3A_194 : i32 to index
        %swap3A_196 = tpu.vector_load %arg7[%swap3A_195] {strides = array<i32>} : memref<16384xf32, #tpu.memory_space<vmem>>, vector<16xf32>,
        tpu.vector_store %arg7[%swap3A_195], %gather3A_131 {strides = array<i32>} : memref<16384xf32, #tpu.memory_space<vmem>>, vector<16xf32>,
        %add3A_197 = arith.constant 3 : i32
        %add3A_198 = arith.addi %mul3A_78, %add3A_197 : i32
        %mul3A_199 = arith.constant 32 : i32
        %mul3A_200 = arith.muli %add3A_198, %mul3A_199 : i32
        %add3A_201 = arith.constant 0 : i32
        %add3A_202 = arith.addi %mul3A_200, %add3A_201 : i32
        %swap3A_203 = arith.index_cast %add3A_202 : i32 to index
        %swap3A_204 = tpu.vector_load %arg7[%swap3A_203] {strides = array<i32>} : memref<16384xf32, #tpu.memory_space<vmem>>, vector<16xf32>,
        tpu.vector_store %arg7[%swap3A_203], %gather3A_140 {strides = array<i32>} : memref<16384xf32, #tpu.memory_space<vmem>>, vector<16xf32>,
        %add3A_205 = arith.constant 3 : i32
        %add3A_206 = arith.addi %mul3A_78, %add3A_205 : i32
        %mul3A_207 = arith.constant 32 : i32
        %mul3A_208 = arith.muli %add3A_206, %mul3A_207 : i32
        %add3A_209 = arith.constant 16 : i32
        %add3A_210 = arith.addi %mul3A_208, %add3A_209 : i32
        %swap3A_211 = arith.index_cast %add3A_210 : i32 to index
        %swap3A_212 = tpu.vector_load %arg7[%swap3A_211] {strides = array<i32>} : memref<16384xf32, #tpu.memory_space<vmem>>, vector<16xf32>,
        tpu.vector_store %arg7[%swap3A_211], %gather3A_149 {strides = array<i32>} : memref<16384xf32, #tpu.memory_space<vmem>>, vector<16xf32>,
        %scan3A_213 = arith.constant 0 : i32
        scf.yield %scan3A_213 : i32
      }
      %scan3A_74 = arith.constant 128 : i32
      "tpu.region"() ({
        %run_scoped3A = tpu.sem_alloc : memref<!tpu.dma_semaphore, #tpu.memory_space<semaphore_mem>>
        %dma_start3A_75 = arith.constant 31981568 : i32
        %dma_start3A_76 = tpu.memref_slice %arg3[%dma_start3A_75] : memref<32000000xf32, #tpu.memory_space<hbm>> -> memref<16384xf32, #tpu.memory_space<hbm>>
        %dma_start3A_77 = arith.constant 31981568 : i32
        %dma_start3A_78 = tpu.memref_slice %arg3[%dma_start3A_77] : memref<32000000xf32, #tpu.memory_space<hbm>> -> memref<16384xf32, #tpu.memory_space<hbm>>
        tpu.enqueue_dma source(%arg7 : memref<16384xf32, #tpu.memory_space<vmem>>) target(%dma_start3A_78 : memref<16384xf32, #tpu.memory_space<hbm>>) target_semaphore(%run_scoped3A : memref<!tpu.dma_semaphore, #tpu.memory_space<semaphore_mem>>)
        %dma_wait3A_79 = arith.constant 31981568 : i32
        %dma_wait3A_80 = tpu.memref_slice %arg3[%dma_wait3A_79] : memref<32000000xf32, #tpu.memory_space<hbm>> -> memref<16384xf32, #tpu.memory_space<hbm>>
        %dma_wait3A_81 = arith.constant 31981568 : i32
        %dma_wait3A_82 = tpu.memref_slice %arg3[%dma_wait3A_81] : memref<32000000xf32, #tpu.memory_space<hbm>> -> memref<16384xf32, #tpu.memory_space<hbm>>
        tpu.wait_dma2 semaphore(%run_scoped3A : memref<!tpu.dma_semaphore, #tpu.memory_space<semaphore_mem>>) src(%arg7 : memref<16384xf32, #tpu.memory_space<vmem>>) dst(%dma_wait3A_82 : memref<16384xf32, #tpu.memory_space<hbm>>)
        tpu.yield
      }) : () -> ()
    } else {
    }
    %eq3A_56 = arith.constant 1 : i32
    %eq3A_57 = arith.cmpi eq, %add3A, %eq3A_56 : i32
    %convert_element_type3A_58 = arith.extui %eq3A_57 : i1 to i32
    %cond3A_59 = arith.constant 0 : i32
    %cond3A_60 = arith.cmpi ne, %convert_element_type3A_58, %cond3A_59 : i32
    scf.if %cond3A_60 {
      "tpu.region"() ({
        %run_scoped3A = tpu.sem_alloc : memref<!tpu.dma_semaphore, #tpu.memory_space<semaphore_mem>>
        %dma_start3A_75 = arith.constant 0 : i32
        %dma_start3A_76 = arith.constant 999936 : i32
        %dma_start3A_77 = tpu.memref_slice %arg2[%dma_start3A_75, %dma_start3A_76] : memref<32x1000000xf32, #tpu.memory_space<hbm>> -> memref<32x64xf32, #tpu.memory_space<hbm>>
        %dma_start3A_78 = arith.constant 0 : i32
        %dma_start3A_79 = arith.constant 999936 : i32
        %dma_start3A_80 = tpu.memref_slice %arg2[%dma_start3A_78, %dma_start3A_79] : memref<32x1000000xf32, #tpu.memory_space<hbm>> -> memref<32x64xf32, #tpu.memory_space<hbm>>
        tpu.enqueue_dma source(%dma_start3A_80 : memref<32x64xf32, #tpu.memory_space<hbm>>) target(%arg9 : memref<32x64xf32, #tpu.memory_space<vmem>>) target_semaphore(%run_scoped3A : memref<!tpu.dma_semaphore, #tpu.memory_space<semaphore_mem>>)
        %dma_wait3A_81 = arith.constant 0 : i32
        %dma_wait3A_82 = arith.constant 999936 : i32
        %dma_wait3A_83 = tpu.memref_slice %arg2[%dma_wait3A_81, %dma_wait3A_82] : memref<32x1000000xf32, #tpu.memory_space<hbm>> -> memref<32x64xf32, #tpu.memory_space<hbm>>
        %dma_wait3A_84 = arith.constant 0 : i32
        %dma_wait3A_85 = arith.constant 999936 : i32
        %dma_wait3A_86 = tpu.memref_slice %arg2[%dma_wait3A_84, %dma_wait3A_85] : memref<32x1000000xf32, #tpu.memory_space<hbm>> -> memref<32x64xf32, #tpu.memory_space<hbm>>
        tpu.wait_dma2 semaphore(%run_scoped3A : memref<!tpu.dma_semaphore, #tpu.memory_space<semaphore_mem>>) src(%dma_wait3A_86 : memref<32x64xf32, #tpu.memory_space<hbm>>) dst(%arg9 : memref<32x64xf32, #tpu.memory_space<vmem>>)
        tpu.yield
      }) : () -> ()
      %scan3A_61 = arith.constant 0 : i32
      %scan3A_62 = arith.constant 0 : i32
      %scan3A_63 = arith.constant 32 : i32
      %scan3A_64 = arith.addi %scan3A_62, %scan3A_63 : i32
      %scan3A_65 = arith.constant 1 : i32
      %scan3A_66 = scf.for %scan3A_75 = %scan3A_62 to %scan3A_64 step %scan3A_65 iter_args(%scan3A_76 = %scan3A_61) -> (i32)  : i32 {
        %get3A = arith.index_cast %scan3A_75 : i32 to index
        %get3A_77 = arith.constant 0 : index
        %get3A_78 = tpu.vector_load %arg9[%get3A, %get3A_77] {strides = array<i32>} : memref<32x64xf32, #tpu.memory_space<vmem>>, vector<16xf32>,
        %get3A_79 = arith.index_cast %scan3A_75 : i32 to index
        %get3A_80 = arith.constant 16 : index
        %get3A_81 = tpu.vector_load %arg9[%get3A_79, %get3A_80] {strides = array<i32>} : memref<32x64xf32, #tpu.memory_space<vmem>>, vector<16xf32>,
        %get3A_82 = arith.index_cast %scan3A_75 : i32 to index
        %get3A_83 = arith.constant 32 : index
        %get3A_84 = tpu.vector_load %arg9[%get3A_82, %get3A_83] {strides = array<i32>} : memref<32x64xf32, #tpu.memory_space<vmem>>, vector<16xf32>,
        %get3A_85 = arith.index_cast %scan3A_75 : i32 to index
        %get3A_86 = arith.constant 48 : index
        %get3A_87 = tpu.vector_load %arg9[%get3A_85, %get3A_86] {strides = array<i32>} : memref<32x64xf32, #tpu.memory_space<vmem>>, vector<16xf32>,
        %add3A_88 = arith.constant 0 : i32
        %add3A_89 = arith.addi %add3A_88, %scan3A_75 : i32
        %add3A_90 = vector.broadcast %add3A_89 : i32 to vector<16xi32>
        %add3A_91 = arith.addi %mul3A_3, %add3A_90 : vector<16xi32>
        tpu.vector_store_idx %arg6[%add3A_91], %get3A_78 : memref<16896xf32, #tpu.memory_space<vmem>>[vector<16xi32>], vector<16xf32>,
        %add3A_92 = arith.constant 528 : i32
        %add3A_93 = arith.addi %add3A_92, %scan3A_75 : i32
        %add3A_94 = vector.broadcast %add3A_93 : i32 to vector<16xi32>
        %add3A_95 = arith.addi %mul3A_3, %add3A_94 : vector<16xi32>
        tpu.vector_store_idx %arg6[%add3A_95], %get3A_81 : memref<16896xf32, #tpu.memory_space<vmem>>[vector<16xi32>], vector<16xf32>,
        %add3A_96 = arith.constant 1056 : i32
        %add3A_97 = arith.addi %add3A_96, %scan3A_75 : i32
        %add3A_98 = vector.broadcast %add3A_97 : i32 to vector<16xi32>
        %add3A_99 = arith.addi %mul3A_3, %add3A_98 : vector<16xi32>
        tpu.vector_store_idx %arg6[%add3A_99], %get3A_84 : memref<16896xf32, #tpu.memory_space<vmem>>[vector<16xi32>], vector<16xf32>,
        %add3A_100 = arith.constant 1584 : i32
        %add3A_101 = arith.addi %add3A_100, %scan3A_75 : i32
        %add3A_102 = vector.broadcast %add3A_101 : i32 to vector<16xi32>
        %add3A_103 = arith.addi %mul3A_3, %add3A_102 : vector<16xi32>
        tpu.vector_store_idx %arg6[%add3A_103], %get3A_87 : memref<16896xf32, #tpu.memory_space<vmem>>[vector<16xi32>], vector<16xf32>,
        %scan3A_104 = arith.constant 0 : i32
        scf.yield %scan3A_104 : i32
      }
      %scan3A_67 = arith.constant 32 : i32
      %scan3A_68 = arith.constant 0 : i32
      %scan3A_69 = arith.constant 0 : i32
      %scan3A_70 = arith.constant 16 : i32
      %scan3A_71 = arith.addi %scan3A_69, %scan3A_70 : i32
      %scan3A_72 = arith.constant 1 : i32
      %scan3A_73 = scf.for %scan3A_75 = %scan3A_69 to %scan3A_71 step %scan3A_72 iter_args(%scan3A_76 = %scan3A_68) -> (i32)  : i32 {
        %mul3A_77 = arith.constant 4 : i32
        %mul3A_78 = arith.muli %scan3A_75, %mul3A_77 : i32
        %add3A_79 = arith.constant 0 : i32
        %add3A_80 = arith.addi %mul3A_78, %add3A_79 : i32
        %mul3A_81 = arith.constant 33 : i32
        %mul3A_82 = arith.muli %add3A_80, %mul3A_81 : i32
        %add3A_83 = arith.constant 0 : i32
        %add3A_84 = arith.addi %mul3A_82, %add3A_83 : i32
        %add3A_85 = vector.broadcast %add3A_84 : i32 to vector<16xi32>
        %add3A_86 = arith.addi %iota3A, %add3A_85 : vector<16xi32>
        %gather3A = tpu.vector_load_idx %arg6[%add3A_86] : memref<16896xf32, #tpu.memory_space<vmem>>[vector<16xi32>], vector<16xf32>,
        %add3A_87 = arith.constant 0 : i32
        %add3A_88 = arith.addi %mul3A_78, %add3A_87 : i32
        %mul3A_89 = arith.constant 33 : i32
        %mul3A_90 = arith.muli %add3A_88, %mul3A_89 : i32
        %add3A_91 = arith.constant 16 : i32
        %add3A_92 = arith.addi %mul3A_90, %add3A_91 : i32
        %add3A_93 = vector.broadcast %add3A_92 : i32 to vector<16xi32>
        %add3A_94 = arith.addi %iota3A, %add3A_93 : vector<16xi32>
        %gather3A_95 = tpu.vector_load_idx %arg6[%add3A_94] : memref<16896xf32, #tpu.memory_space<vmem>>[vector<16xi32>], vector<16xf32>,
        %add3A_96 = arith.constant 1 : i32
        %add3A_97 = arith.addi %mul3A_78, %add3A_96 : i32
        %mul3A_98 = arith.constant 33 : i32
        %mul3A_99 = arith.muli %add3A_97, %mul3A_98 : i32
        %add3A_100 = arith.constant 0 : i32
        %add3A_101 = arith.addi %mul3A_99, %add3A_100 : i32
        %add3A_102 = vector.broadcast %add3A_101 : i32 to vector<16xi32>
        %add3A_103 = arith.addi %iota3A, %add3A_102 : vector<16xi32>
        %gather3A_104 = tpu.vector_load_idx %arg6[%add3A_103] : memref<16896xf32, #tpu.memory_space<vmem>>[vector<16xi32>], vector<16xf32>,
        %add3A_105 = arith.constant 1 : i32
        %add3A_106 = arith.addi %mul3A_78, %add3A_105 : i32
        %mul3A_107 = arith.constant 33 : i32
        %mul3A_108 = arith.muli %add3A_106, %mul3A_107 : i32
        %add3A_109 = arith.constant 16 : i32
        %add3A_110 = arith.addi %mul3A_108, %add3A_109 : i32
        %add3A_111 = vector.broadcast %add3A_110 : i32 to vector<16xi32>
        %add3A_112 = arith.addi %iota3A, %add3A_111 : vector<16xi32>
        %gather3A_113 = tpu.vector_load_idx %arg6[%add3A_112] : memref<16896xf32, #tpu.memory_space<vmem>>[vector<16xi32>], vector<16xf32>,
        %add3A_114 = arith.constant 2 : i32
        %add3A_115 = arith.addi %mul3A_78, %add3A_114 : i32
        %mul3A_116 = arith.constant 33 : i32
        %mul3A_117 = arith.muli %add3A_115, %mul3A_116 : i32
        %add3A_118 = arith.constant 0 : i32
        %add3A_119 = arith.addi %mul3A_117, %add3A_118 : i32
        %add3A_120 = vector.broadcast %add3A_119 : i32 to vector<16xi32>
        %add3A_121 = arith.addi %iota3A, %add3A_120 : vector<16xi32>
        %gather3A_122 = tpu.vector_load_idx %arg6[%add3A_121] : memref<16896xf32, #tpu.memory_space<vmem>>[vector<16xi32>], vector<16xf32>,
        %add3A_123 = arith.constant 2 : i32
        %add3A_124 = arith.addi %mul3A_78, %add3A_123 : i32
        %mul3A_125 = arith.constant 33 : i32
        %mul3A_126 = arith.muli %add3A_124, %mul3A_125 : i32
        %add3A_127 = arith.constant 16 : i32
        %add3A_128 = arith.addi %mul3A_126, %add3A_127 : i32
        %add3A_129 = vector.broadcast %add3A_128 : i32 to vector<16xi32>
        %add3A_130 = arith.addi %iota3A, %add3A_129 : vector<16xi32>
        %gather3A_131 = tpu.vector_load_idx %arg6[%add3A_130] : memref<16896xf32, #tpu.memory_space<vmem>>[vector<16xi32>], vector<16xf32>,
        %add3A_132 = arith.constant 3 : i32
        %add3A_133 = arith.addi %mul3A_78, %add3A_132 : i32
        %mul3A_134 = arith.constant 33 : i32
        %mul3A_135 = arith.muli %add3A_133, %mul3A_134 : i32
        %add3A_136 = arith.constant 0 : i32
        %add3A_137 = arith.addi %mul3A_135, %add3A_136 : i32
        %add3A_138 = vector.broadcast %add3A_137 : i32 to vector<16xi32>
        %add3A_139 = arith.addi %iota3A, %add3A_138 : vector<16xi32>
        %gather3A_140 = tpu.vector_load_idx %arg6[%add3A_139] : memref<16896xf32, #tpu.memory_space<vmem>>[vector<16xi32>], vector<16xf32>,
        %add3A_141 = arith.constant 3 : i32
        %add3A_142 = arith.addi %mul3A_78, %add3A_141 : i32
        %mul3A_143 = arith.constant 33 : i32
        %mul3A_144 = arith.muli %add3A_142, %mul3A_143 : i32
        %add3A_145 = arith.constant 16 : i32
        %add3A_146 = arith.addi %mul3A_144, %add3A_145 : i32
        %add3A_147 = vector.broadcast %add3A_146 : i32 to vector<16xi32>
        %add3A_148 = arith.addi %iota3A, %add3A_147 : vector<16xi32>
        %gather3A_149 = tpu.vector_load_idx %arg6[%add3A_148] : memref<16896xf32, #tpu.memory_space<vmem>>[vector<16xi32>], vector<16xf32>,
        %add3A_150 = arith.constant 0 : i32
        %add3A_151 = arith.addi %mul3A_78, %add3A_150 : i32
        %mul3A_152 = arith.constant 32 : i32
        %mul3A_153 = arith.muli %add3A_151, %mul3A_152 : i32
        %add3A_154 = arith.constant 0 : i32
        %add3A_155 = arith.addi %mul3A_153, %add3A_154 : i32
        %swap3A = arith.index_cast %add3A_155 : i32 to index
        %swap3A_156 = tpu.vector_load %arg7[%swap3A] {strides = array<i32>} : memref<16384xf32, #tpu.memory_space<vmem>>, vector<16xf32>,
        tpu.vector_store %arg7[%swap3A], %gather3A {strides = array<i32>} : memref<16384xf32, #tpu.memory_space<vmem>>, vector<16xf32>,
        %add3A_157 = arith.constant 0 : i32
        %add3A_158 = arith.addi %mul3A_78, %add3A_157 : i32
        %mul3A_159 = arith.constant 32 : i32
        %mul3A_160 = arith.muli %add3A_158, %mul3A_159 : i32
        %add3A_161 = arith.constant 16 : i32
        %add3A_162 = arith.addi %mul3A_160, %add3A_161 : i32
        %swap3A_163 = arith.index_cast %add3A_162 : i32 to index
        %swap3A_164 = tpu.vector_load %arg7[%swap3A_163] {strides = array<i32>} : memref<16384xf32, #tpu.memory_space<vmem>>, vector<16xf32>,
        tpu.vector_store %arg7[%swap3A_163], %gather3A_95 {strides = array<i32>} : memref<16384xf32, #tpu.memory_space<vmem>>, vector<16xf32>,
        %add3A_165 = arith.constant 1 : i32
        %add3A_166 = arith.addi %mul3A_78, %add3A_165 : i32
        %mul3A_167 = arith.constant 32 : i32
        %mul3A_168 = arith.muli %add3A_166, %mul3A_167 : i32
        %add3A_169 = arith.constant 0 : i32
        %add3A_170 = arith.addi %mul3A_168, %add3A_169 : i32
        %swap3A_171 = arith.index_cast %add3A_170 : i32 to index
        %swap3A_172 = tpu.vector_load %arg7[%swap3A_171] {strides = array<i32>} : memref<16384xf32, #tpu.memory_space<vmem>>, vector<16xf32>,
        tpu.vector_store %arg7[%swap3A_171], %gather3A_104 {strides = array<i32>} : memref<16384xf32, #tpu.memory_space<vmem>>, vector<16xf32>,
        %add3A_173 = arith.constant 1 : i32
        %add3A_174 = arith.addi %mul3A_78, %add3A_173 : i32
        %mul3A_175 = arith.constant 32 : i32
        %mul3A_176 = arith.muli %add3A_174, %mul3A_175 : i32
        %add3A_177 = arith.constant 16 : i32
        %add3A_178 = arith.addi %mul3A_176, %add3A_177 : i32
        %swap3A_179 = arith.index_cast %add3A_178 : i32 to index
        %swap3A_180 = tpu.vector_load %arg7[%swap3A_179] {strides = array<i32>} : memref<16384xf32, #tpu.memory_space<vmem>>, vector<16xf32>,
        tpu.vector_store %arg7[%swap3A_179], %gather3A_113 {strides = array<i32>} : memref<16384xf32, #tpu.memory_space<vmem>>, vector<16xf32>,
        %add3A_181 = arith.constant 2 : i32
        %add3A_182 = arith.addi %mul3A_78, %add3A_181 : i32
        %mul3A_183 = arith.constant 32 : i32
        %mul3A_184 = arith.muli %add3A_182, %mul3A_183 : i32
        %add3A_185 = arith.constant 0 : i32
        %add3A_186 = arith.addi %mul3A_184, %add3A_185 : i32
        %swap3A_187 = arith.index_cast %add3A_186 : i32 to index
        %swap3A_188 = tpu.vector_load %arg7[%swap3A_187] {strides = array<i32>} : memref<16384xf32, #tpu.memory_space<vmem>>, vector<16xf32>,
        tpu.vector_store %arg7[%swap3A_187], %gather3A_122 {strides = array<i32>} : memref<16384xf32, #tpu.memory_space<vmem>>, vector<16xf32>,
        %add3A_189 = arith.constant 2 : i32
        %add3A_190 = arith.addi %mul3A_78, %add3A_189 : i32
        %mul3A_191 = arith.constant 32 : i32
        %mul3A_192 = arith.muli %add3A_190, %mul3A_191 : i32
        %add3A_193 = arith.constant 16 : i32
        %add3A_194 = arith.addi %mul3A_192, %add3A_193 : i32
        %swap3A_195 = arith.index_cast %add3A_194 : i32 to index
        %swap3A_196 = tpu.vector_load %arg7[%swap3A_195] {strides = array<i32>} : memref<16384xf32, #tpu.memory_space<vmem>>, vector<16xf32>,
        tpu.vector_store %arg7[%swap3A_195], %gather3A_131 {strides = array<i32>} : memref<16384xf32, #tpu.memory_space<vmem>>, vector<16xf32>,
        %add3A_197 = arith.constant 3 : i32
        %add3A_198 = arith.addi %mul3A_78, %add3A_197 : i32
        %mul3A_199 = arith.constant 32 : i32
        %mul3A_200 = arith.muli %add3A_198, %mul3A_199 : i32
        %add3A_201 = arith.constant 0 : i32
        %add3A_202 = arith.addi %mul3A_200, %add3A_201 : i32
        %swap3A_203 = arith.index_cast %add3A_202 : i32 to index
        %swap3A_204 = tpu.vector_load %arg7[%swap3A_203] {strides = array<i32>} : memref<16384xf32, #tpu.memory_space<vmem>>, vector<16xf32>,
        tpu.vector_store %arg7[%swap3A_203], %gather3A_140 {strides = array<i32>} : memref<16384xf32, #tpu.memory_space<vmem>>, vector<16xf32>,
        %add3A_205 = arith.constant 3 : i32
        %add3A_206 = arith.addi %mul3A_78, %add3A_205 : i32
        %mul3A_207 = arith.constant 32 : i32
        %mul3A_208 = arith.muli %add3A_206, %mul3A_207 : i32
        %add3A_209 = arith.constant 16 : i32
        %add3A_210 = arith.addi %mul3A_208, %add3A_209 : i32
        %swap3A_211 = arith.index_cast %add3A_210 : i32 to index
        %swap3A_212 = tpu.vector_load %arg7[%swap3A_211] {strides = array<i32>} : memref<16384xf32, #tpu.memory_space<vmem>>, vector<16xf32>,
        tpu.vector_store %arg7[%swap3A_211], %gather3A_149 {strides = array<i32>} : memref<16384xf32, #tpu.memory_space<vmem>>, vector<16xf32>,
        %scan3A_213 = arith.constant 0 : i32
        scf.yield %scan3A_213 : i32
      }
      %scan3A_74 = arith.constant 16 : i32
      "tpu.region"() ({
        %run_scoped3A = tpu.sem_alloc : memref<!tpu.dma_semaphore, #tpu.memory_space<semaphore_mem>>
        %dma_start3A_75 = arith.constant 0 : i32
        %dma_start3A_76 = tpu.memref_slice %arg7[%dma_start3A_75] : memref<16384xf32, #tpu.memory_space<vmem>> -> memref<2048xf32, #tpu.memory_space<vmem>>
        %dma_start3A_77 = arith.constant 31997952 : i32
        %dma_start3A_78 = tpu.memref_slice %arg3[%dma_start3A_77] : memref<32000000xf32, #tpu.memory_space<hbm>> -> memref<2048xf32, #tpu.memory_space<hbm>>
        %dma_start3A_79 = arith.constant 31997952 : i32
        %dma_start3A_80 = tpu.memref_slice %arg3[%dma_start3A_79] : memref<32000000xf32, #tpu.memory_space<hbm>> -> memref<2048xf32, #tpu.memory_space<hbm>>
        %dma_start3A_81 = arith.constant 0 : i32
        %dma_start3A_82 = tpu.memref_slice %arg7[%dma_start3A_81] : memref<16384xf32, #tpu.memory_space<vmem>> -> memref<2048xf32, #tpu.memory_space<vmem>>
        tpu.enqueue_dma source(%dma_start3A_82 : memref<2048xf32, #tpu.memory_space<vmem>>) target(%dma_start3A_80 : memref<2048xf32, #tpu.memory_space<hbm>>) target_semaphore(%run_scoped3A : memref<!tpu.dma_semaphore, #tpu.memory_space<semaphore_mem>>)
        %dma_wait3A_83 = arith.constant 0 : i32
        %dma_wait3A_84 = tpu.memref_slice %arg7[%dma_wait3A_83] : memref<16384xf32, #tpu.memory_space<vmem>> -> memref<2048xf32, #tpu.memory_space<vmem>>
        %dma_wait3A_85 = arith.constant 31997952 : i32
        %dma_wait3A_86 = tpu.memref_slice %arg3[%dma_wait3A_85] : memref<32000000xf32, #tpu.memory_space<hbm>> -> memref<2048xf32, #tpu.memory_space<hbm>>
        %dma_wait3A_87 = arith.constant 31997952 : i32
        %dma_wait3A_88 = tpu.memref_slice %arg3[%dma_wait3A_87] : memref<32000000xf32, #tpu.memory_space<hbm>> -> memref<2048xf32, #tpu.memory_space<hbm>>
        %dma_wait3A_89 = arith.constant 0 : i32
        %dma_wait3A_90 = tpu.memref_slice %arg7[%dma_wait3A_89] : memref<16384xf32, #tpu.memory_space<vmem>> -> memref<2048xf32, #tpu.memory_space<vmem>>
        tpu.wait_dma2 semaphore(%run_scoped3A : memref<!tpu.dma_semaphore, #tpu.memory_space<semaphore_mem>>) src(%dma_wait3A_90 : memref<2048xf32, #tpu.memory_space<vmem>>) dst(%dma_wait3A_88 : memref<2048xf32, #tpu.memory_space<hbm>>)
        tpu.yield
      }) : () -> ()
    } else {
    }
    return
  }
}

#map = affine_map<(d0, d1) -> (0, 0)>
#map1 = affine_map<(d0, d1) -> (0)>
module attributes {stable_mosaic.version = 14 : i64} {
  func.func @gather_k(%arg0: i32, %arg1: i32, %arg2: memref<1000000x32xf32, #tpu.memory_space<hbm>>, %arg3: memref<204800xi32, #tpu.memory_space<hbm>>, %arg4: memref<4096xi32, #tpu.memory_space<hbm>>, %arg5: memref<204800x32xf32, #tpu.memory_space<hbm>>, %arg6: memref<4096x32xf32, #tpu.memory_space<hbm>>, %arg7: memref<1600xi32, #tpu.memory_space<vmem>>, %arg8: memref<1600x32xf32, #tpu.memory_space<vmem>>, %arg9: memref<128xi32, #tpu.memory_space<vmem>>, %arg10: memref<128x32xf32, #tpu.memory_space<vmem>>, %arg11: memref<!tpu.dma_semaphore, #tpu.memory_space<semaphore_mem>>) attributes {dimension_semantics = [#tpu.dimension_semantics<core_parallel>, #tpu.dimension_semantics<subcore_parallel>], iteration_bounds = array<i64: 2, 16>, scalar_prefetch = 0 : i64, scratch_operands = 5 : i64, tpu.core_type = #tpu.core_type<sc_vector_subcore>, window_params = [{transform_indices = #map}, {transform_indices = #map1}, {transform_indices = #map1}, {transform_indices = #map}, {transform_indices = #map}]} {
    %mul3A = arith.constant 2 : i32
    %mul3A_0 = arith.muli %arg1, %mul3A : i32
    %add3A = arith.addi %mul3A_0, %arg0 : i32
    %mul3A_1 = arith.constant 128 : i32
    %mul3A_2 = arith.muli %add3A, %mul3A_1 : i32
    "tpu.region"() ({
      %run_scoped3A = tpu.sem_alloc : memref<!tpu.dma_semaphore, #tpu.memory_space<semaphore_mem>>
      %dma_start3A_41 = tpu.memref_slice %arg4[%mul3A_2] : memref<4096xi32, #tpu.memory_space<hbm>> -> memref<128xi32, #tpu.memory_space<hbm>>
      %dma_start3A_42 = tpu.memref_slice %arg4[%mul3A_2] : memref<4096xi32, #tpu.memory_space<hbm>> -> memref<128xi32, #tpu.memory_space<hbm>>
      tpu.enqueue_dma source(%dma_start3A_42 : memref<128xi32, #tpu.memory_space<hbm>>) target(%arg9 : memref<128xi32, #tpu.memory_space<vmem>>) target_semaphore(%run_scoped3A : memref<!tpu.dma_semaphore, #tpu.memory_space<semaphore_mem>>)
      %dma_wait3A_43 = tpu.memref_slice %arg4[%mul3A_2] : memref<4096xi32, #tpu.memory_space<hbm>> -> memref<128xi32, #tpu.memory_space<hbm>>
      %dma_wait3A_44 = tpu.memref_slice %arg4[%mul3A_2] : memref<4096xi32, #tpu.memory_space<hbm>> -> memref<128xi32, #tpu.memory_space<hbm>>
      tpu.wait_dma2 semaphore(%run_scoped3A : memref<!tpu.dma_semaphore, #tpu.memory_space<semaphore_mem>>) src(%dma_wait3A_44 : memref<128xi32, #tpu.memory_space<hbm>>) dst(%arg9 : memref<128xi32, #tpu.memory_space<vmem>>)
      tpu.yield
    }) : () -> ()
    %dma_start3A = arith.constant 0 : i32
    %dma_start3A_3 = arith.constant 0 : i32
    %dma_start3A_4 = tpu.memref_slice %arg2[%dma_start3A, %dma_start3A_3] : memref<1000000x32xf32, #tpu.memory_space<hbm>> -> memref<1000000x32xf32, #tpu.memory_space<hbm>>
    tpu.enqueue_indirect_dma source(%dma_start3A_4 : memref<1000000x32xf32, #tpu.memory_space<hbm>>) target(%arg10 : memref<128x32xf32, #tpu.memory_space<vmem>>) offsets(%arg9 : memref<128xi32, #tpu.memory_space<vmem>>) semaphore(%arg11 : memref<!tpu.dma_semaphore, #tpu.memory_space<semaphore_mem>>)
    %dma_wait3A = arith.constant 0 : i32
    %dma_wait3A_5 = arith.constant 0 : i32
    %dma_wait3A_6 = tpu.memref_slice %arg2[%dma_wait3A, %dma_wait3A_5] : memref<1000000x32xf32, #tpu.memory_space<hbm>> -> memref<1000000x32xf32, #tpu.memory_space<hbm>>
    tpu.wait_indirect_dma semaphore(%arg11 : memref<!tpu.dma_semaphore, #tpu.memory_space<semaphore_mem>>) src(%dma_wait3A_6 : memref<1000000x32xf32, #tpu.memory_space<hbm>>) dst(%arg10 : memref<128x32xf32, #tpu.memory_space<vmem>>)
    "tpu.region"() ({
      %run_scoped3A = tpu.sem_alloc : memref<!tpu.dma_semaphore, #tpu.memory_space<semaphore_mem>>
      %dma_start3A_41 = arith.constant 0 : i32
      %dma_start3A_42 = tpu.memref_slice %arg6[%mul3A_2, %dma_start3A_41] : memref<4096x32xf32, #tpu.memory_space<hbm>> -> memref<128x32xf32, #tpu.memory_space<hbm>>
      %dma_start3A_43 = arith.constant 0 : i32
      %dma_start3A_44 = tpu.memref_slice %arg6[%mul3A_2, %dma_start3A_43] : memref<4096x32xf32, #tpu.memory_space<hbm>> -> memref<128x32xf32, #tpu.memory_space<hbm>>
      tpu.enqueue_dma source(%arg10 : memref<128x32xf32, #tpu.memory_space<vmem>>) target(%dma_start3A_44 : memref<128x32xf32, #tpu.memory_space<hbm>>) target_semaphore(%run_scoped3A : memref<!tpu.dma_semaphore, #tpu.memory_space<semaphore_mem>>)
      %dma_wait3A_45 = arith.constant 0 : i32
      %dma_wait3A_46 = tpu.memref_slice %arg6[%mul3A_2, %dma_wait3A_45] : memref<4096x32xf32, #tpu.memory_space<hbm>> -> memref<128x32xf32, #tpu.memory_space<hbm>>
      %dma_wait3A_47 = arith.constant 0 : i32
      %dma_wait3A_48 = tpu.memref_slice %arg6[%mul3A_2, %dma_wait3A_47] : memref<4096x32xf32, #tpu.memory_space<hbm>> -> memref<128x32xf32, #tpu.memory_space<hbm>>
      tpu.wait_dma2 semaphore(%run_scoped3A : memref<!tpu.dma_semaphore, #tpu.memory_space<semaphore_mem>>) src(%arg10 : memref<128x32xf32, #tpu.memory_space<vmem>>) dst(%dma_wait3A_48 : memref<128x32xf32, #tpu.memory_space<hbm>>)
      tpu.yield
    }) : () -> ()
    %mul3A_7 = arith.constant 6400 : i32
    %mul3A_8 = arith.muli %add3A, %mul3A_7 : i32
    %add3A_9 = arith.constant 0 : i32
    %add3A_10 = arith.addi %mul3A_8, %add3A_9 : i32
    "tpu.region"() ({
      %run_scoped3A = tpu.sem_alloc : memref<!tpu.dma_semaphore, #tpu.memory_space<semaphore_mem>>
      %dma_start3A_41 = tpu.memref_slice %arg3[%add3A_10] : memref<204800xi32, #tpu.memory_space<hbm>> -> memref<1600xi32, #tpu.memory_space<hbm>>
      %dma_start3A_42 = tpu.memref_slice %arg3[%add3A_10] : memref<204800xi32, #tpu.memory_space<hbm>> -> memref<1600xi32, #tpu.memory_space<hbm>>
      tpu.enqueue_dma source(%dma_start3A_42 : memref<1600xi32, #tpu.memory_space<hbm>>) target(%arg7 : memref<1600xi32, #tpu.memory_space<vmem>>) target_semaphore(%run_scoped3A : memref<!tpu.dma_semaphore, #tpu.memory_space<semaphore_mem>>)
      %dma_wait3A_43 = tpu.memref_slice %arg3[%add3A_10] : memref<204800xi32, #tpu.memory_space<hbm>> -> memref<1600xi32, #tpu.memory_space<hbm>>
      %dma_wait3A_44 = tpu.memref_slice %arg3[%add3A_10] : memref<204800xi32, #tpu.memory_space<hbm>> -> memref<1600xi32, #tpu.memory_space<hbm>>
      tpu.wait_dma2 semaphore(%run_scoped3A : memref<!tpu.dma_semaphore, #tpu.memory_space<semaphore_mem>>) src(%dma_wait3A_44 : memref<1600xi32, #tpu.memory_space<hbm>>) dst(%arg7 : memref<1600xi32, #tpu.memory_space<vmem>>)
      tpu.yield
    }) : () -> ()
    %dma_start3A_11 = arith.constant 0 : i32
    %dma_start3A_12 = arith.constant 0 : i32
    %dma_start3A_13 = tpu.memref_slice %arg2[%dma_start3A_11, %dma_start3A_12] : memref<1000000x32xf32, #tpu.memory_space<hbm>> -> memref<1000000x32xf32, #tpu.memory_space<hbm>>
    tpu.enqueue_indirect_dma source(%dma_start3A_13 : memref<1000000x32xf32, #tpu.memory_space<hbm>>) target(%arg8 : memref<1600x32xf32, #tpu.memory_space<vmem>>) offsets(%arg7 : memref<1600xi32, #tpu.memory_space<vmem>>) semaphore(%arg11 : memref<!tpu.dma_semaphore, #tpu.memory_space<semaphore_mem>>)
    %dma_wait3A_14 = arith.constant 0 : i32
    %dma_wait3A_15 = arith.constant 0 : i32
    %dma_wait3A_16 = tpu.memref_slice %arg2[%dma_wait3A_14, %dma_wait3A_15] : memref<1000000x32xf32, #tpu.memory_space<hbm>> -> memref<1000000x32xf32, #tpu.memory_space<hbm>>
    tpu.wait_indirect_dma semaphore(%arg11 : memref<!tpu.dma_semaphore, #tpu.memory_space<semaphore_mem>>) src(%dma_wait3A_16 : memref<1000000x32xf32, #tpu.memory_space<hbm>>) dst(%arg8 : memref<1600x32xf32, #tpu.memory_space<vmem>>)
    "tpu.region"() ({
      %run_scoped3A = tpu.sem_alloc : memref<!tpu.dma_semaphore, #tpu.memory_space<semaphore_mem>>
      %dma_start3A_41 = arith.constant 0 : i32
      %dma_start3A_42 = tpu.memref_slice %arg5[%add3A_10, %dma_start3A_41] : memref<204800x32xf32, #tpu.memory_space<hbm>> -> memref<1600x32xf32, #tpu.memory_space<hbm>>
      %dma_start3A_43 = arith.constant 0 : i32
      %dma_start3A_44 = tpu.memref_slice %arg5[%add3A_10, %dma_start3A_43] : memref<204800x32xf32, #tpu.memory_space<hbm>> -> memref<1600x32xf32, #tpu.memory_space<hbm>>
      tpu.enqueue_dma source(%arg8 : memref<1600x32xf32, #tpu.memory_space<vmem>>) target(%dma_start3A_44 : memref<1600x32xf32, #tpu.memory_space<hbm>>) target_semaphore(%run_scoped3A : memref<!tpu.dma_semaphore, #tpu.memory_space<semaphore_mem>>)
      %dma_wait3A_45 = arith.constant 0 : i32
      %dma_wait3A_46 = tpu.memref_slice %arg5[%add3A_10, %dma_wait3A_45] : memref<204800x32xf32, #tpu.memory_space<hbm>> -> memref<1600x32xf32, #tpu.memory_space<hbm>>
      %dma_wait3A_47 = arith.constant 0 : i32
      %dma_wait3A_48 = tpu.memref_slice %arg5[%add3A_10, %dma_wait3A_47] : memref<204800x32xf32, #tpu.memory_space<hbm>> -> memref<1600x32xf32, #tpu.memory_space<hbm>>
      tpu.wait_dma2 semaphore(%run_scoped3A : memref<!tpu.dma_semaphore, #tpu.memory_space<semaphore_mem>>) src(%arg8 : memref<1600x32xf32, #tpu.memory_space<vmem>>) dst(%dma_wait3A_48 : memref<1600x32xf32, #tpu.memory_space<hbm>>)
      tpu.yield
    }) : () -> ()
    %add3A_17 = arith.constant 1600 : i32
    %add3A_18 = arith.addi %mul3A_8, %add3A_17 : i32
    "tpu.region"() ({
      %run_scoped3A = tpu.sem_alloc : memref<!tpu.dma_semaphore, #tpu.memory_space<semaphore_mem>>
      %dma_start3A_41 = tpu.memref_slice %arg3[%add3A_18] : memref<204800xi32, #tpu.memory_space<hbm>> -> memref<1600xi32, #tpu.memory_space<hbm>>
      %dma_start3A_42 = tpu.memref_slice %arg3[%add3A_18] : memref<204800xi32, #tpu.memory_space<hbm>> -> memref<1600xi32, #tpu.memory_space<hbm>>
      tpu.enqueue_dma source(%dma_start3A_42 : memref<1600xi32, #tpu.memory_space<hbm>>) target(%arg7 : memref<1600xi32, #tpu.memory_space<vmem>>) target_semaphore(%run_scoped3A : memref<!tpu.dma_semaphore, #tpu.memory_space<semaphore_mem>>)
      %dma_wait3A_43 = tpu.memref_slice %arg3[%add3A_18] : memref<204800xi32, #tpu.memory_space<hbm>> -> memref<1600xi32, #tpu.memory_space<hbm>>
      %dma_wait3A_44 = tpu.memref_slice %arg3[%add3A_18] : memref<204800xi32, #tpu.memory_space<hbm>> -> memref<1600xi32, #tpu.memory_space<hbm>>
      tpu.wait_dma2 semaphore(%run_scoped3A : memref<!tpu.dma_semaphore, #tpu.memory_space<semaphore_mem>>) src(%dma_wait3A_44 : memref<1600xi32, #tpu.memory_space<hbm>>) dst(%arg7 : memref<1600xi32, #tpu.memory_space<vmem>>)
      tpu.yield
    }) : () -> ()
    %dma_start3A_19 = arith.constant 0 : i32
    %dma_start3A_20 = arith.constant 0 : i32
    %dma_start3A_21 = tpu.memref_slice %arg2[%dma_start3A_19, %dma_start3A_20] : memref<1000000x32xf32, #tpu.memory_space<hbm>> -> memref<1000000x32xf32, #tpu.memory_space<hbm>>
    tpu.enqueue_indirect_dma source(%dma_start3A_21 : memref<1000000x32xf32, #tpu.memory_space<hbm>>) target(%arg8 : memref<1600x32xf32, #tpu.memory_space<vmem>>) offsets(%arg7 : memref<1600xi32, #tpu.memory_space<vmem>>) semaphore(%arg11 : memref<!tpu.dma_semaphore, #tpu.memory_space<semaphore_mem>>)
    %dma_wait3A_22 = arith.constant 0 : i32
    %dma_wait3A_23 = arith.constant 0 : i32
    %dma_wait3A_24 = tpu.memref_slice %arg2[%dma_wait3A_22, %dma_wait3A_23] : memref<1000000x32xf32, #tpu.memory_space<hbm>> -> memref<1000000x32xf32, #tpu.memory_space<hbm>>
    tpu.wait_indirect_dma semaphore(%arg11 : memref<!tpu.dma_semaphore, #tpu.memory_space<semaphore_mem>>) src(%dma_wait3A_24 : memref<1000000x32xf32, #tpu.memory_space<hbm>>) dst(%arg8 : memref<1600x32xf32, #tpu.memory_space<vmem>>)
    "tpu.region"() ({
      %run_scoped3A = tpu.sem_alloc : memref<!tpu.dma_semaphore, #tpu.memory_space<semaphore_mem>>
      %dma_start3A_41 = arith.constant 0 : i32
      %dma_start3A_42 = tpu.memref_slice %arg5[%add3A_18, %dma_start3A_41] : memref<204800x32xf32, #tpu.memory_space<hbm>> -> memref<1600x32xf32, #tpu.memory_space<hbm>>
      %dma_start3A_43 = arith.constant 0 : i32
      %dma_start3A_44 = tpu.memref_slice %arg5[%add3A_18, %dma_start3A_43] : memref<204800x32xf32, #tpu.memory_space<hbm>> -> memref<1600x32xf32, #tpu.memory_space<hbm>>
      tpu.enqueue_dma source(%arg8 : memref<1600x32xf32, #tpu.memory_space<vmem>>) target(%dma_start3A_44 : memref<1600x32xf32, #tpu.memory_space<hbm>>) target_semaphore(%run_scoped3A : memref<!tpu.dma_semaphore, #tpu.memory_space<semaphore_mem>>)
      %dma_wait3A_45 = arith.constant 0 : i32
      %dma_wait3A_46 = tpu.memref_slice %arg5[%add3A_18, %dma_wait3A_45] : memref<204800x32xf32, #tpu.memory_space<hbm>> -> memref<1600x32xf32, #tpu.memory_space<hbm>>
      %dma_wait3A_47 = arith.constant 0 : i32
      %dma_wait3A_48 = tpu.memref_slice %arg5[%add3A_18, %dma_wait3A_47] : memref<204800x32xf32, #tpu.memory_space<hbm>> -> memref<1600x32xf32, #tpu.memory_space<hbm>>
      tpu.wait_dma2 semaphore(%run_scoped3A : memref<!tpu.dma_semaphore, #tpu.memory_space<semaphore_mem>>) src(%arg8 : memref<1600x32xf32, #tpu.memory_space<vmem>>) dst(%dma_wait3A_48 : memref<1600x32xf32, #tpu.memory_space<hbm>>)
      tpu.yield
    }) : () -> ()
    %add3A_25 = arith.constant 3200 : i32
    %add3A_26 = arith.addi %mul3A_8, %add3A_25 : i32
    "tpu.region"() ({
      %run_scoped3A = tpu.sem_alloc : memref<!tpu.dma_semaphore, #tpu.memory_space<semaphore_mem>>
      %dma_start3A_41 = tpu.memref_slice %arg3[%add3A_26] : memref<204800xi32, #tpu.memory_space<hbm>> -> memref<1600xi32, #tpu.memory_space<hbm>>
      %dma_start3A_42 = tpu.memref_slice %arg3[%add3A_26] : memref<204800xi32, #tpu.memory_space<hbm>> -> memref<1600xi32, #tpu.memory_space<hbm>>
      tpu.enqueue_dma source(%dma_start3A_42 : memref<1600xi32, #tpu.memory_space<hbm>>) target(%arg7 : memref<1600xi32, #tpu.memory_space<vmem>>) target_semaphore(%run_scoped3A : memref<!tpu.dma_semaphore, #tpu.memory_space<semaphore_mem>>)
      %dma_wait3A_43 = tpu.memref_slice %arg3[%add3A_26] : memref<204800xi32, #tpu.memory_space<hbm>> -> memref<1600xi32, #tpu.memory_space<hbm>>
      %dma_wait3A_44 = tpu.memref_slice %arg3[%add3A_26] : memref<204800xi32, #tpu.memory_space<hbm>> -> memref<1600xi32, #tpu.memory_space<hbm>>
      tpu.wait_dma2 semaphore(%run_scoped3A : memref<!tpu.dma_semaphore, #tpu.memory_space<semaphore_mem>>) src(%dma_wait3A_44 : memref<1600xi32, #tpu.memory_space<hbm>>) dst(%arg7 : memref<1600xi32, #tpu.memory_space<vmem>>)
      tpu.yield
    }) : () -> ()
    %dma_start3A_27 = arith.constant 0 : i32
    %dma_start3A_28 = arith.constant 0 : i32
    %dma_start3A_29 = tpu.memref_slice %arg2[%dma_start3A_27, %dma_start3A_28] : memref<1000000x32xf32, #tpu.memory_space<hbm>> -> memref<1000000x32xf32, #tpu.memory_space<hbm>>
    tpu.enqueue_indirect_dma source(%dma_start3A_29 : memref<1000000x32xf32, #tpu.memory_space<hbm>>) target(%arg8 : memref<1600x32xf32, #tpu.memory_space<vmem>>) offsets(%arg7 : memref<1600xi32, #tpu.memory_space<vmem>>) semaphore(%arg11 : memref<!tpu.dma_semaphore, #tpu.memory_space<semaphore_mem>>)
    %dma_wait3A_30 = arith.constant 0 : i32
    %dma_wait3A_31 = arith.constant 0 : i32
    %dma_wait3A_32 = tpu.memref_slice %arg2[%dma_wait3A_30, %dma_wait3A_31] : memref<1000000x32xf32, #tpu.memory_space<hbm>> -> memref<1000000x32xf32, #tpu.memory_space<hbm>>
    tpu.wait_indirect_dma semaphore(%arg11 : memref<!tpu.dma_semaphore, #tpu.memory_space<semaphore_mem>>) src(%dma_wait3A_32 : memref<1000000x32xf32, #tpu.memory_space<hbm>>) dst(%arg8 : memref<1600x32xf32, #tpu.memory_space<vmem>>)
    "tpu.region"() ({
      %run_scoped3A = tpu.sem_alloc : memref<!tpu.dma_semaphore, #tpu.memory_space<semaphore_mem>>
      %dma_start3A_41 = arith.constant 0 : i32
      %dma_start3A_42 = tpu.memref_slice %arg5[%add3A_26, %dma_start3A_41] : memref<204800x32xf32, #tpu.memory_space<hbm>> -> memref<1600x32xf32, #tpu.memory_space<hbm>>
      %dma_start3A_43 = arith.constant 0 : i32
      %dma_start3A_44 = tpu.memref_slice %arg5[%add3A_26, %dma_start3A_43] : memref<204800x32xf32, #tpu.memory_space<hbm>> -> memref<1600x32xf32, #tpu.memory_space<hbm>>
      tpu.enqueue_dma source(%arg8 : memref<1600x32xf32, #tpu.memory_space<vmem>>) target(%dma_start3A_44 : memref<1600x32xf32, #tpu.memory_space<hbm>>) target_semaphore(%run_scoped3A : memref<!tpu.dma_semaphore, #tpu.memory_space<semaphore_mem>>)
      %dma_wait3A_45 = arith.constant 0 : i32
      %dma_wait3A_46 = tpu.memref_slice %arg5[%add3A_26, %dma_wait3A_45] : memref<204800x32xf32, #tpu.memory_space<hbm>> -> memref<1600x32xf32, #tpu.memory_space<hbm>>
      %dma_wait3A_47 = arith.constant 0 : i32
      %dma_wait3A_48 = tpu.memref_slice %arg5[%add3A_26, %dma_wait3A_47] : memref<204800x32xf32, #tpu.memory_space<hbm>> -> memref<1600x32xf32, #tpu.memory_space<hbm>>
      tpu.wait_dma2 semaphore(%run_scoped3A : memref<!tpu.dma_semaphore, #tpu.memory_space<semaphore_mem>>) src(%arg8 : memref<1600x32xf32, #tpu.memory_space<vmem>>) dst(%dma_wait3A_48 : memref<1600x32xf32, #tpu.memory_space<hbm>>)
      tpu.yield
    }) : () -> ()
    %add3A_33 = arith.constant 4800 : i32
    %add3A_34 = arith.addi %mul3A_8, %add3A_33 : i32
    "tpu.region"() ({
      %run_scoped3A = tpu.sem_alloc : memref<!tpu.dma_semaphore, #tpu.memory_space<semaphore_mem>>
      %dma_start3A_41 = tpu.memref_slice %arg3[%add3A_34] : memref<204800xi32, #tpu.memory_space<hbm>> -> memref<1600xi32, #tpu.memory_space<hbm>>
      %dma_start3A_42 = tpu.memref_slice %arg3[%add3A_34] : memref<204800xi32, #tpu.memory_space<hbm>> -> memref<1600xi32, #tpu.memory_space<hbm>>
      tpu.enqueue_dma source(%dma_start3A_42 : memref<1600xi32, #tpu.memory_space<hbm>>) target(%arg7 : memref<1600xi32, #tpu.memory_space<vmem>>) target_semaphore(%run_scoped3A : memref<!tpu.dma_semaphore, #tpu.memory_space<semaphore_mem>>)
      %dma_wait3A_43 = tpu.memref_slice %arg3[%add3A_34] : memref<204800xi32, #tpu.memory_space<hbm>> -> memref<1600xi32, #tpu.memory_space<hbm>>
      %dma_wait3A_44 = tpu.memref_slice %arg3[%add3A_34] : memref<204800xi32, #tpu.memory_space<hbm>> -> memref<1600xi32, #tpu.memory_space<hbm>>
      tpu.wait_dma2 semaphore(%run_scoped3A : memref<!tpu.dma_semaphore, #tpu.memory_space<semaphore_mem>>) src(%dma_wait3A_44 : memref<1600xi32, #tpu.memory_space<hbm>>) dst(%arg7 : memref<1600xi32, #tpu.memory_space<vmem>>)
      tpu.yield
    }) : () -> ()
    %dma_start3A_35 = arith.constant 0 : i32
    %dma_start3A_36 = arith.constant 0 : i32
    %dma_start3A_37 = tpu.memref_slice %arg2[%dma_start3A_35, %dma_start3A_36] : memref<1000000x32xf32, #tpu.memory_space<hbm>> -> memref<1000000x32xf32, #tpu.memory_space<hbm>>
    tpu.enqueue_indirect_dma source(%dma_start3A_37 : memref<1000000x32xf32, #tpu.memory_space<hbm>>) target(%arg8 : memref<1600x32xf32, #tpu.memory_space<vmem>>) offsets(%arg7 : memref<1600xi32, #tpu.memory_space<vmem>>) semaphore(%arg11 : memref<!tpu.dma_semaphore, #tpu.memory_space<semaphore_mem>>)
    %dma_wait3A_38 = arith.constant 0 : i32
    %dma_wait3A_39 = arith.constant 0 : i32
    %dma_wait3A_40 = tpu.memref_slice %arg2[%dma_wait3A_38, %dma_wait3A_39] : memref<1000000x32xf32, #tpu.memory_space<hbm>> -> memref<1000000x32xf32, #tpu.memory_space<hbm>>
    tpu.wait_indirect_dma semaphore(%arg11 : memref<!tpu.dma_semaphore, #tpu.memory_space<semaphore_mem>>) src(%dma_wait3A_40 : memref<1000000x32xf32, #tpu.memory_space<hbm>>) dst(%arg8 : memref<1600x32xf32, #tpu.memory_space<vmem>>)
    "tpu.region"() ({
      %run_scoped3A = tpu.sem_alloc : memref<!tpu.dma_semaphore, #tpu.memory_space<semaphore_mem>>
      %dma_start3A_41 = arith.constant 0 : i32
      %dma_start3A_42 = tpu.memref_slice %arg5[%add3A_34, %dma_start3A_41] : memref<204800x32xf32, #tpu.memory_space<hbm>> -> memref<1600x32xf32, #tpu.memory_space<hbm>>
      %dma_start3A_43 = arith.constant 0 : i32
      %dma_start3A_44 = tpu.memref_slice %arg5[%add3A_34, %dma_start3A_43] : memref<204800x32xf32, #tpu.memory_space<hbm>> -> memref<1600x32xf32, #tpu.memory_space<hbm>>
      tpu.enqueue_dma source(%arg8 : memref<1600x32xf32, #tpu.memory_space<vmem>>) target(%dma_start3A_44 : memref<1600x32xf32, #tpu.memory_space<hbm>>) target_semaphore(%run_scoped3A : memref<!tpu.dma_semaphore, #tpu.memory_space<semaphore_mem>>)
      %dma_wait3A_45 = arith.constant 0 : i32
      %dma_wait3A_46 = tpu.memref_slice %arg5[%add3A_34, %dma_wait3A_45] : memref<204800x32xf32, #tpu.memory_space<hbm>> -> memref<1600x32xf32, #tpu.memory_space<hbm>>
      %dma_wait3A_47 = arith.constant 0 : i32
      %dma_wait3A_48 = tpu.memref_slice %arg5[%add3A_34, %dma_wait3A_47] : memref<204800x32xf32, #tpu.memory_space<hbm>> -> memref<1600x32xf32, #tpu.memory_space<hbm>>
      tpu.wait_dma2 semaphore(%run_scoped3A : memref<!tpu.dma_semaphore, #tpu.memory_space<semaphore_mem>>) src(%arg8 : memref<1600x32xf32, #tpu.memory_space<vmem>>) dst(%dma_wait3A_48 : memref<1600x32xf32, #tpu.memory_space<hbm>>)
      tpu.yield
    }) : () -> ()
    return
  }
}

module attributes {stable_mosaic.version = 14 : i64} {
  func.func @body(%arg0: i32, %arg1: memref<50x64x128xf32, #tpu.memory_space<vmem>>, %arg2: memref<50x64x4xi32, #tpu.memory_space<vmem>>, %arg3: memref<64x128xf32, #tpu.memory_space<vmem>>, %arg4: memref<128x320xf32, #tpu.memory_space<vmem>>, %arg5: memref<128x320xf32, #tpu.memory_space<vmem>>, %arg6: memref<128x320xf32, #tpu.memory_space<vmem>>, %arg7: memref<1x320xf32, #tpu.memory_space<vmem>>, %arg8: memref<1x320xf32, #tpu.memory_space<vmem>>, %arg9: memref<320x160xf32, #tpu.memory_space<vmem>>, %arg10: memref<1x160xf32, #tpu.memory_space<vmem>>, %arg11: memref<1x160xf32, #tpu.memory_space<vmem>>, %arg12: memref<160x4xf32, #tpu.memory_space<vmem>>, %arg13: memref<4x128xf32, #tpu.memory_space<vmem>>, %arg14: memref<64x128xf32, #tpu.memory_space<vmem>>) attributes {dimension_semantics = [#tpu.dimension_semantics<arbitrary>], iteration_bounds = array<i64: 16>, scalar_prefetch = 0 : i64, scratch_operands = 0 : i64, tpu.core_type = #tpu.core_type<tc>, window_params = [{transform_indices = @transform_0, window_bounds = array<i64: 50, 64, 128>}, {transform_indices = @transform_1, window_bounds = array<i64: 50, 64, 4>}, {transform_indices = @transform_2, window_bounds = array<i64: 64, 128>}, {pipeline_mode = #tpu.pipeline_mode<synchronous>, transform_indices = @transform_3, window_bounds = array<i64: 128, 320>}, {pipeline_mode = #tpu.pipeline_mode<synchronous>, transform_indices = @transform_4, window_bounds = array<i64: 128, 320>}, {pipeline_mode = #tpu.pipeline_mode<synchronous>, transform_indices = @transform_5, window_bounds = array<i64: 128, 320>}, {pipeline_mode = #tpu.pipeline_mode<synchronous>, transform_indices = @transform_6, window_bounds = array<i64: 1, 320>}, {pipeline_mode = #tpu.pipeline_mode<synchronous>, transform_indices = @transform_7, window_bounds = array<i64: 1, 320>}, {pipeline_mode = #tpu.pipeline_mode<synchronous>, transform_indices = @transform_8, window_bounds = array<i64: 320, 160>}, {pipeline_mode = #tpu.pipeline_mode<synchronous>, transform_indices = @transform_9, window_bounds = array<i64: 1, 160>}, {pipeline_mode = #tpu.pipeline_mode<synchronous>, transform_indices = @transform_10, window_bounds = array<i64: 1, 160>}, {pipeline_mode = #tpu.pipeline_mode<synchronous>, transform_indices = @transform_11, window_bounds = array<i64: 160, 4>}, {pipeline_mode = #tpu.pipeline_mode<synchronous>, transform_indices = @transform_12, window_bounds = array<i64: 4, 128>}, {transform_indices = @transform_13, window_bounds = array<i64: 64, 128>}]} {
    %get3A = arith.constant 0 : index
    %get3A_0 = arith.constant 0 : index
    %get3A_1 = arith.constant 0 : index
    %get3A_2 = vector.load %arg1[%get3A, %get3A_0, %get3A_1] : memref<50x64x128xf32, #tpu.memory_space<vmem>>, vector<50x64x128xf32>
    %reshape3A = vector.shape_cast %get3A_2 : vector<50x64x128xf32> to vector<3200x128xf32>
    %get3A_3 = arith.constant 0 : index
    %get3A_4 = arith.constant 0 : index
    %get3A_5 = vector.load %arg3[%get3A_3, %get3A_4] : memref<64x128xf32, #tpu.memory_space<vmem>>, vector<64x128xf32>
    %concatenate3A = tpu.concatenate %get3A_5, %get3A_5, %get3A_5, %get3A_5, %get3A_5, %get3A_5, %get3A_5, %get3A_5, %get3A_5, %get3A_5, %get3A_5, %get3A_5, %get3A_5, %get3A_5, %get3A_5, %get3A_5, %get3A_5, %get3A_5, %get3A_5, %get3A_5, %get3A_5, %get3A_5, %get3A_5, %get3A_5, %get3A_5, %get3A_5, %get3A_5, %get3A_5, %get3A_5, %get3A_5, %get3A_5, %get3A_5, %get3A_5, %get3A_5, %get3A_5, %get3A_5, %get3A_5, %get3A_5, %get3A_5, %get3A_5, %get3A_5, %get3A_5, %get3A_5, %get3A_5, %get3A_5, %get3A_5, %get3A_5, %get3A_5, %get3A_5, %get3A_5 in 0 : vector<64x128xf32>, vector<64x128xf32>, vector<64x128xf32>, vector<64x128xf32>, vector<64x128xf32>, vector<64x128xf32>, vector<64x128xf32>, vector<64x128xf32>, vector<64x128xf32>, vector<64x128xf32>, vector<64x128xf32>, vector<64x128xf32>, vector<64x128xf32>, vector<64x128xf32>, vector<64x128xf32>, vector<64x128xf32>, vector<64x128xf32>, vector<64x128xf32>, vector<64x128xf32>, vector<64x128xf32>, vector<64x128xf32>, vector<64x128xf32>, vector<64x128xf32>, vector<64x128xf32>, vector<64x128xf32>, vector<64x128xf32>, vector<64x128xf32>, vector<64x128xf32>, vector<64x128xf32>, vector<64x128xf32>, vector<64x128xf32>, vector<64x128xf32>, vector<64x128xf32>, vector<64x128xf32>, vector<64x128xf32>, vector<64x128xf32>, vector<64x128xf32>, vector<64x128xf32>, vector<64x128xf32>, vector<64x128xf32>, vector<64x128xf32>, vector<64x128xf32>, vector<64x128xf32>, vector<64x128xf32>, vector<64x128xf32>, vector<64x128xf32>, vector<64x128xf32>, vector<64x128xf32>, vector<64x128xf32>, vector<64x128xf32> -> vector<3200x128xf32>
    %get3A_6 = arith.constant 0 : index
    %get3A_7 = arith.constant 0 : index
    %get3A_8 = vector.load %arg4[%get3A_6, %get3A_7] : memref<128x320xf32, #tpu.memory_space<vmem>>, vector<128x320xf32>
    %dot_general3A = arith.constant dense<0.000000e+00> : vector<64x320xf32>
    %dot_general3A_9 = tpu.matmul %get3A_5, %get3A_8, %dot_general3A {dimension_numbers = #tpu.dot_dimension_numbers<[1], [0], [0], [1], [0, 0, 1, 1], [], []>, transpose_lhs_hint = false} : vector<64x128xf32>, vector<128x320xf32>, vector<64x320xf32> -> vector<64x320xf32>
    %get3A_10 = arith.constant 0 : index
    %get3A_11 = arith.constant 0 : index
    %get3A_12 = vector.load %arg7[%get3A_10, %get3A_11] : memref<1x320xf32, #tpu.memory_space<vmem>>, vector<1x320xf32>
    %add3A = vector.broadcast %get3A_12 : vector<1x320xf32> to vector<64x320xf32>
    %add3A_13 = arith.addf %dot_general3A_9, %add3A : vector<64x320xf32>
    %get3A_14 = arith.constant 0 : index
    %get3A_15 = arith.constant 0 : index
    %get3A_16 = vector.load %arg5[%get3A_14, %get3A_15] : memref<128x320xf32, #tpu.memory_space<vmem>>, vector<128x320xf32>
    %dot_general3A_17 = arith.constant dense<0.000000e+00> : vector<3200x320xf32>
    %dot_general3A_18 = tpu.matmul %reshape3A, %get3A_16, %dot_general3A_17 {dimension_numbers = #tpu.dot_dimension_numbers<[1], [0], [0], [1], [0, 0, 1, 1], [], []>, transpose_lhs_hint = false} : vector<3200x128xf32>, vector<128x320xf32>, vector<3200x320xf32> -> vector<3200x320xf32>
    %mul3A = arith.mulf %concatenate3A, %reshape3A : vector<3200x128xf32>
    %get3A_19 = arith.constant 0 : index
    %get3A_20 = arith.constant 0 : index
    %get3A_21 = vector.load %arg6[%get3A_19, %get3A_20] : memref<128x320xf32, #tpu.memory_space<vmem>>, vector<128x320xf32>
    %dot_general3A_22 = arith.constant dense<0.000000e+00> : vector<3200x320xf32>
    %dot_general3A_23 = tpu.matmul %mul3A, %get3A_21, %dot_general3A_22 {dimension_numbers = #tpu.dot_dimension_numbers<[1], [0], [0], [1], [0, 0, 1, 1], [], []>, transpose_lhs_hint = false} : vector<3200x128xf32>, vector<128x320xf32>, vector<3200x320xf32> -> vector<3200x320xf32>
    %add3A_24 = arith.addf %dot_general3A_18, %dot_general3A_23 : vector<3200x320xf32>
    %concatenate3A_25 = tpu.concatenate %add3A_13, %add3A_13, %add3A_13, %add3A_13, %add3A_13, %add3A_13, %add3A_13, %add3A_13, %add3A_13, %add3A_13, %add3A_13, %add3A_13, %add3A_13, %add3A_13, %add3A_13, %add3A_13, %add3A_13, %add3A_13, %add3A_13, %add3A_13, %add3A_13, %add3A_13, %add3A_13, %add3A_13, %add3A_13, %add3A_13, %add3A_13, %add3A_13, %add3A_13, %add3A_13, %add3A_13, %add3A_13, %add3A_13, %add3A_13, %add3A_13, %add3A_13, %add3A_13, %add3A_13, %add3A_13, %add3A_13, %add3A_13, %add3A_13, %add3A_13, %add3A_13, %add3A_13, %add3A_13, %add3A_13, %add3A_13, %add3A_13, %add3A_13 in 0 : vector<64x320xf32>, vector<64x320xf32>, vector<64x320xf32>, vector<64x320xf32>, vector<64x320xf32>, vector<64x320xf32>, vector<64x320xf32>, vector<64x320xf32>, vector<64x320xf32>, vector<64x320xf32>, vector<64x320xf32>, vector<64x320xf32>, vector<64x320xf32>, vector<64x320xf32>, vector<64x320xf32>, vector<64x320xf32>, vector<64x320xf32>, vector<64x320xf32>, vector<64x320xf32>, vector<64x320xf32>, vector<64x320xf32>, vector<64x320xf32>, vector<64x320xf32>, vector<64x320xf32>, vector<64x320xf32>, vector<64x320xf32>, vector<64x320xf32>, vector<64x320xf32>, vector<64x320xf32>, vector<64x320xf32>, vector<64x320xf32>, vector<64x320xf32>, vector<64x320xf32>, vector<64x320xf32>, vector<64x320xf32>, vector<64x320xf32>, vector<64x320xf32>, vector<64x320xf32>, vector<64x320xf32>, vector<64x320xf32>, vector<64x320xf32>, vector<64x320xf32>, vector<64x320xf32>, vector<64x320xf32>, vector<64x320xf32>, vector<64x320xf32>, vector<64x320xf32>, vector<64x320xf32>, vector<64x320xf32>, vector<64x320xf32> -> vector<3200x320xf32>
    %add3A_26 = arith.addf %add3A_24, %concatenate3A_25 : vector<3200x320xf32>
    %gt3A = arith.constant 0.000000e+00 : f32
    %gt3A_27 = vector.broadcast %gt3A : f32 to vector<3200x320xf32>
    %gt3A_28 = arith.cmpf ogt, %add3A_26, %gt3A_27 : vector<3200x320xf32>
    %get3A_29 = arith.constant 0 : index
    %get3A_30 = arith.constant 0 : index
    %get3A_31 = vector.load %arg8[%get3A_29, %get3A_30] : memref<1x320xf32, #tpu.memory_space<vmem>>, vector<1x320xf32>
    %mul3A_32 = vector.broadcast %get3A_31 : vector<1x320xf32> to vector<3200x320xf32>
    %mul3A_33 = arith.mulf %mul3A_32, %add3A_26 : vector<3200x320xf32>
    %select_n3A = arith.select %gt3A_28, %add3A_26, %mul3A_33 : vector<3200x320xi1>, vector<3200x320xf32>
    %get3A_34 = arith.constant 0 : index
    %get3A_35 = arith.constant 0 : index
    %get3A_36 = vector.load %arg9[%get3A_34, %get3A_35] : memref<320x160xf32, #tpu.memory_space<vmem>>, vector<320x160xf32>
    %dot_general3A_37 = arith.constant dense<0.000000e+00> : vector<3200x160xf32>
    %dot_general3A_38 = tpu.matmul %select_n3A, %get3A_36, %dot_general3A_37 {dimension_numbers = #tpu.dot_dimension_numbers<[1], [0], [0], [1], [0, 0, 1, 1], [], []>, transpose_lhs_hint = false} : vector<3200x320xf32>, vector<320x160xf32>, vector<3200x160xf32> -> vector<3200x160xf32>
    %get3A_39 = arith.constant 0 : index
    %get3A_40 = arith.constant 0 : index
    %get3A_41 = vector.load %arg10[%get3A_39, %get3A_40] : memref<1x160xf32, #tpu.memory_space<vmem>>, vector<1x160xf32>
    %add3A_42 = vector.broadcast %get3A_41 : vector<1x160xf32> to vector<3200x160xf32>
    %add3A_43 = arith.addf %dot_general3A_38, %add3A_42 : vector<3200x160xf32>
    %gt3A_44 = arith.constant 0.000000e+00 : f32
    %gt3A_45 = vector.broadcast %gt3A_44 : f32 to vector<3200x160xf32>
    %gt3A_46 = arith.cmpf ogt, %add3A_43, %gt3A_45 : vector<3200x160xf32>
    %get3A_47 = arith.constant 0 : index
    %get3A_48 = arith.constant 0 : index
    %get3A_49 = vector.load %arg11[%get3A_47, %get3A_48] : memref<1x160xf32, #tpu.memory_space<vmem>>, vector<1x160xf32>
    %mul3A_50 = vector.broadcast %get3A_49 : vector<1x160xf32> to vector<3200x160xf32>
    %mul3A_51 = arith.mulf %mul3A_50, %add3A_43 : vector<3200x160xf32>
    %select_n3A_52 = arith.select %gt3A_46, %add3A_43, %mul3A_51 : vector<3200x160xi1>, vector<3200x160xf32>
    %get3A_53 = arith.constant 0 : index
    %get3A_54 = arith.constant 0 : index
    %get3A_55 = vector.load %arg12[%get3A_53, %get3A_54] : memref<160x4xf32, #tpu.memory_space<vmem>>, vector<160x4xf32>
    %dot_general3A_56 = arith.constant dense<0.000000e+00> : vector<3200x4xf32>
    %dot_general3A_57 = tpu.matmul %select_n3A_52, %get3A_55, %dot_general3A_56 {dimension_numbers = #tpu.dot_dimension_numbers<[1], [0], [0], [1], [0, 0, 1, 1], [], []>, transpose_lhs_hint = false} : vector<3200x160xf32>, vector<160x4xf32>, vector<3200x4xf32> -> vector<3200x4xf32>
    %reshape3A_58 = vector.shape_cast %dot_general3A_57 : vector<3200x4xf32> to vector<50x64x4xf32>
    %get3A_59 = arith.constant 0 : index
    %get3A_60 = arith.constant 0 : index
    %get3A_61 = arith.constant 0 : index
    %get3A_62 = vector.load %arg2[%get3A_59, %get3A_60, %get3A_61] : memref<50x64x4xi32, #tpu.memory_space<vmem>>, vector<50x64x4xi32>
    %ne3A = arith.constant 0 : i32
    %ne3A_63 = vector.broadcast %ne3A : i32 to vector<50x64x4xi32>
    %ne3A_64 = arith.cmpi ne, %get3A_62, %ne3A_63 : vector<50x64x4xi32>
    %jit3A = arith.constant -1.000000e+09 : f32
    %broadcast_in_dim3A = vector.broadcast %jit3A : f32 to vector<50x64x4xf32>
    %select_n3A_65 = arith.select %ne3A_64, %reshape3A_58, %broadcast_in_dim3A : vector<50x64x4xi1>, vector<50x64x4xf32>
    %reduce_max3A = arith.constant dense<0xFF800000> : vector<64x4xf32>
    %reduce_max3A_66 = vector.multi_reduction <maximumf>, %select_n3A_65, %reduce_max3A [0] : vector<50x64x4xf32> to vector<64x4xf32>
    %broadcast_in_dim3A_67 = vector.shape_cast %reduce_max3A_66 : vector<64x4xf32> to vector<1x64x4xf32>
    %sub3A = vector.broadcast %broadcast_in_dim3A_67 : vector<1x64x4xf32> to vector<50x64x4xf32>
    %sub3A_68 = arith.subf %select_n3A_65, %sub3A : vector<50x64x4xf32>
    %exp3A = math.exp %sub3A_68 : vector<50x64x4xf32>
    %reduce_sum3A = arith.constant dense<0.000000e+00> : vector<64x4xf32>
    %reduce_sum3A_69 = vector.multi_reduction <add>, %exp3A, %reduce_sum3A [0] : vector<50x64x4xf32> to vector<64x4xf32>
    %broadcast_in_dim3A_70 = vector.shape_cast %reduce_sum3A_69 : vector<64x4xf32> to vector<1x64x4xf32>
    %div3A = vector.broadcast %broadcast_in_dim3A_70 : vector<1x64x4xf32> to vector<50x64x4xf32>
    %div3A_71 = arith.divf %exp3A, %div3A : vector<50x64x4xf32>
    %reshape3A_72 = vector.shape_cast %div3A_71 : vector<50x64x4xf32> to vector<3200x4xf32>
    %get3A_73 = arith.constant 0 : index
    %get3A_74 = arith.constant 0 : index
    %get3A_75 = vector.load %arg13[%get3A_73, %get3A_74] : memref<4x128xf32, #tpu.memory_space<vmem>>, vector<4x128xf32>
    %dot_general3A_76 = arith.constant dense<0.000000e+00> : vector<3200x128xf32>
    %dot_general3A_77 = tpu.matmul %reshape3A_72, %get3A_75, %dot_general3A_76 {dimension_numbers = #tpu.dot_dimension_numbers<[1], [0], [0], [1], [0, 0, 1, 1], [], []>, transpose_lhs_hint = false} : vector<3200x4xf32>, vector<4x128xf32>, vector<3200x128xf32> -> vector<3200x128xf32>
    %reshape3A_78 = vector.shape_cast %dot_general3A_77 : vector<3200x128xf32> to vector<50x64x128xf32>
    %mul3A_79 = arith.mulf %reshape3A_78, %get3A_2 : vector<50x64x128xf32>
    %reduce_sum3A_80 = arith.constant dense<0.000000e+00> : vector<64x128xf32>
    %reduce_sum3A_81 = vector.multi_reduction <add>, %mul3A_79, %reduce_sum3A_80 [0] : vector<50x64x128xf32> to vector<64x128xf32>
    %swap3A = arith.constant 0 : index
    %swap3A_82 = arith.constant 0 : index
    %swap3A_83 = vector.load %arg14[%swap3A, %swap3A_82] : memref<64x128xf32, #tpu.memory_space<vmem>>, vector<64x128xf32>
    tpu.vector_store %arg14[%swap3A, %swap3A_82], %reduce_sum3A_81 {strides = array<i32>} : memref<64x128xf32, #tpu.memory_space<vmem>>, vector<64x128xf32>,
    return
  }
  func.func @transform_0(%arg0: i32) -> (i32, i32, i32) {
    %c0_i32 = arith.constant 0 : i32
    %c0_i32_0 = arith.constant 0 : i32
    %c0_i32_1 = arith.constant 0 : i32
    return %c0_i32, %arg0, %c0_i32_0 : i32, i32, i32
  }
  func.func @transform_1(%arg0: i32) -> (i32, i32, i32) {
    %c0_i32 = arith.constant 0 : i32
    %c0_i32_0 = arith.constant 0 : i32
    %c0_i32_1 = arith.constant 0 : i32
    return %c0_i32, %arg0, %c0_i32_0 : i32, i32, i32
  }
  func.func @transform_2(%arg0: i32) -> (i32, i32) {
    %c0_i32 = arith.constant 0 : i32
    %c0_i32_0 = arith.constant 0 : i32
    return %arg0, %c0_i32 : i32, i32
  }
  func.func @transform_3(%arg0: i32) -> (i32, i32) {
    %c0_i32 = arith.constant 0 : i32
    %c0_i32_0 = arith.constant 0 : i32
    %c0_i32_1 = arith.constant 0 : i32
    return %c0_i32, %c0_i32_0 : i32, i32
  }
  func.func @transform_4(%arg0: i32) -> (i32, i32) {
    %c0_i32 = arith.constant 0 : i32
    %c0_i32_0 = arith.constant 0 : i32
    %c0_i32_1 = arith.constant 0 : i32
    return %c0_i32, %c0_i32_0 : i32, i32
  }
  func.func @transform_5(%arg0: i32) -> (i32, i32) {
    %c0_i32 = arith.constant 0 : i32
    %c0_i32_0 = arith.constant 0 : i32
    %c0_i32_1 = arith.constant 0 : i32
    return %c0_i32, %c0_i32_0 : i32, i32
  }
  func.func @transform_6(%arg0: i32) -> (i32, i32) {
    %c0_i32 = arith.constant 0 : i32
    %c0_i32_0 = arith.constant 0 : i32
    %c0_i32_1 = arith.constant 0 : i32
    return %c0_i32, %c0_i32_0 : i32, i32
  }
  func.func @transform_7(%arg0: i32) -> (i32, i32) {
    %c0_i32 = arith.constant 0 : i32
    %c0_i32_0 = arith.constant 0 : i32
    %c0_i32_1 = arith.constant 0 : i32
    return %c0_i32, %c0_i32_0 : i32, i32
  }
  func.func @transform_8(%arg0: i32) -> (i32, i32) {
    %c0_i32 = arith.constant 0 : i32
    %c0_i32_0 = arith.constant 0 : i32
    %c0_i32_1 = arith.constant 0 : i32
    return %c0_i32, %c0_i32_0 : i32, i32
  }
  func.func @transform_9(%arg0: i32) -> (i32, i32) {
    %c0_i32 = arith.constant 0 : i32
    %c0_i32_0 = arith.constant 0 : i32
    %c0_i32_1 = arith.constant 0 : i32
    return %c0_i32, %c0_i32_0 : i32, i32
  }
  func.func @transform_10(%arg0: i32) -> (i32, i32) {
    %c0_i32 = arith.constant 0 : i32
    %c0_i32_0 = arith.constant 0 : i32
    %c0_i32_1 = arith.constant 0 : i32
    return %c0_i32, %c0_i32_0 : i32, i32
  }
  func.func @transform_11(%arg0: i32) -> (i32, i32) {
    %c0_i32 = arith.constant 0 : i32
    %c0_i32_0 = arith.constant 0 : i32
    %c0_i32_1 = arith.constant 0 : i32
    return %c0_i32, %c0_i32_0 : i32, i32
  }
  func.func @transform_12(%arg0: i32) -> (i32, i32) {
    %c0_i32 = arith.constant 0 : i32
    %c0_i32_0 = arith.constant 0 : i32
    %c0_i32_1 = arith.constant 0 : i32
    return %c0_i32, %c0_i32_0 : i32, i32
  }
  func.func @transform_13(%arg0: i32) -> (i32, i32) {
    %c0_i32 = arith.constant 0 : i32
    %c0_i32_0 = arith.constant 0 : i32
    return %arg0, %c0_i32 : i32, i32
  }
}

</mosaic_0001>

<sc_bundles>
// kernel: kernel.5.cloned.1.call-start
scs
__scs_entry_jumppad:
0x0: {  	(pc) =	sbr.rel $0x88, $3  }
0x1: {  	(tag) =	ssettag $0x0;
	lr =	simm.s32 $0x1  }
0x2: {  	[smem:$0x3F97] =	sst lr;
	_ =	strace $0xD0000000  }
0x3: {  	_ = 	snop  }
0x4: {  	_ = 	snop  }
0x5: {  	_ = 	snop  }
0x6: {  	_ = 	snop  }
0x7: {  	_ = 	snop  }
__scs_overlays_trampoline_lowered:
0x8: {  	[smem:$0x3FA6] =	sst s0  }
0x9: {  	[smem:$0x3FA7] =	sst s1  }
0xa: {  	[smem:$0x3FA8] =	sst s2  }
0xb: {  	[smem:$0x3FA9] =	sst s3  }
0xc: {  	[smem:$0x3FAA] =	sst s4  }
0xd: {  	[smem:$0x3FAB] =	sst s5  }
0xe: {  	[smem:$0x3FAC] =	sst s6  }
0xf: {  	[smem:$0x3FAD] =	sst s7  }
0x10: {  	[smem:$0x3FAE] =	sst s8  }
0x11: {  	[smem:$0x3FAF] =	sst s9;
	s0 =	simm.s32 @!p0 $0x0  }
0x12: {  	s1 =	sld [smem:$0x3F95];
	s0 =	simm.s32 @p0 $0x1  }
0x13: {  	[smem:$0x3FB0] =	sst s0;
	s0 =	simm.s32 @!p1 $0x0  }
0x14: {  	s2 =	sld [smem:$0x3F94];
	s0 =	simm.s32 @p1 $0x1  }
0x15: {  	[smem:$0x3FB1] =	sst s0;
	s0 =	simm.s32 @!p2 $0x0  }
0x16: {  	s3 =	sld [smem:$0x3FDB];
	s0 =	simm.s32 @p2 $0x1  }
0x17: {  	s4 =	simm.s32 $0x1BF5;
	[smem:$0x3FB3] =	sst s0  }
0x18: {  	s0 =	sld [smem:$0x3F96];
	_ =	swait.ge [sflag:s4], $0x0  }
0x19: {  	s7 =	sld [smem:$0x3F97]  }
0x1a: {  	s8 =	sadd.s32 $0xFFFFE003, lr  }
0x1b: {  	s9 =	sadd.s32 $0xFFFFFEF7, lr;
	s5 =	simm.s32 $0xFFFFFFFF;
	p2 =	slt.u32 s8, $0xFFFFF086  }
0x1c: {  	p1 =	slt.u32 s9, $0xF7A;
	s5 =	simm.s32 @!p2 $0x0  }
0x1d: {  	s5 =	simm.s32 @p1 $0x1;
	p0 =	seq.s32 s7, s2  }
0x1e: {  	s7 =	smul.u32 @!p0 $0xF7A, s2;
	p2 =	seq.s32 @!p0 s5, $0x0  }
0x1f: {  	s9 =	smul.u32 $0xF7A, s1;
	s8 =	simm.s32 @!p0 $0x1BF5;
	p2 =	por !p2, p0  }
0x20: {  	[sflag:s8] =	ssyncset.s32 @!p0 $0xFFFFF086;
	s6 =	sadd.s32 @!p0 s3, s7;
	s7 =	simm.s32 @!p0 $0x108  }
0x21: {  	s3 =	sadd.s32 s3, s9;
	s6 =	sadd.s32 @!p0 $0x88, s6;
	s7 =	simm.s32 @p2 $0x1082  }
0x22: {  	[simem:s7], [sflag:s8] =	dma.local @!p0 [hbm:s6], $0xF7A  }
0x23: {  	s9 =	sor.u32 $0xD0000000, s2;
	s6 =	simm.s32 $0x108;
	_ =	swait.ge @!p0 [sflag:s8], $0x0  }
0x24: {  	s3 =	sadd.s32 $0x88, s3;
	s6 =	simm.s32 @!p1 $0x1082;
	[sflag:s4] =	ssyncset.s32 $0xFFFFF086  }
0x25: {  	[simem:s6], [sflag:s4] =	dma.local [hbm:s3], $0xF7A  }
0x26: {  	[smem:$0x3F97] =	sst s1;
	(tag) =	ssettag s2;
	_ =	strace s9  }
0x27: {  	s1 =	sld [smem:$0x3FA7]  }
0x28: {  	s2 =	sld [smem:$0x3FA8]  }
0x29: {  	s4 =	sld [smem:$0x3FAA]  }
0x2a: {  	p0 =	seq.s32 s5, $0x0;
	s5 =	sld [smem:$0x3FAB]  }
0x2b: {  	s6 =	sld [smem:$0x3FAC]  }
0x2c: {  	s7 =	sld [smem:$0x3FAD]  }
0x2d: {  	s3 =	simm.s32 $0x108;
	s8 =	sld [smem:$0x3FAE]  }
0x2e: {  	s3 =	simm.s32 @!p0 $0x1082;
	s9 =	sld [smem:$0x3FAF]  }
0x2f: {  	lr =	sadd.s32 s0, s3;
	s0 =	sld [smem:$0x3FA6]  }
0x30: {  	s3 =	sld [smem:$0x3FA9]  }
0x31: {  	[smem:$0x3FB2] =	sst s10  }
0x32: {  	s10 =	sld [smem:$0x3FB0];
	_ =	sdelay $0x3  }
0x33: {  	p0 =	seq.s32 s10, $0x1;
	s10 =	sld [smem:$0x3FB2];
	_ =	sdelay $0x3  }
0x34: {  	[smem:$0x3FB2] =	sst s10  }
0x35: {  	s10 =	sld [smem:$0x3FB1];
	_ =	sdelay $0x3  }
0x36: {  	p1 =	seq.s32 s10, $0x1;
	s10 =	sld [smem:$0x3FB2];
	_ =	sdelay $0x3  }
0x37: {  	[smem:$0x3FB2] =	sst s10  }
0x38: {  	s10 =	sld [smem:$0x3FB3]  }
0x39: {  	_ = 	snop;
	(pc) =	sbr.ind lr, $3  }
0x3a: {  	_ = 	snop  }
0x3b: {  	_ = 	snop  }
0x3c: {  	p2 =	seq.s32 s10, $0x1;
	s10 =	sld [smem:$0x3FB2]  }
0x3d: {  	_ =	shalt  }
0x3e: {  	_ =	shalt  }
0x3f: {  	_ =	shalt  }
0x40: {  	_ =	shalt  }
0x41: {  	_ =	shalt  }
0x42: {  	_ =	shalt  }
0x43: {  	_ =	shalt  }
0x44: {  	_ =	shalt  }
0x45: {  	_ =	shalt  }
0x46: {  	_ =	shalt  }
0x47: {  	_ =	shalt  }
0x48: {  	_ =	shalt  }
0x49: {  	_ =	shalt  }
0x4a: {  	_ =	shalt  }
0x4b: {  	_ =	shalt  }
0x4c: {  	_ =	shalt  }
0x4d: {  	_ =	shalt  }
0x4e: {  	_ =	shalt  }
0x4f: {  	_ =	shalt  }
0x50: {  	_ =	shalt  }
0x51: {  	_ =	shalt  }
0x52: {  	_ =	shalt  }
0x53: {  	_ =	shalt  }
0x54: {  	_ =	shalt  }
0x55: {  	_ =	shalt  }
0x56: {  	_ =	shalt  }
0x57: {  	_ =	shalt  }
0x58: {  	_ =	shalt  }
0x59: {  	_ =	shalt  }
0x5a: {  	_ =	shalt  }
0x5b: {  	_ =	shalt  }
0x5c: {  	_ =	shalt  }
0x5d: {  	_ =	shalt  }
0x5e: {  	_ =	shalt  }
0x5f: {  	_ =	shalt  }
0x60: {  	_ =	shalt  }
0x61: {  	_ =	shalt  }
0x62: {  	_ =	shalt  }
0x63: {  	_ =	shalt  }
0x64: {  	_ =	shalt  }
0x65: {  	_ =	shalt  }
0x66: {  	_ =	shalt  }
0x67: {  	_ =	shalt  }
0x68: {  	_ =	shalt  }
0x69: {  	_ =	shalt  }
0x6a: {  	_ =	shalt  }
0x6b: {  	_ =	shalt  }
0x6c: {  	_ =	shalt  }
0x6d: {  	_ =	shalt  }
0x6e: {  	_ =	shalt  }
0x6f: {  	_ =	shalt  }
0x70: {  	_ =	shalt  }
0x71: {  	_ =	shalt  }
0x72: {  	_ =	shalt  }
0x73: {  	_ =	shalt  }
0x74: {  	_ =	shalt  }
0x75: {  	_ =	shalt  }
0x76: {  	_ =	shalt  }
0x77: {  	_ =	shalt  }
0x78: {  	_ =	shalt  }
0x79: {  	_ =	shalt  }
0x7a: {  	_ =	shalt  }
0x7b: {  	_ =	shalt  }
0x7c: {  	_ =	shalt  }
0x7d: {  	_ =	shalt  }
0x7e: {  	_ =	shalt  }
0x7f: {  	_ =	shalt  }
0x80: {  	_ =	shalt  }
0x81: {  	_ =	shalt  }
0x82: {  	_ =	shalt  }
0x83: {  	_ =	shalt  }
0x84: {  	_ =	shalt  }
0x85: {  	_ =	shalt  }
0x86: {  	_ =	shalt  }
0x87: {  	_ =	shalt  }
.Lfunc_end0:
.L_simem_size_0:
called_computation_lowered:
.L_overlay_start_0:
0x88: {  	s2 =	sld [smem:$0x3FD9]  }
0x89: {  	s3 =	sld [smem:$0x3FFE];
	_ =	sdelay $0x1  }
0x8a: {  	s1 =	srdreg.scid  }
0x8b: {  	s0 =	sand.u32 $0x1, s1  }
0x8c: {  	s17 =	sshll.u32 s0, $0xA;
	s2 =	sadd.s32 s3, s2  }
0x8d: {  	s2 =	sadd.s32 s2, s17  }
0x8e: {  	[smem:$0x3FBE] =	sst s2  }
0x8f: {  	_ = 	snop  }
0x90: {  	s2 =	sld [smem:$0x3FC7];
	(tm) =	ssettm $0x1  }
0x91: {  	s18 =	sld [smem:$0x3FFB];
	_ =	sdelay $0x3  }
0x92: {  	_ =	strace s18  }
0x93: {  	s3 =	sld [smem:$0x3FFC];
	_ =	sdelay $0x3  }
0x94: {  	_ =	strace s3  }
0x95: {  	s3 =	sld [smem:$0x3FFD];
	_ =	sdelay $0x3  }
0x96: {  	_ =	strace s3  }
0x97: {  	_ =	strace $0x8FFFFFFF  }
0x98: {  	s19 =	sld [smem:$0x3FDB];
	_ =	sdelay $0x1  }
0x99: {  	s4 =	simm.s32 $_scs_section_size  }
0x9a: {  	s5 =	simm.s32 $_size__tile_overlayer_lowered;
	s6 =	simm.s32 $_tile_overlayer_lowered  }
0x9b: {  	s22 =	simm.s32 $0x1BFF;
	s21 =	sshll.u32 s6, $0x1;
	s3 =	sadd.s32 s4, s19  }
0x9c: {  	s7 =	simm.s32 $0x0;
	s20 =	sshll.u32 s5, $0x1;
	s5 =	sadd.s32 s21, s3  }
0x9d: {  	[timem:s7], [sflag:s22] =	dma.local [hbm:s5], s20  }
0x9e: {  	_ =	swait.ge [sflag:s22], s20  }
0x9f: {  	s4 =	ssub.s32 $0x0, s20;
	[sflag:s22] =	ssyncset.done $0x0  }
0xa0: {  	[sflag:s22] =	ssyncadd.s32 s4;
	_ =	sdelay $0x1  }
0xa1: {  	s23 =	simm.s32 $0x1B8B  }
0xa2: {  	_ =	swait.ge [sflag:s23], $0x1  }
0xa3: {  	[sflag:s23] =	ssyncset.done $0x0  }
0xa4: {  	s25 =	simm.s32 $0x1B8E;
	s24 =	sld [smem:$0x3FFE];
	[sflag:s23] =	ssyncadd.s32 $0xFFFFFFFF  }
0xa5: {  	s26 =	simm.s32 $execute0_lowered;
	[smem:$0x3FD2] =	sst s25  }
0xa6: {  	s5 =	sshll.u32 s26, $0x1;
	_ =	strace $0x80000046;
	[dreg:$0x1] =	wrdreg $0xFFFFFFFF  }
0xa7: {  	s28 =	simm.s32 $_size_execute0_lowered;
	s3 =	sadd.s32 s3, s5;
	[dreg:$0x0] =	wrdreg $0x0  }
0xa8: {  	s5 =	sshll.u32 s28, $0x1;
	[dreg:$0x2] =	wrdreg s3  }
0xa9: {  	[dreg:$0x3] =	wrdreg s5  }
0xaa: {  	[dreg:$0x4] =	wrdreg $0xC0  }
0xab: {  	_ =	task [dreg:s7], $0x5FFFF  }
0xac: {  	[dreg:$0x1] =	wrdreg $0xFFFFFFFF  }
0xad: {  	[dreg:$0x0] =	wrdreg $0x60  }
0xae: {  	[dreg:$0x2] =	wrdreg s2  }
0xaf: {  	[dreg:$0x3] =	wrdreg s24  }
0xb0: {  	[dreg:$0x4] =	wrdreg $0x9  }
0xb1: {  	_ =	task.clear_ibuf [dreg:s7], $0x5FFFF;
	_ =	strace $0x90000046  }
0xb2: {  	s29 =	simm.s32 $0x9;
	_ =	strace $0x80000048  }
0xb3: {  	_ =	swait.ge [sflag:s29], $0x1  }
0xb4: {  	[sflag:s29] =	ssyncadd.s32 $0xFFFFFFFF  }
0xb5: {  	_ =	strace $0x90000048  }
0xb6: {  	_ =	sfence  }
0xb7: {  	s30 =	sld [smem:$0x0];
	_ =	sdelay $0x2  }
0xb8: {  	s31 =	sshll.u32 s1, $0xD;
	s1 =	sshrl.u32 s1, $0x2  }
0xb9: {  	s3 =	sand.u32 $0x4000, s31;
	s1 =	sadd.s32 s1, s30  }
0xba: {  	s0 =	sor.u32 s3, s0;
	s1 =	sshll.u32 s1, $0x11  }
0xbb: {  	s0 =	sor.u32 s1, s0  }
0xbc: {  	s0 =	sadd.s32 $0x8F2B, s0  }
0xbd: {  	[sflag:s0] =	ssyncadd.remote.s32 $0x1  }
0xbe: {  	_ =	sfence.sel $0xFFFF  }
0xbf: {  	[dreg:$0x0] =	wrdreg $0xFFFFFFFF;
	(pc) =	sbr.abs _section_cstart, $3  }
0xc0: {  	[dreg:$0x1] =	wrdreg $0xFFFFFFFF  }
0xc1: {  	_ =	task.clear_ibuf [dreg:s7], $0x2FFFF;
	_ =	strace $0x9FFFFFFF  }
0xc2: {  	(tm) =	ssettm $0x7FFFFFFF  }
0xc3: {  	_ =	shalt  }
tec
execute0_lowered:
.L_overlay_start_1:
0x0: {  	(tag) =	ssettag $0x1  }
0x1: {  	s0 =	rddreg [dreg:$0x0]  }
0x2: {  	s1 =	rddreg [dreg:$0x1];
	s2 =	simm.s32 $0x0  }
0x3: {  	s3 =	srdreg.scid;
	s4 =	stileid.u32;
	s12 =	simm.s32 $0x1000  }
0x4: {  	s13 =	simm.s32 $0x7A1400;
	s14 =	simm.s32 $0x1;
	s15 =	simm.s32 $0x4000  }
0x5: {  	s16 =	simm.s32 $0x8000;
	s17 =	simm.s32 $0xC200;
	s18 =	simm.s32 $0x2  }
0x6: {  	s19 =	simm.s32 $0x10200;
	s20 =	simm.s32 $0x3;
	s21 =	simm.s32 $0x4  }
0x7: {  	s24 =	simm.s32 $0x5;
	s25 =	simm.s32 $0x0;
	[smem:$0x7FF] =	sst s2  }
0x8: {  	s3 =	sand.u32 $0x1, s3;
	s4 =	sshll.u32 s4, $0x1;
	s29 =	sadd.s32 $0xF4200, s0  }
0x9: {  	s30 =	sadd.s32 $0x3D2A00, s1;
	_ =	strace $0x80000047;
	[dreg:$0x4] =	wrdreg s29  }
0xa: {  	s31 =	sadd.s32 $0x3D2200, s1;
	s7 =	sor.u32 s3, s4;
	[dreg:$0x5] =	wrdreg s30  }
0xb: {  	s3 =	ssub.s32 $0x2, s3;
	[dreg:$0x7] =	wrdreg s31;
	s4 =	sshll.u32 s7, $0xB  }
.Ltmp0:
0xc: {  	s5 =	sshrl.u32 s3, $0x1;
	s6 =	sshll.u32 s7, $0x9;
	(pc) =	sbr.rel .LBB2_1-.Ltmp0, $4  }
0xd: {  	p0 =	seq.s32 s7, $0x1;
	p1 =	sne.s32 s7, $0x0;
	s8 =	sadd.s32 s4, s1  }
0xe: {  	s9 =	ssub.s32 s3, s5;
	s3 =	sadd.s32 s0, s6;
	s0 =	sadd.s32 $0xF4000, s0  }
0xf: {  	v0 =	vlaneseq.u32;
	s4 =	sadd.s32 $0x2200, s8;
	s28 =	sadd.s32 $0x3C2200, s8;
	[dreg:$0x6] =	wrdreg s0  }
0x10: {  	v1 =	vmul.u32 $0x21, v0;
	s5 =	sadd.s32 $0x8000, s3;
	s11 =	smax.u32 s9, $0x1;
	[dreg:$0x3] =	wrdreg s28  }
.LBB2_27:
0x11: {  	s25 =	sadd.s32 $0x1, s25  }
0x12: {  	p2 =	sne.s32 s25, s11  }
.Ltmp1:
0x13: {  	_ = 	snop;
	(pc) =	sbr.rel @!p2 .LBB2_28-.Ltmp1, $1  }
0x14: {  	_ =	sdelay $0x3  }
.LBB2_1:
0x15: {  	[tilespmem:s2], [sflag:$0x1] =	stream.strided.gather [hbm4b:s3+s12], $0x4000, s13, s12, $0x38;
	[tilespmem:$0x15200] =	vst v63  }
0x16: {  	s26 =	simm.s32 $0x0  }
.LBB2_2:
0x17: {  	_ =	swait.ge [sflag:s14], $0x4000;
	s28 =	sshllo.u32 s26, $0x1  }
0x18: {  	[sflag:s14] =	ssyncset.done $0x0;
	s0 =	sshll.u32 s28, $0xE  }
0x19: {  	p2 =	seq.s32 s26, $0x0;
	[sflag:s14] =	ssyncadd.s32 $0xFFFFC000;
	s0 =	sadd.s32 s0, s3  }
0x1a: {  	[tilespmem:s15], [sflag:$0x2] =	stream.strided.gather [hbm4b:s0+s12], $0x4000, s13, s12, $0x38;
	[tilespmem:$0x15200] =	vst v63  }
0x1b: {  	s0 =	simm.s32 @!p2 $0x3  }
0x1c: {  	_ =	swait.ge @!p2 [sflag:s0], $0x4000  }
0x1d: {  	s29 =	simm.s32 $0x0;
	s30 =	simm.s32 $0x0;
	[sflag:s0] =	ssyncset.done @!p2 $0x0  }
0x1e: {  	s31 =	simm.s32 $0x0;
	[sflag:s0] =	ssyncadd.s32 @!p2 $0xFFFFC000;
	s0 =	simm.s32 $0x0  }
.LBB2_3:
0x1f: {  	s1 =	sand.u32 $0x3000, s30;
	s7 =	sand.u32 $0x380, s31  }
0x20: {  	s1 =	sor.u32 s7, s1  }
0x21: {  	v2 =	vld [tilespmem:s1+$0x0]  }
0x22: {  	v3 =	vld [tilespmem:s1+$0x10]  }
0x23: {  	v6 =	vadd.s32 s0, v1;
	s23 =	sadd.s32 $0x210, s0;
	v4 =	vld [tilespmem:s1+$0x20]  }
0x24: {  	s6 =	sadd.s32 $0x420, s0;
	v8 =	vadd.s32 s23, v1;
	v5 =	vld [tilespmem:s1+$0x30]  }
0x25: {  	s8 =	sadd.s32 $0x630, s0;
	v10 =	vadd.s32 s6, v1;
	v7 =	vld [tilespmem:s1+$0x40]  }
0x26: {  	s9 =	sadd.s32 $0x840, s0;
	v12 =	vadd.s32 s8, v1;
	v9 =	vld [tilespmem:s1+$0x50]  }
0x27: {  	s10 =	sadd.s32 $0xA50, s0;
	v14 =	vadd.s32 s9, v1;
	v11 =	vld [tilespmem:s1+$0x60]  }
0x28: {  	s22 =	sadd.s32 $0xC60, s0;
	v13 =	vld [tilespmem:s1+$0x70];
	[tilespmem:v6+s16+$0x0] =	vst.idx.msk $0xffff, v2;
	v2 =	vadd.s32 s10, v1  }
0x29: {  	s23 =	sadd.s32 $0xE70, s0;
	[tilespmem:v8+s16+$0x0] =	vst.idx.msk $0xffff, v3;
	v3 =	vadd.s32 s22, v1  }
0x2a: {  	v45 =	vadd.s32 s23, v1;
	[tilespmem:v10+s16+$0x0] =	vst.idx.msk $0xffff, v4  }
0x2b: {  	[tilespmem:v12+s16+$0x0] =	vst.idx.msk $0xffff, v5  }
0x2c: {  	[tilespmem:v14+s16+$0x0] =	vst.idx.msk $0xffff, v7  }
0x2d: {  	[tilespmem:v2+s16+$0x0] =	vst.idx.msk $0xffff, v9  }
0x2e: {  	[tilespmem:v3+s16+$0x0] =	vst.idx.msk $0xffff, v11  }
0x2f: {  	[tilespmem:v45+s16+$0x0] =	vst.idx.msk $0xffff, v13  }
0x30: {  	v2 =	vld [tilespmem:s1+$0x400]  }
0x31: {  	s6 =	sadd.s32 $0x1080, s0;
	v3 =	vld [tilespmem:s1+$0x410]  }
0x32: {  	s8 =	sadd.s32 $0x1290, s0;
	v46 =	vadd.s32 s6, v1;
	v4 =	vld [tilespmem:s1+$0x420]  }
0x33: {  	s9 =	sadd.s32 $0x14A0, s0;
	v47 =	vadd.s32 s8, v1;
	v5 =	vld [tilespmem:s1+$0x430]  }
0x34: {  	v48 =	vadd.s32 s9, v1;
	s10 =	sadd.s32 $0x16B0, s0;
	v7 =	vld [tilespmem:s1+$0x440]  }
0x35: {  	v49 =	vadd.s32 s10, v1;
	s22 =	sadd.s32 $0x18C0, s0;
	v9 =	vld [tilespmem:s1+$0x450]  }
0x36: {  	s23 =	sadd.s32 $0x1AD0, s0;
	v50 =	vadd.s32 s22, v1;
	v11 =	vld [tilespmem:s1+$0x460]  }
0x37: {  	s6 =	sadd.s32 $0x1CE0, s0;
	v13 =	vld [tilespmem:s1+$0x470];
	[tilespmem:v46+s16+$0x0] =	vst.idx.msk $0xffff, v2;
	v2 =	vadd.s32 s23, v1  }
0x38: {  	s8 =	sadd.s32 $0x1EF0, s0;
	[tilespmem:v47+s16+$0x0] =	vst.idx.msk $0xffff, v3;
	v3 =	vadd.s32 s6, v1  }
0x39: {  	v51 =	vadd.s32 s8, v1;
	[tilespmem:v48+s16+$0x0] =	vst.idx.msk $0xffff, v4  }
0x3a: {  	[tilespmem:v49+s16+$0x0] =	vst.idx.msk $0xffff, v5  }
0x3b: {  	[tilespmem:v50+s16+$0x0] =	vst.idx.msk $0xffff, v7  }
0x3c: {  	[tilespmem:v2+s16+$0x0] =	vst.idx.msk $0xffff, v9  }
0x3d: {  	[tilespmem:v3+s16+$0x0] =	vst.idx.msk $0xffff, v11  }
0x3e: {  	[tilespmem:v51+s16+$0x0] =	vst.idx.msk $0xffff, v13  }
0x3f: {  	v2 =	vld [tilespmem:s1+$0x800]  }
0x40: {  	s9 =	sadd.s32 $0x2100, s0;
	v3 =	vld [tilespmem:s1+$0x810]  }
0x41: {  	v52 =	vadd.s32 s9, v1;
	s10 =	sadd.s32 $0x2310, s0;
	v4 =	vld [tilespmem:s1+$0x820]  }
0x42: {  	v53 =	vadd.s32 s10, v1;
	s22 =	sadd.s32 $0x2520, s0;
	v5 =	vld [tilespmem:s1+$0x830]  }
0x43: {  	v54 =	vadd.s32 s22, v1;
	s23 =	sadd.s32 $0x2730, s0;
	v7 =	vld [tilespmem:s1+$0x840]  }
0x44: {  	v55 =	vadd.s32 s23, v1;
	s6 =	sadd.s32 $0x2940, s0;
	v9 =	vld [tilespmem:s1+$0x850]  }
0x45: {  	s8 =	sadd.s32 $0x2B50, s0;
	v56 =	vadd.s32 s6, v1;
	v11 =	vld [tilespmem:s1+$0x860]  }
0x46: {  	s9 =	sadd.s32 $0x2D60, s0;
	v13 =	vld [tilespmem:s1+$0x870];
	[tilespmem:v52+s16+$0x0] =	vst.idx.msk $0xffff, v2;
	v2 =	vadd.s32 s8, v1  }
0x47: {  	s10 =	sadd.s32 $0x2F70, s0;
	[tilespmem:v53+s16+$0x0] =	vst.idx.msk $0xffff, v3;
	v3 =	vadd.s32 s9, v1  }
0x48: {  	v57 =	vadd.s32 s10, v1;
	[tilespmem:v54+s16+$0x0] =	vst.idx.msk $0xffff, v4  }
0x49: {  	[tilespmem:v55+s16+$0x0] =	vst.idx.msk $0xffff, v5  }
0x4a: {  	[tilespmem:v56+s16+$0x0] =	vst.idx.msk $0xffff, v7  }
0x4b: {  	[tilespmem:v2+s16+$0x0] =	vst.idx.msk $0xffff, v9  }
0x4c: {  	[tilespmem:v3+s16+$0x0] =	vst.idx.msk $0xffff, v11  }
0x4d: {  	[tilespmem:v57+s16+$0x0] =	vst.idx.msk $0xffff, v13  }
0x4e: {  	v2 =	vld [tilespmem:s1+$0xC00]  }
0x4f: {  	s22 =	sadd.s32 $0x3180, s0;
	v3 =	vld [tilespmem:s1+$0xC10]  }
0x50: {  	v58 =	vadd.s32 s22, v1;
	s23 =	sadd.s32 $0x3390, s0;
	v4 =	vld [tilespmem:s1+$0xC20]  }
0x51: {  	v59 =	vadd.s32 s23, v1;
	s6 =	sadd.s32 $0x35A0, s0;
	v5 =	vld [tilespmem:s1+$0xC30]  }
0x52: {  	v60 =	vadd.s32 s6, v1;
	s8 =	sadd.s32 $0x37B0, s0;
	v7 =	vld [tilespmem:s1+$0xC40]  }
0x53: {  	v61 =	vadd.s32 s8, v1;
	s9 =	sadd.s32 $0x39C0, s0;
	v9 =	vld [tilespmem:s1+$0xC50]  }
0x54: {  	s10 =	sadd.s32 $0x3BD0, s0;
	v62 =	vadd.s32 s9, v1;
	v11 =	vld [tilespmem:s1+$0xC60]  }
0x55: {  	s22 =	sadd.s32 $0x3DE0, s0;
	v13 =	vld [tilespmem:s1+$0xC70];
	[tilespmem:v58+s16+$0x0] =	vst.idx.msk $0xffff, v2;
	v2 =	vadd.s32 s10, v1  }
0x56: {  	s23 =	sadd.s32 $0x3FF0, s0;
	[tilespmem:v59+s16+$0x0] =	vst.idx.msk $0xffff, v3;
	v3 =	vadd.s32 s22, v1  }
0x57: {  	p3 =	sne.s32 s0, $0x1F;
	v63 =	vadd.s32 s23, v1;
	[tilespmem:v60+s16+$0x0] =	vst.idx.msk $0xffff, v4  }
.Ltmp2:
0x58: {  	[tilespmem:v61+s16+$0x0] =	vst.idx.msk $0xffff, v5;
	(pc) =	sbr.rel @p3 .LBB2_3-.Ltmp2, $4  }
0x59: {  	[tilespmem:v62+s16+$0x0] =	vst.idx.msk $0xffff, v7  }
0x5a: {  	[tilespmem:v2+s16+$0x0] =	vst.idx.msk $0xffff, v9  }
0x5b: {  	[tilespmem:v3+s16+$0x0] =	vst.idx.msk $0xffff, v11  }
0x5c: {  	s31 =	sadd.s32 $0x80, s31;
	s30 =	sadd.s32 $0x200, s30;
	s0 =	sadd.s32 $0x1, s0;
	[tilespmem:v63+s16+$0x0] =	vst.idx.msk $0xffff, v13  }
0x5d: {  	s0 =	simm.s32 $0x21;
	v3 =	vadd.s32 s29, v0  }
0x5e: {  	s6 =	simm.s32 $0x10;
	v2 =	vadd.s32 s0, v0  }
0x5f: {  	s7 =	simm.s32 $0x31;
	v4 =	vadd.s32 s6, v0  }
0x60: {  	s8 =	simm.s32 $0x42;
	v5 =	vadd.s32 s7, v0  }
0x61: {  	s10 =	simm.s32 $0x63;
	v6 =	vadd.s32 s8, v0  }
0x62: {  	s9 =	simm.s32 $0x52;
	v8 =	vld.idx.msk [tilespmem:v3+s16+$0x0], $0xffff;
	v3 =	vadd.s32 s10, v0  }
0x63: {  	s22 =	simm.s32 $0x73;
	v7 =	vld.idx.msk [tilespmem:v2+s16+$0x0], $0xffff;
	v2 =	vadd.s32 s9, v0  }
0x64: {  	v10 =	vadd.s32 s22, v0;
	v9 =	vld.idx.msk [tilespmem:v4+s16+$0x0], $0xffff  }
0x65: {  	v5 =	vld.idx.msk [tilespmem:v5+s16+$0x0], $0xffff  }
0x66: {  	v11 =	vld.idx.msk [tilespmem:v6+s16+$0x0], $0xffff  }
0x67: {  	v3 =	vld.idx.msk [tilespmem:v3+s16+$0x0], $0xffff  }
0x68: {  	s22 =	simm.s32 $0xC240;
	v4 =	vld.idx.msk [tilespmem:v2+s16+$0x0], $0xffff  }
0x69: {  	s23 =	simm.s32 $0x60;
	s30 =	simm.s32 $0x84;
	v2 =	vld.idx.msk [tilespmem:v10+s16+$0x0], $0xffff;
	[tilespmem:s22+$0xFFFFFFD0] =	vst v9  }
0x6a: {  	s1 =	simm.s32 $0xE0;
	s29 =	simm.s32 $0xC2C0;
	s7 =	simm.s32 $0x20;
	[tilespmem:s22+$0xFFFFFFE0] =	vst v7  }
0x6b: {  	s31 =	sor.u32 $0x70, s23;
	s0 =	sor.u32 $0x70, s1;
	s7 =	sor.u32 $0x30, s7;
	[tilespmem:s22+$0xFFFFFFC0] =	vst v8  }
0x6c: {  	s8 =	simm.s32 $0x108;
	s23 =	simm.s32 $0xA5;
	s9 =	simm.s32 $0x40;
	[tilespmem:s7+$0xC200] =	vst v5  }
0x6d: {  	v6 =	vadd.s32 s30, v0;
	s7 =	sor.u32 $0x50, s9;
	v5 =	vadd.s32 s23, v0;
	s9 =	simm.s32 $0x94;
	s23 =	simm.s32 $0x160;
	[tilespmem:s22+$0x0] =	vst v11  }
.LBB2_5:
0x6e: {  	s10 =	sor.u32 $0x70, s23  }
0x6f: {  	v7 =	vadd.s32 s9, v0;
	s9 =	sadd.s32 $0x31, s30;
	[tilespmem:s7+$0xC200] =	vst v4;
	s7 =	smov.u32 s8;
	s6 =	sadd.s32 $0x84, s8  }
0x70: {  	p3 =	sne.s32 s8, $0x417C;
	s8 =	sadd.s32 $0x42, s30;
	v4 =	vadd.s32 s9, v0;
	[tilespmem:s22+$0x20] =	vst v3;
	s22 =	smov.u32 s29  }
0x71: {  	v3 =	vadd.s32 s8, v0;
	s8 =	sadd.s32 $0x52, s30;
	[tilespmem:s31+$0xC200] =	vst v2;
	s31 =	smov.u32 s0;
	s0 =	smov.u32 s10  }
0x72: {  	v2 =	vadd.s32 s8, v0;
	s8 =	sadd.s32 $0x63, s30;
	v8 =	vld.idx.msk [tilespmem:v5+s16+$0x0], $0xffff  }
0x73: {  	v5 =	vadd.s32 s8, v0;
	s8 =	sadd.s32 $0x73, s30;
	s30 =	smov.u32 s7;
	v6 =	vld.idx.msk [tilespmem:v6+s16+$0x0], $0xffff  }
0x74: {  	v9 =	vadd.s32 s8, v0;
	v7 =	vld.idx.msk [tilespmem:v7+s16+$0x0], $0xffff  }
0x75: {  	v10 =	vld.idx.msk [tilespmem:v4+s16+$0x0], $0xffff  }
0x76: {  	v11 =	vld.idx.msk [tilespmem:v3+s16+$0x0], $0xffff  }
0x77: {  	v4 =	vld.idx.msk [tilespmem:v2+s16+$0x0], $0xffff  }
0x78: {  	v3 =	vld.idx.msk [tilespmem:v5+s16+$0x0], $0xffff  }
0x79: {  	v2 =	vld.idx.msk [tilespmem:v9+s16+$0x0], $0xffff  }
.Ltmp3:
0x7a: {  	s7 =	sadd.s32 $0x21, s30;
	s8 =	sadd.s32 $0xFFFFFFC0, s1;
	[tilespmem:s29+$0xFFFFFFD0] =	vst v7;
	(pc) =	sbr.rel @p3 .LBB2_5-.Ltmp3, $4  }
0x7b: {  	v5 =	vadd.s32 s7, v0;
	s7 =	sor.u32 $0x30, s8;
	[tilespmem:s29+$0xFFFFFFE0] =	vst v8  }
0x7c: {  	s8 =	sadd.s32 $0xFFFFFFE0, s1;
	s1 =	smov.u32 s23;
	[tilespmem:s29+$0xFFFFFFC0] =	vst v6  }
0x7d: {  	s9 =	sadd.s32 $0x10, s30;
	[tilespmem:s7+$0xC200] =	vst v10;
	s7 =	sor.u32 $0x50, s8  }
0x7e: {  	s23 =	sadd.s32 $0x80, s23;
	v6 =	vadd.s32 s30, v0;
	s29 =	sadd.s32 $0x80, s29;
	s8 =	smov.u32 s6;
	[tilespmem:s22+$0x0] =	vst v11  }
0x7f: {  	_ = 	snop  }
0x80: {  	v7 =	vadd.s32 s9, v0;
	s6 =	sadd.s32 $0x31, s30;
	[tilespmem:s7+$0xC200] =	vst v4  }
0x81: {  	s10 =	sadd.s32 $0x42, s30;
	v62 =	vadd.s32 s6, v0;
	[tilespmem:s22+$0x20] =	vst v3  }
0x82: {  	s23 =	sadd.s32 $0x63, s30;
	v3 =	vadd.s32 s10, v0;
	[tilespmem:s31+$0xC200] =	vst v2  }
0x83: {  	s7 =	sadd.s32 $0x73, s30;
	v8 =	vadd.s32 s23, v0;
	v2 =	vld.idx.msk [tilespmem:v5+s16+$0x0], $0xffff  }
0x84: {  	s22 =	sadd.s32 $0x52, s30;
	v9 =	vadd.s32 s7, v0;
	v6 =	vld.idx.msk [tilespmem:v6+s16+$0x0], $0xffff  }
0x85: {  	v63 =	vadd.s32 s22, v0;
	v7 =	vld.idx.msk [tilespmem:v7+s16+$0x0], $0xffff  }
0x86: {  	v4 =	vld.idx.msk [tilespmem:v62+s16+$0x0], $0xffff  }
0x87: {  	v3 =	vld.idx.msk [tilespmem:v3+s16+$0x0], $0xffff  }
0x88: {  	v8 =	vld.idx.msk [tilespmem:v8+s16+$0x0], $0xffff  }
0x89: {  	v9 =	vld.idx.msk [tilespmem:v9+s16+$0x0], $0xffff  }
0x8a: {  	v5 =	vld.idx.msk [tilespmem:v63+s16+$0x0], $0xffff;
	[tilespmem:s29+$0xFFFFFFE0] =	vst v2  }
0x8b: {  	s8 =	sadd.s32 $0xFFFFFFC0, s1;
	[tilespmem:s29+$0xFFFFFFC0] =	vst v6  }
0x8c: {  	s6 =	sor.u32 $0x30, s8;
	[tilespmem:s29+$0xFFFFFFD0] =	vst v7  }
0x8d: {  	s9 =	sadd.s32 $0xFFFFFFE0, s1;
	[tilespmem:s6+$0xC200] =	vst v4  }
0x8e: {  	s1 =	sor.u32 $0x50, s9;
	[tilespmem:s29+$0x0] =	vst v3  }
0x8f: {  	[tilespmem:s1+$0xC200] =	vst v5  }
0x90: {  	s10 =	sshll.u32 s26, $0x11;
	[tilespmem:s29+$0x20] =	vst v8  }
0x91: {  	s22 =	sadd.s32 s10, s4;
	[tilespmem:s0+$0xC200] =	vst v9  }
0x92: {  	[hbm4b:s22+s2] =	stream.linear.scatter [tilespmem:s17], [sflag:$0x3], $0x4000, $0x38;
	[tilespmem:$0x15200] =	vst v63  }
0x93: {  	_ =	swait.ge [sflag:s18], $0x4000  }
0x94: {  	s23 =	sshll.u32 s26, $0xF;
	[sflag:s18] =	ssyncset.done $0x0  }
0x95: {  	s0 =	sadd.s32 s23, s5;
	[sflag:s18] =	ssyncadd.s32 $0xFFFFC000  }
0x96: {  	[tilespmem:s2], [sflag:$0x1] =	stream.strided.gather [hbm4b:s0+s12], $0x4000, s13, s12, $0x38;
	[tilespmem:$0x15200] =	vst v63  }
0x97: {  	s0 =	simm.s32 @!p2 $0x4  }
0x98: {  	_ =	swait.ge @!p2 [sflag:s0], $0x4000  }
0x99: {  	s30 =	simm.s32 $0x0;
	s31 =	simm.s32 $0x0;
	[sflag:s0] =	ssyncset.done @!p2 $0x0  }
0x9a: {  	s29 =	simm.s32 $0x0;
	[sflag:s0] =	ssyncadd.s32 @!p2 $0xFFFFC000;
	s0 =	simm.s32 $0x0  }
.LBB2_7:
0x9b: {  	s1 =	sand.u32 $0x3000, s30;
	s6 =	sand.u32 $0x380, s31  }
0x9c: {  	s1 =	sor.u32 s6, s1  }
0x9d: {  	v2 =	vld [tilespmem:s1+$0x4000]  }
0x9e: {  	v3 =	vld [tilespmem:s1+$0x4010]  }
0x9f: {  	v6 =	vadd.s32 s0, v1;
	s23 =	sadd.s32 $0x210, s0;
	v4 =	vld [tilespmem:s1+$0x4020]  }
0xa0: {  	s7 =	sadd.s32 $0x420, s0;
	v8 =	vadd.s32 s23, v1;
	v5 =	vld [tilespmem:s1+$0x4030]  }
0xa1: {  	s8 =	sadd.s32 $0x630, s0;
	v10 =	vadd.s32 s7, v1;
	v7 =	vld [tilespmem:s1+$0x4040]  }
0xa2: {  	s9 =	sadd.s32 $0x840, s0;
	v12 =	vadd.s32 s8, v1;
	v9 =	vld [tilespmem:s1+$0x4050]  }
0xa3: {  	s10 =	sadd.s32 $0xA50, s0;
	v14 =	vadd.s32 s9, v1;
	v11 =	vld [tilespmem:s1+$0x4060]  }
0xa4: {  	s22 =	sadd.s32 $0xC60, s0;
	v13 =	vld [tilespmem:s1+$0x4070];
	[tilespmem:v6+s16+$0x0] =	vst.idx.msk $0xffff, v2;
	v2 =	vadd.s32 s10, v1  }
0xa5: {  	s23 =	sadd.s32 $0xE70, s0;
	[tilespmem:v8+s16+$0x0] =	vst.idx.msk $0xffff, v3;
	v3 =	vadd.s32 s22, v1  }
0xa6: {  	v45 =	vadd.s32 s23, v1;
	[tilespmem:v10+s16+$0x0] =	vst.idx.msk $0xffff, v4  }
0xa7: {  	[tilespmem:v12+s16+$0x0] =	vst.idx.msk $0xffff, v5  }
0xa8: {  	[tilespmem:v14+s16+$0x0] =	vst.idx.msk $0xffff, v7  }
0xa9: {  	[tilespmem:v2+s16+$0x0] =	vst.idx.msk $0xffff, v9  }
0xaa: {  	[tilespmem:v3+s16+$0x0] =	vst.idx.msk $0xffff, v11  }
0xab: {  	[tilespmem:v45+s16+$0x0] =	vst.idx.msk $0xffff, v13  }
0xac: {  	v2 =	vld [tilespmem:s1+$0x4400]  }
0xad: {  	s7 =	sadd.s32 $0x1080, s0;
	v3 =	vld [tilespmem:s1+$0x4410]  }
0xae: {  	s8 =	sadd.s32 $0x1290, s0;
	v46 =	vadd.s32 s7, v1;
	v4 =	vld [tilespmem:s1+$0x4420]  }
0xaf: {  	s9 =	sadd.s32 $0x14A0, s0;
	v47 =	vadd.s32 s8, v1;
	v5 =	vld [tilespmem:s1+$0x4430]  }
0xb0: {  	v48 =	vadd.s32 s9, v1;
	s10 =	sadd.s32 $0x16B0, s0;
	v7 =	vld [tilespmem:s1+$0x4440]  }
0xb1: {  	v49 =	vadd.s32 s10, v1;
	s22 =	sadd.s32 $0x18C0, s0;
	v9 =	vld [tilespmem:s1+$0x4450]  }
0xb2: {  	s23 =	sadd.s32 $0x1AD0, s0;
	v50 =	vadd.s32 s22, v1;
	v11 =	vld [tilespmem:s1+$0x4460]  }
0xb3: {  	s7 =	sadd.s32 $0x1CE0, s0;
	v13 =	vld [tilespmem:s1+$0x4470];
	[tilespmem:v46+s16+$0x0] =	vst.idx.msk $0xffff, v2;
	v2 =	vadd.s32 s23, v1  }
0xb4: {  	s8 =	sadd.s32 $0x1EF0, s0;
	[tilespmem:v47+s16+$0x0] =	vst.idx.msk $0xffff, v3;
	v3 =	vadd.s32 s7, v1  }
0xb5: {  	v51 =	vadd.s32 s8, v1;
	[tilespmem:v48+s16+$0x0] =	vst.idx.msk $0xffff, v4  }
0xb6: {  	[tilespmem:v49+s16+$0x0] =	vst.idx.msk $0xffff, v5  }
0xb7: {  	[tilespmem:v50+s16+$0x0] =	vst.idx.msk $0xffff, v7  }
0xb8: {  	[tilespmem:v2+s16+$0x0] =	vst.idx.msk $0xffff, v9  }
0xb9: {  	[tilespmem:v3+s16+$0x0] =	vst.idx.msk $0xffff, v11  }
0xba: {  	[tilespmem:v51+s16+$0x0] =	vst.idx.msk $0xffff, v13  }
0xbb: {  	v2 =	vld [tilespmem:s1+$0x4800]  }
0xbc: {  	s9 =	sadd.s32 $0x2100, s0;
	v3 =	vld [tilespmem:s1+$0x4810]  }
0xbd: {  	v52 =	vadd.s32 s9, v1;
	s10 =	sadd.s32 $0x2310, s0;
	v4 =	vld [tilespmem:s1+$0x4820]  }
0xbe: {  	v53 =	vadd.s32 s10, v1;
	s22 =	sadd.s32 $0x2520, s0;
	v5 =	vld [tilespmem:s1+$0x4830]  }
0xbf: {  	v54 =	vadd.s32 s22, v1;
	s23 =	sadd.s32 $0x2730, s0;
	v7 =	vld [tilespmem:s1+$0x4840]  }
0xc0: {  	v55 =	vadd.s32 s23, v1;
	s7 =	sadd.s32 $0x2940, s0;
	v9 =	vld [tilespmem:s1+$0x4850]  }
0xc1: {  	s8 =	sadd.s32 $0x2B50, s0;
	v56 =	vadd.s32 s7, v1;
	v11 =	vld [tilespmem:s1+$0x4860]  }
0xc2: {  	s9 =	sadd.s32 $0x2D60, s0;
	v13 =	vld [tilespmem:s1+$0x4870];
	[tilespmem:v52+s16+$0x0] =	vst.idx.msk $0xffff, v2;
	v2 =	vadd.s32 s8, v1  }
0xc3: {  	s10 =	sadd.s32 $0x2F70, s0;
	[tilespmem:v53+s16+$0x0] =	vst.idx.msk $0xffff, v3;
	v3 =	vadd.s32 s9, v1  }
0xc4: {  	v57 =	vadd.s32 s10, v1;
	[tilespmem:v54+s16+$0x0] =	vst.idx.msk $0xffff, v4  }
0xc5: {  	[tilespmem:v55+s16+$0x0] =	vst.idx.msk $0xffff, v5  }
0xc6: {  	[tilespmem:v56+s16+$0x0] =	vst.idx.msk $0xffff, v7  }
0xc7: {  	[tilespmem:v2+s16+$0x0] =	vst.idx.msk $0xffff, v9  }
0xc8: {  	[tilespmem:v3+s16+$0x0] =	vst.idx.msk $0xffff, v11  }
0xc9: {  	[tilespmem:v57+s16+$0x0] =	vst.idx.msk $0xffff, v13  }
0xca: {  	v2 =	vld [tilespmem:s1+$0x4C00]  }
0xcb: {  	s22 =	sadd.s32 $0x3180, s0;
	v3 =	vld [tilespmem:s1+$0x4C10]  }
0xcc: {  	v58 =	vadd.s32 s22, v1;
	s23 =	sadd.s32 $0x3390, s0;
	v4 =	vld [tilespmem:s1+$0x4C20]  }
0xcd: {  	v59 =	vadd.s32 s23, v1;
	s7 =	sadd.s32 $0x35A0, s0;
	v5 =	vld [tilespmem:s1+$0x4C30]  }
0xce: {  	v60 =	vadd.s32 s7, v1;
	s8 =	sadd.s32 $0x37B0, s0;
	v7 =	vld [tilespmem:s1+$0x4C40]  }
0xcf: {  	v61 =	vadd.s32 s8, v1;
	s9 =	sadd.s32 $0x39C0, s0;
	v9 =	vld [tilespmem:s1+$0x4C50]  }
0xd0: {  	s10 =	sadd.s32 $0x3BD0, s0;
	v62 =	vadd.s32 s9, v1;
	v11 =	vld [tilespmem:s1+$0x4C60]  }
0xd1: {  	s22 =	sadd.s32 $0x3DE0, s0;
	v13 =	vld [tilespmem:s1+$0x4C70];
	[tilespmem:v58+s16+$0x0] =	vst.idx.msk $0xffff, v2;
	v2 =	vadd.s32 s10, v1  }
0xd2: {  	s23 =	sadd.s32 $0x3FF0, s0;
	[tilespmem:v59+s16+$0x0] =	vst.idx.msk $0xffff, v3;
	v3 =	vadd.s32 s22, v1  }
0xd3: {  	p2 =	sne.s32 s0, $0x1F;
	v63 =	vadd.s32 s23, v1;
	[tilespmem:v60+s16+$0x0] =	vst.idx.msk $0xffff, v4  }
.Ltmp4:
0xd4: {  	[tilespmem:v61+s16+$0x0] =	vst.idx.msk $0xffff, v5;
	(pc) =	sbr.rel @p2 .LBB2_7-.Ltmp4, $4  }
0xd5: {  	[tilespmem:v62+s16+$0x0] =	vst.idx.msk $0xffff, v7  }
0xd6: {  	[tilespmem:v2+s16+$0x0] =	vst.idx.msk $0xffff, v9  }
0xd7: {  	[tilespmem:v3+s16+$0x0] =	vst.idx.msk $0xffff, v11  }
0xd8: {  	s31 =	sadd.s32 $0x80, s31;
	s30 =	sadd.s32 $0x200, s30;
	s0 =	sadd.s32 $0x1, s0;
	[tilespmem:v63+s16+$0x0] =	vst.idx.msk $0xffff, v13  }
0xd9: {  	s0 =	simm.s32 $0x21;
	v3 =	vadd.s32 s29, v0  }
0xda: {  	s6 =	simm.s32 $0x10;
	v2 =	vadd.s32 s0, v0  }
0xdb: {  	s7 =	simm.s32 $0x31;
	v4 =	vadd.s32 s6, v0  }
0xdc: {  	s8 =	simm.s32 $0x42;
	v5 =	vadd.s32 s7, v0  }
0xdd: {  	s10 =	simm.s32 $0x63;
	v6 =	vadd.s32 s8, v0  }
0xde: {  	s9 =	simm.s32 $0x52;
	v8 =	vld.idx.msk [tilespmem:v3+s16+$0x0], $0xffff;
	v3 =	vadd.s32 s10, v0  }
0xdf: {  	s22 =	simm.s32 $0x73;
	v7 =	vld.idx.msk [tilespmem:v2+s16+$0x0], $0xffff;
	v2 =	vadd.s32 s9, v0  }
0xe0: {  	v10 =	vadd.s32 s22, v0;
	v9 =	vld.idx.msk [tilespmem:v4+s16+$0x0], $0xffff  }
0xe1: {  	v5 =	vld.idx.msk [tilespmem:v5+s16+$0x0], $0xffff  }
0xe2: {  	v11 =	vld.idx.msk [tilespmem:v6+s16+$0x0], $0xffff  }
0xe3: {  	v3 =	vld.idx.msk [tilespmem:v3+s16+$0x0], $0xffff  }
0xe4: {  	s22 =	simm.s32 $0x10240;
	v4 =	vld.idx.msk [tilespmem:v2+s16+$0x0], $0xffff  }
0xe5: {  	s23 =	simm.s32 $0x60;
	s30 =	simm.s32 $0x84;
	v2 =	vld.idx.msk [tilespmem:v10+s16+$0x0], $0xffff;
	[tilespmem:s22+$0xFFFFFFD0] =	vst v9  }
0xe6: {  	s1 =	simm.s32 $0xE0;
	s29 =	simm.s32 $0x102C0;
	s6 =	simm.s32 $0x20;
	[tilespmem:s22+$0xFFFFFFE0] =	vst v7  }
0xe7: {  	s31 =	sor.u32 $0x70, s23;
	s0 =	sor.u32 $0x70, s1;
	s6 =	sor.u32 $0x30, s6;
	[tilespmem:s22+$0xFFFFFFC0] =	vst v8  }
0xe8: {  	s7 =	simm.s32 $0x40;
	s8 =	simm.s32 $0x108;
	s9 =	simm.s32 $0xA5;
	[tilespmem:s6+$0x10200] =	vst v5  }
0xe9: {  	s23 =	simm.s32 $0x160;
	s7 =	sor.u32 $0x50, s7;
	v6 =	vadd.s32 s30, v0;
	v5 =	vadd.s32 s9, v0;
	s9 =	simm.s32 $0x94;
	[tilespmem:s22+$0x0] =	vst v11  }
.LBB2_9:
0xea: {  	s6 =	sor.u32 $0x70, s23  }
0xeb: {  	v7 =	vadd.s32 s9, v0;
	s9 =	sadd.s32 $0x31, s30;
	[tilespmem:s7+$0x10200] =	vst v4;
	s7 =	smov.u32 s8;
	s10 =	sadd.s32 $0x84, s8  }
0xec: {  	p2 =	sne.s32 s8, $0x417C;
	s8 =	sadd.s32 $0x42, s30;
	v4 =	vadd.s32 s9, v0;
	[tilespmem:s22+$0x20] =	vst v3;
	s22 =	smov.u32 s29  }
0xed: {  	v3 =	vadd.s32 s8, v0;
	s8 =	sadd.s32 $0x52, s30;
	[tilespmem:s31+$0x10200] =	vst v2;
	s31 =	smov.u32 s0;
	s0 =	smov.u32 s6  }
0xee: {  	v2 =	vadd.s32 s8, v0;
	s6 =	sadd.s32 $0x63, s30;
	v8 =	vld.idx.msk [tilespmem:v5+s16+$0x0], $0xffff  }
0xef: {  	v5 =	vadd.s32 s6, v0;
	s6 =	sadd.s32 $0x73, s30;
	s30 =	smov.u32 s7;
	v6 =	vld.idx.msk [tilespmem:v6+s16+$0x0], $0xffff  }
0xf0: {  	v9 =	vadd.s32 s6, v0;
	v7 =	vld.idx.msk [tilespmem:v7+s16+$0x0], $0xffff  }
0xf1: {  	v10 =	vld.idx.msk [tilespmem:v4+s16+$0x0], $0xffff  }
0xf2: {  	v11 =	vld.idx.msk [tilespmem:v3+s16+$0x0], $0xffff  }
0xf3: {  	v4 =	vld.idx.msk [tilespmem:v2+s16+$0x0], $0xffff  }
0xf4: {  	v3 =	vld.idx.msk [tilespmem:v5+s16+$0x0], $0xffff  }
0xf5: {  	v2 =	vld.idx.msk [tilespmem:v9+s16+$0x0], $0xffff  }
.Ltmp5:
0xf6: {  	s7 =	sadd.s32 $0xFFFFFFC0, s1;
	s6 =	sadd.s32 $0x21, s30;
	[tilespmem:s29+$0xFFFFFFD0] =	vst v7;
	(pc) =	sbr.rel @p2 .LBB2_9-.Ltmp5, $4  }
0xf7: {  	v5 =	vadd.s32 s6, v0;
	s6 =	sor.u32 $0x30, s7;
	[tilespmem:s29+$0xFFFFFFE0] =	vst v8  }
0xf8: {  	s7 =	sadd.s32 $0xFFFFFFE0, s1;
	s1 =	smov.u32 s23;
	[tilespmem:s29+$0xFFFFFFC0] =	vst v6  }
0xf9: {  	s8 =	smov.u32 s10;
	s7 =	sor.u32 $0x50, s7;
	[tilespmem:s6+$0x10200] =	vst v10  }
0xfa: {  	s9 =	sadd.s32 $0x10, s30;
	s23 =	sadd.s32 $0x80, s23;
	v6 =	vadd.s32 s30, v0;
	s29 =	sadd.s32 $0x80, s29;
	[tilespmem:s22+$0x0] =	vst v11  }
0xfb: {  	_ = 	snop  }
0xfc: {  	v7 =	vadd.s32 s9, v0;
	s6 =	sadd.s32 $0x31, s30;
	[tilespmem:s7+$0x10200] =	vst v4  }
0xfd: {  	s7 =	sadd.s32 $0x42, s30;
	v62 =	vadd.s32 s6, v0;
	[tilespmem:s22+$0x20] =	vst v3  }
0xfe: {  	s8 =	sadd.s32 $0x52, s30;
	v3 =	vadd.s32 s7, v0;
	[tilespmem:s31+$0x10200] =	vst v2  }
0xff: {  	s9 =	sadd.s32 $0x63, s30;
	v63 =	vadd.s32 s8, v0;
	v2 =	vld.idx.msk [tilespmem:v5+s16+$0x0], $0xffff  }
0x100: {  	s10 =	sadd.s32 $0x73, s30;
	v8 =	vadd.s32 s9, v0;
	v6 =	vld.idx.msk [tilespmem:v6+s16+$0x0], $0xffff  }
0x101: {  	v9 =	vadd.s32 s10, v0;
	v7 =	vld.idx.msk [tilespmem:v7+s16+$0x0], $0xffff  }
0x102: {  	v4 =	vld.idx.msk [tilespmem:v62+s16+$0x0], $0xffff  }
0x103: {  	v3 =	vld.idx.msk [tilespmem:v3+s16+$0x0], $0xffff  }
0x104: {  	v5 =	vld.idx.msk [tilespmem:v63+s16+$0x0], $0xffff  }
0x105: {  	v8 =	vld.idx.msk [tilespmem:v8+s16+$0x0], $0xffff  }
0x106: {  	v9 =	vld.idx.msk [tilespmem:v9+s16+$0x0], $0xffff;
	[tilespmem:s29+$0xFFFFFFE0] =	vst v2  }
0x107: {  	s22 =	sadd.s32 $0xFFFFFFC0, s1;
	[tilespmem:s29+$0xFFFFFFC0] =	vst v6  }
0x108: {  	s26 =	sadd.s32 $0x1, s26;
	s6 =	sor.u32 $0x30, s22;
	[tilespmem:s29+$0xFFFFFFD0] =	vst v7  }
0x109: {  	s23 =	sadd.s32 $0xFFFFFFE0, s1;
	p2 =	sne.s32 s26, $0x1E;
	[tilespmem:s6+$0x10200] =	vst v4  }
.Ltmp6:
0x10a: {  	s1 =	sor.u32 $0x50, s23;
	[tilespmem:s29+$0x0] =	vst v3;
	(pc) =	sbr.rel @p2 .LBB2_2-.Ltmp6, $4  }
0x10b: {  	[tilespmem:s1+$0x10200] =	vst v5  }
0x10c: {  	s30 =	sshll.u32 s28, $0x10;
	[tilespmem:s29+$0x20] =	vst v8  }
0x10d: {  	s31 =	sadd.s32 s30, s4;
	[tilespmem:s0+$0x10200] =	vst v9  }
0x10e: {  	[hbm4b:s31+s2] =	stream.linear.scatter [tilespmem:s19], [sflag:$0x4], $0x4000, $0x38;
	[tilespmem:$0x15200] =	vst v63  }
0x10f: {  	_ =	swait.ge [sflag:s14], $0x4000  }
0x110: {  	[sflag:s14] =	ssyncset.done $0x0  }
0x111: {  	[sflag:s14] =	ssyncadd.s32 $0xFFFFC000  }
0x112: {  	_ =	swait.ge [sflag:s20], $0x4000  }
0x113: {  	s26 =	simm.s32 $0x0;
	s28 =	simm.s32 $0x0;
	[sflag:s20] =	ssyncset.done $0x0  }
0x114: {  	s29 =	simm.s32 $0x0;
	s0 =	simm.s32 $0x0;
	[sflag:s20] =	ssyncadd.s32 $0xFFFFC000  }
.LBB2_12:
0x115: {  	s1 =	sand.u32 $0x3000, s28;
	s6 =	sand.u32 $0x380, s29  }
0x116: {  	s1 =	sor.u32 s6, s1  }
0x117: {  	v2 =	vld [tilespmem:s1+$0x0]  }
0x118: {  	v3 =	vld [tilespmem:s1+$0x10]  }
0x119: {  	v6 =	vadd.s32 s0, v1;
	s8 =	sadd.s32 $0x210, s0;
	v4 =	vld [tilespmem:s1+$0x20]  }
0x11a: {  	s9 =	sadd.s32 $0x420, s0;
	v8 =	vadd.s32 s8, v1;
	v5 =	vld [tilespmem:s1+$0x30]  }
0x11b: {  	s10 =	sadd.s32 $0x630, s0;
	v10 =	vadd.s32 s9, v1;
	v7 =	vld [tilespmem:s1+$0x40]  }
0x11c: {  	s22 =	sadd.s32 $0x840, s0;
	v12 =	vadd.s32 s10, v1;
	v9 =	vld [tilespmem:s1+$0x50]  }
0x11d: {  	s23 =	sadd.s32 $0xA50, s0;
	v14 =	vadd.s32 s22, v1;
	v11 =	vld [tilespmem:s1+$0x60]  }
0x11e: {  	s30 =	sadd.s32 $0xC60, s0;
	v13 =	vld [tilespmem:s1+$0x70];
	[tilespmem:v6+s16+$0x0] =	vst.idx.msk $0xffff, v2;
	v2 =	vadd.s32 s23, v1  }
0x11f: {  	s31 =	sadd.s32 $0xE70, s0;
	[tilespmem:v8+s16+$0x0] =	vst.idx.msk $0xffff, v3;
	v3 =	vadd.s32 s30, v1  }
0x120: {  	v45 =	vadd.s32 s31, v1;
	[tilespmem:v10+s16+$0x0] =	vst.idx.msk $0xffff, v4  }
0x121: {  	[tilespmem:v12+s16+$0x0] =	vst.idx.msk $0xffff, v5  }
0x122: {  	[tilespmem:v14+s16+$0x0] =	vst.idx.msk $0xffff, v7  }
0x123: {  	[tilespmem:v2+s16+$0x0] =	vst.idx.msk $0xffff, v9  }
0x124: {  	[tilespmem:v3+s16+$0x0] =	vst.idx.msk $0xffff, v11  }
0x125: {  	[tilespmem:v45+s16+$0x0] =	vst.idx.msk $0xffff, v13  }
0x126: {  	v2 =	vld [tilespmem:s1+$0x400]  }
0x127: {  	s7 =	sadd.s32 $0x1080, s0;
	v3 =	vld [tilespmem:s1+$0x410]  }
0x128: {  	v46 =	vadd.s32 s7, v1;
	s8 =	sadd.s32 $0x1290, s0;
	v4 =	vld [tilespmem:s1+$0x420]  }
0x129: {  	s9 =	sadd.s32 $0x14A0, s0;
	v47 =	vadd.s32 s8, v1;
	v5 =	vld [tilespmem:s1+$0x430]  }
0x12a: {  	s10 =	sadd.s32 $0x16B0, s0;
	v48 =	vadd.s32 s9, v1;
	v7 =	vld [tilespmem:s1+$0x440]  }
0x12b: {  	s22 =	sadd.s32 $0x18C0, s0;
	v49 =	vadd.s32 s10, v1;
	v9 =	vld [tilespmem:s1+$0x450]  }
0x12c: {  	v50 =	vadd.s32 s22, v1;
	s23 =	sadd.s32 $0x1AD0, s0;
	v11 =	vld [tilespmem:s1+$0x460]  }
0x12d: {  	s30 =	sadd.s32 $0x1CE0, s0;
	v13 =	vld [tilespmem:s1+$0x470];
	[tilespmem:v46+s16+$0x0] =	vst.idx.msk $0xffff, v2;
	v2 =	vadd.s32 s23, v1  }
0x12e: {  	s31 =	sadd.s32 $0x1EF0, s0;
	[tilespmem:v47+s16+$0x0] =	vst.idx.msk $0xffff, v3;
	v3 =	vadd.s32 s30, v1  }
0x12f: {  	v51 =	vadd.s32 s31, v1;
	[tilespmem:v48+s16+$0x0] =	vst.idx.msk $0xffff, v4  }
0x130: {  	[tilespmem:v49+s16+$0x0] =	vst.idx.msk $0xffff, v5  }
0x131: {  	[tilespmem:v50+s16+$0x0] =	vst.idx.msk $0xffff, v7  }
0x132: {  	[tilespmem:v2+s16+$0x0] =	vst.idx.msk $0xffff, v9  }
0x133: {  	[tilespmem:v3+s16+$0x0] =	vst.idx.msk $0xffff, v11  }
0x134: {  	[tilespmem:v51+s16+$0x0] =	vst.idx.msk $0xffff, v13  }
0x135: {  	v2 =	vld [tilespmem:s1+$0x800]  }
0x136: {  	s7 =	sadd.s32 $0x2100, s0;
	v3 =	vld [tilespmem:s1+$0x810]  }
0x137: {  	v52 =	vadd.s32 s7, v1;
	s8 =	sadd.s32 $0x2310, s0;
	v4 =	vld [tilespmem:s1+$0x820]  }
0x138: {  	s9 =	sadd.s32 $0x2520, s0;
	v53 =	vadd.s32 s8, v1;
	v5 =	vld [tilespmem:s1+$0x830]  }
0x139: {  	s10 =	sadd.s32 $0x2730, s0;
	v54 =	vadd.s32 s9, v1;
	v7 =	vld [tilespmem:s1+$0x840]  }
0x13a: {  	s22 =	sadd.s32 $0x2940, s0;
	v55 =	vadd.s32 s10, v1;
	v9 =	vld [tilespmem:s1+$0x850]  }
0x13b: {  	v56 =	vadd.s32 s22, v1;
	s23 =	sadd.s32 $0x2B50, s0;
	v11 =	vld [tilespmem:s1+$0x860]  }
0x13c: {  	s30 =	sadd.s32 $0x2D60, s0;
	v13 =	vld [tilespmem:s1+$0x870];
	[tilespmem:v52+s16+$0x0] =	vst.idx.msk $0xffff, v2;
	v2 =	vadd.s32 s23, v1  }
0x13d: {  	s31 =	sadd.s32 $0x2F70, s0;
	[tilespmem:v53+s16+$0x0] =	vst.idx.msk $0xffff, v3;
	v3 =	vadd.s32 s30, v1  }
0x13e: {  	v57 =	vadd.s32 s31, v1;
	[tilespmem:v54+s16+$0x0] =	vst.idx.msk $0xffff, v4  }
0x13f: {  	[tilespmem:v55+s16+$0x0] =	vst.idx.msk $0xffff, v5  }
0x140: {  	[tilespmem:v56+s16+$0x0] =	vst.idx.msk $0xffff, v7  }
0x141: {  	[tilespmem:v2+s16+$0x0] =	vst.idx.msk $0xffff, v9  }
0x142: {  	[tilespmem:v3+s16+$0x0] =	vst.idx.msk $0xffff, v11  }
0x143: {  	[tilespmem:v57+s16+$0x0] =	vst.idx.msk $0xffff, v13  }
0x144: {  	v2 =	vld [tilespmem:s1+$0xC00]  }
0x145: {  	s7 =	sadd.s32 $0x3180, s0;
	v3 =	vld [tilespmem:s1+$0xC10]  }
0x146: {  	v58 =	vadd.s32 s7, v1;
	s8 =	sadd.s32 $0x3390, s0;
	v4 =	vld [tilespmem:s1+$0xC20]  }
0x147: {  	s9 =	sadd.s32 $0x35A0, s0;
	v59 =	vadd.s32 s8, v1;
	v5 =	vld [tilespmem:s1+$0xC30]  }
0x148: {  	s10 =	sadd.s32 $0x37B0, s0;
	v60 =	vadd.s32 s9, v1;
	v7 =	vld [tilespmem:s1+$0xC40]  }
0x149: {  	s22 =	sadd.s32 $0x39C0, s0;
	v61 =	vadd.s32 s10, v1;
	v9 =	vld [tilespmem:s1+$0xC50]  }
0x14a: {  	v62 =	vadd.s32 s22, v1;
	s23 =	sadd.s32 $0x3BD0, s0;
	v11 =	vld [tilespmem:s1+$0xC60]  }
0x14b: {  	s30 =	sadd.s32 $0x3DE0, s0;
	v13 =	vld [tilespmem:s1+$0xC70];
	[tilespmem:v58+s16+$0x0] =	vst.idx.msk $0xffff, v2;
	v2 =	vadd.s32 s23, v1  }
0x14c: {  	s31 =	sadd.s32 $0x3FF0, s0;
	[tilespmem:v59+s16+$0x0] =	vst.idx.msk $0xffff, v3;
	v3 =	vadd.s32 s30, v1  }
0x14d: {  	p2 =	sne.s32 s0, $0x1F;
	v63 =	vadd.s32 s31, v1;
	[tilespmem:v60+s16+$0x0] =	vst.idx.msk $0xffff, v4  }
.Ltmp7:
0x14e: {  	[tilespmem:v61+s16+$0x0] =	vst.idx.msk $0xffff, v5;
	(pc) =	sbr.rel @p2 .LBB2_12-.Ltmp7, $4  }
0x14f: {  	[tilespmem:v62+s16+$0x0] =	vst.idx.msk $0xffff, v7  }
0x150: {  	[tilespmem:v2+s16+$0x0] =	vst.idx.msk $0xffff, v9  }
0x151: {  	[tilespmem:v3+s16+$0x0] =	vst.idx.msk $0xffff, v11  }
0x152: {  	s29 =	sadd.s32 $0x80, s29;
	s28 =	sadd.s32 $0x200, s28;
	s0 =	sadd.s32 $0x1, s0;
	[tilespmem:v63+s16+$0x0] =	vst.idx.msk $0xffff, v13  }
0x153: {  	s0 =	simm.s32 $0x21;
	v3 =	vadd.s32 s26, v0  }
0x154: {  	s9 =	simm.s32 $0x10;
	v2 =	vadd.s32 s0, v0  }
0x155: {  	s10 =	simm.s32 $0x31;
	v4 =	vadd.s32 s9, v0  }
0x156: {  	s22 =	simm.s32 $0x42;
	v5 =	vadd.s32 s10, v0  }
0x157: {  	s26 =	simm.s32 $0x63;
	v6 =	vadd.s32 s22, v0  }
0x158: {  	s23 =	simm.s32 $0x52;
	v8 =	vld.idx.msk [tilespmem:v3+s16+$0x0], $0xffff;
	v3 =	vadd.s32 s26, v0  }
0x159: {  	s30 =	simm.s32 $0x73;
	v7 =	vld.idx.msk [tilespmem:v2+s16+$0x0], $0xffff;
	v2 =	vadd.s32 s23, v0  }
0x15a: {  	v10 =	vadd.s32 s30, v0;
	v9 =	vld.idx.msk [tilespmem:v4+s16+$0x0], $0xffff  }
0x15b: {  	v5 =	vld.idx.msk [tilespmem:v5+s16+$0x0], $0xffff  }
0x15c: {  	v11 =	vld.idx.msk [tilespmem:v6+s16+$0x0], $0xffff  }
0x15d: {  	v3 =	vld.idx.msk [tilespmem:v3+s16+$0x0], $0xffff  }
0x15e: {  	s22 =	simm.s32 $0xC240;
	v4 =	vld.idx.msk [tilespmem:v2+s16+$0x0], $0xffff  }
0x15f: {  	s31 =	simm.s32 $0x60;
	s28 =	simm.s32 $0x84;
	v2 =	vld.idx.msk [tilespmem:v10+s16+$0x0], $0xffff;
	[tilespmem:s22+$0xFFFFFFD0] =	vst v9  }
0x160: {  	s1 =	simm.s32 $0xE0;
	s6 =	simm.s32 $0x20;
	s7 =	simm.s32 $0x40;
	[tilespmem:s22+$0xFFFFFFE0] =	vst v7  }
0x161: {  	s8 =	simm.s32 $0x108;
	s29 =	sor.u32 $0x70, s31;
	s6 =	sor.u32 $0x30, s6;
	[tilespmem:s22+$0xFFFFFFC0] =	vst v8  }
0x162: {  	s0 =	sor.u32 $0x70, s1;
	s9 =	simm.s32 $0xA5;
	s7 =	sor.u32 $0x50, s7;
	[tilespmem:s6+$0xC200] =	vst v5  }
0x163: {  	s26 =	simm.s32 $0xC2C0;
	v6 =	vadd.s32 s28, v0;
	s23 =	simm.s32 $0x160;
	v5 =	vadd.s32 s9, v0;
	s9 =	simm.s32 $0x94;
	[tilespmem:s22+$0x0] =	vst v11  }
.LBB2_14:
0x164: {  	s6 =	sor.u32 $0x70, s23  }
0x165: {  	v7 =	vadd.s32 s9, v0;
	s9 =	sadd.s32 $0x31, s28;
	[tilespmem:s7+$0xC200] =	vst v4;
	s7 =	smov.u32 s8;
	s10 =	sadd.s32 $0x84, s8  }
0x166: {  	p2 =	sne.s32 s8, $0x417C;
	s8 =	sadd.s32 $0x42, s28;
	v4 =	vadd.s32 s9, v0;
	[tilespmem:s22+$0x20] =	vst v3;
	s22 =	smov.u32 s26  }
0x167: {  	v3 =	vadd.s32 s8, v0;
	s8 =	sadd.s32 $0x52, s28;
	[tilespmem:s29+$0xC200] =	vst v2;
	s29 =	smov.u32 s0;
	s0 =	smov.u32 s6  }
0x168: {  	v2 =	vadd.s32 s8, v0;
	s6 =	sadd.s32 $0x63, s28;
	v8 =	vld.idx.msk [tilespmem:v5+s16+$0x0], $0xffff  }
0x169: {  	v5 =	vadd.s32 s6, v0;
	s6 =	sadd.s32 $0x73, s28;
	s28 =	smov.u32 s7;
	v6 =	vld.idx.msk [tilespmem:v6+s16+$0x0], $0xffff  }
0x16a: {  	v9 =	vadd.s32 s6, v0;
	v7 =	vld.idx.msk [tilespmem:v7+s16+$0x0], $0xffff  }
0x16b: {  	v10 =	vld.idx.msk [tilespmem:v4+s16+$0x0], $0xffff  }
0x16c: {  	v11 =	vld.idx.msk [tilespmem:v3+s16+$0x0], $0xffff  }
0x16d: {  	v4 =	vld.idx.msk [tilespmem:v2+s16+$0x0], $0xffff  }
0x16e: {  	v3 =	vld.idx.msk [tilespmem:v5+s16+$0x0], $0xffff  }
0x16f: {  	v2 =	vld.idx.msk [tilespmem:v9+s16+$0x0], $0xffff  }
.Ltmp8:
0x170: {  	s7 =	sadd.s32 $0xFFFFFFC0, s1;
	s6 =	sadd.s32 $0x21, s28;
	[tilespmem:s26+$0xFFFFFFD0] =	vst v7;
	(pc) =	sbr.rel @p2 .LBB2_14-.Ltmp8, $4  }
0x171: {  	v5 =	vadd.s32 s6, v0;
	s6 =	sor.u32 $0x30, s7;
	[tilespmem:s26+$0xFFFFFFE0] =	vst v8  }
0x172: {  	s7 =	sadd.s32 $0xFFFFFFE0, s1;
	s1 =	smov.u32 s23;
	[tilespmem:s26+$0xFFFFFFC0] =	vst v6  }
0x173: {  	s8 =	smov.u32 s10;
	s7 =	sor.u32 $0x50, s7;
	[tilespmem:s6+$0xC200] =	vst v10  }
0x174: {  	s9 =	sadd.s32 $0x10, s28;
	s23 =	sadd.s32 $0x80, s23;
	v6 =	vadd.s32 s28, v0;
	s26 =	sadd.s32 $0x80, s26;
	[tilespmem:s22+$0x0] =	vst v11  }
0x175: {  	_ = 	snop  }
0x176: {  	v7 =	vadd.s32 s9, v0;
	s6 =	sadd.s32 $0x31, s28;
	[tilespmem:s7+$0xC200] =	vst v4  }
0x177: {  	s10 =	sadd.s32 $0x42, s28;
	v62 =	vadd.s32 s6, v0;
	[tilespmem:s22+$0x20] =	vst v3  }
0x178: {  	s23 =	sadd.s32 $0x63, s28;
	v3 =	vadd.s32 s10, v0;
	[tilespmem:s29+$0xC200] =	vst v2  }
0x179: {  	s22 =	sadd.s32 $0x52, s28;
	v8 =	vadd.s32 s23, v0;
	v2 =	vld.idx.msk [tilespmem:v5+s16+$0x0], $0xffff  }
0x17a: {  	s28 =	sadd.s32 $0x73, s28;
	v63 =	vadd.s32 s22, v0;
	v6 =	vld.idx.msk [tilespmem:v6+s16+$0x0], $0xffff  }
0x17b: {  	v9 =	vadd.s32 s28, v0;
	v7 =	vld.idx.msk [tilespmem:v7+s16+$0x0], $0xffff  }
0x17c: {  	v4 =	vld.idx.msk [tilespmem:v62+s16+$0x0], $0xffff  }
0x17d: {  	v3 =	vld.idx.msk [tilespmem:v3+s16+$0x0], $0xffff  }
0x17e: {  	v8 =	vld.idx.msk [tilespmem:v8+s16+$0x0], $0xffff  }
0x17f: {  	v5 =	vld.idx.msk [tilespmem:v63+s16+$0x0], $0xffff  }
0x180: {  	v9 =	vld.idx.msk [tilespmem:v9+s16+$0x0], $0xffff;
	[tilespmem:s26+$0xFFFFFFE0] =	vst v2  }
0x181: {  	s29 =	sadd.s32 $0xFFFFFFC0, s1;
	[tilespmem:s26+$0xFFFFFFC0] =	vst v6  }
0x182: {  	s6 =	sor.u32 $0x30, s29;
	[tilespmem:s26+$0xFFFFFFD0] =	vst v7  }
0x183: {  	s30 =	sadd.s32 $0xFFFFFFE0, s1;
	[tilespmem:s6+$0xC200] =	vst v4  }
0x184: {  	s1 =	sor.u32 $0x50, s30;
	[tilespmem:s26+$0x0] =	vst v3  }
0x185: {  	[tilespmem:s1+$0xC200] =	vst v5  }
0x186: {  	[tilespmem:s26+$0x20] =	vst v8  }
0x187: {  	s31 =	rddreg [dreg:$0x3];
	[tilespmem:s0+$0xC200] =	vst v9  }
0x188: {  	[hbm4b:s31+s2] =	stream.linear.scatter [tilespmem:s17], [sflag:$0x3], $0x4000, $0x38;
	[tilespmem:$0x15200] =	vst v63  }
0x189: {  	_ =	swait.ge [sflag:s20], $0x4000  }
.Ltmp9:
0x18a: {  	[sflag:s20] =	ssyncset.done $0x0;
	(pc) =	sbr.rel @p0 .LBB2_22-.Ltmp9, $4  }
0x18b: {  	[sflag:s20] =	ssyncadd.s32 $0xFFFFC000  }
0x18c: {  	_ =	swait.ge [sflag:s21], $0x4000  }
0x18d: {  	[sflag:s21] =	ssyncset.done $0x0  }
0x18e: {  	[sflag:s21] =	ssyncadd.s32 $0xFFFFC000  }
.Ltmp10:
0x18f: {  	(pc) =	sbr.rel @p1 .LBB2_27-.Ltmp10, $1  }
0x190: {  	_ =	sdelay $0x3  }
0x191: {  	s26 =	simm.s32 $0x0;
	s0 =	rddreg [dreg:$0x6]  }
0x192: {  	[tilespmem:s26], [sflag:$0x5] =	stream.strided.gather [hbm4b:s0+s12], $0x4000, s13, s12, $0x38;
	[tilespmem:$0x15200] =	vst v63  }
0x193: {  	_ =	swait.ge [sflag:s24], $0x4000  }
0x194: {  	s28 =	simm.s32 $0x0;
	[sflag:s24] =	ssyncset.done $0x0  }
0x195: {  	s29 =	simm.s32 $0x0;
	s0 =	simm.s32 $0x0;
	[sflag:s24] =	ssyncadd.s32 $0xFFFFC000  }
.LBB2_18:
0x196: {  	s1 =	sand.u32 $0x3000, s28;
	s6 =	sand.u32 $0x380, s29  }
0x197: {  	s1 =	sor.u32 s6, s1  }
0x198: {  	v2 =	vld [tilespmem:s1+$0x0]  }
0x199: {  	v3 =	vld [tilespmem:s1+$0x10]  }
0x19a: {  	v6 =	vadd.s32 s0, v1;
	s8 =	sadd.s32 $0x210, s0;
	v4 =	vld [tilespmem:s1+$0x20]  }
0x19b: {  	s9 =	sadd.s32 $0x420, s0;
	v8 =	vadd.s32 s8, v1;
	v5 =	vld [tilespmem:s1+$0x30]  }
0x19c: {  	s10 =	sadd.s32 $0x630, s0;
	v10 =	vadd.s32 s9, v1;
	v7 =	vld [tilespmem:s1+$0x40]  }
0x19d: {  	s22 =	sadd.s32 $0x840, s0;
	v12 =	vadd.s32 s10, v1;
	v9 =	vld [tilespmem:s1+$0x50]  }
0x19e: {  	s23 =	sadd.s32 $0xA50, s0;
	v14 =	vadd.s32 s22, v1;
	v11 =	vld [tilespmem:s1+$0x60]  }
0x19f: {  	s30 =	sadd.s32 $0xC60, s0;
	v13 =	vld [tilespmem:s1+$0x70];
	[tilespmem:v6+s16+$0x0] =	vst.idx.msk $0xffff, v2;
	v2 =	vadd.s32 s23, v1  }
0x1a0: {  	s31 =	sadd.s32 $0xE70, s0;
	[tilespmem:v8+s16+$0x0] =	vst.idx.msk $0xffff, v3;
	v3 =	vadd.s32 s30, v1  }
0x1a1: {  	v45 =	vadd.s32 s31, v1;
	[tilespmem:v10+s16+$0x0] =	vst.idx.msk $0xffff, v4  }
0x1a2: {  	[tilespmem:v12+s16+$0x0] =	vst.idx.msk $0xffff, v5  }
0x1a3: {  	[tilespmem:v14+s16+$0x0] =	vst.idx.msk $0xffff, v7  }
0x1a4: {  	[tilespmem:v2+s16+$0x0] =	vst.idx.msk $0xffff, v9  }
0x1a5: {  	[tilespmem:v3+s16+$0x0] =	vst.idx.msk $0xffff, v11  }
0x1a6: {  	[tilespmem:v45+s16+$0x0] =	vst.idx.msk $0xffff, v13  }
0x1a7: {  	v2 =	vld [tilespmem:s1+$0x400]  }
0x1a8: {  	s7 =	sadd.s32 $0x1080, s0;
	v3 =	vld [tilespmem:s1+$0x410]  }
0x1a9: {  	v46 =	vadd.s32 s7, v1;
	s8 =	sadd.s32 $0x1290, s0;
	v4 =	vld [tilespmem:s1+$0x420]  }
0x1aa: {  	s9 =	sadd.s32 $0x14A0, s0;
	v47 =	vadd.s32 s8, v1;
	v5 =	vld [tilespmem:s1+$0x430]  }
0x1ab: {  	s10 =	sadd.s32 $0x16B0, s0;
	v48 =	vadd.s32 s9, v1;
	v7 =	vld [tilespmem:s1+$0x440]  }
0x1ac: {  	s22 =	sadd.s32 $0x18C0, s0;
	v49 =	vadd.s32 s10, v1;
	v9 =	vld [tilespmem:s1+$0x450]  }
0x1ad: {  	v50 =	vadd.s32 s22, v1;
	s23 =	sadd.s32 $0x1AD0, s0;
	v11 =	vld [tilespmem:s1+$0x460]  }
0x1ae: {  	s30 =	sadd.s32 $0x1CE0, s0;
	v13 =	vld [tilespmem:s1+$0x470];
	[tilespmem:v46+s16+$0x0] =	vst.idx.msk $0xffff, v2;
	v2 =	vadd.s32 s23, v1  }
0x1af: {  	s31 =	sadd.s32 $0x1EF0, s0;
	[tilespmem:v47+s16+$0x0] =	vst.idx.msk $0xffff, v3;
	v3 =	vadd.s32 s30, v1  }
0x1b0: {  	v51 =	vadd.s32 s31, v1;
	[tilespmem:v48+s16+$0x0] =	vst.idx.msk $0xffff, v4  }
0x1b1: {  	[tilespmem:v49+s16+$0x0] =	vst.idx.msk $0xffff, v5  }
0x1b2: {  	[tilespmem:v50+s16+$0x0] =	vst.idx.msk $0xffff, v7  }
0x1b3: {  	[tilespmem:v2+s16+$0x0] =	vst.idx.msk $0xffff, v9  }
0x1b4: {  	[tilespmem:v3+s16+$0x0] =	vst.idx.msk $0xffff, v11  }
0x1b5: {  	[tilespmem:v51+s16+$0x0] =	vst.idx.msk $0xffff, v13  }
0x1b6: {  	v2 =	vld [tilespmem:s1+$0x800]  }
0x1b7: {  	s7 =	sadd.s32 $0x2100, s0;
	v3 =	vld [tilespmem:s1+$0x810]  }
0x1b8: {  	v52 =	vadd.s32 s7, v1;
	s8 =	sadd.s32 $0x2310, s0;
	v4 =	vld [tilespmem:s1+$0x820]  }
0x1b9: {  	s9 =	sadd.s32 $0x2520, s0;
	v53 =	vadd.s32 s8, v1;
	v5 =	vld [tilespmem:s1+$0x830]  }
0x1ba: {  	s10 =	sadd.s32 $0x2730, s0;
	v54 =	vadd.s32 s9, v1;
	v7 =	vld [tilespmem:s1+$0x840]  }
0x1bb: {  	s22 =	sadd.s32 $0x2940, s0;
	v55 =	vadd.s32 s10, v1;
	v9 =	vld [tilespmem:s1+$0x850]  }
0x1bc: {  	v56 =	vadd.s32 s22, v1;
	s23 =	sadd.s32 $0x2B50, s0;
	v11 =	vld [tilespmem:s1+$0x860]  }
0x1bd: {  	s30 =	sadd.s32 $0x2D60, s0;
	v13 =	vld [tilespmem:s1+$0x870];
	[tilespmem:v52+s16+$0x0] =	vst.idx.msk $0xffff, v2;
	v2 =	vadd.s32 s23, v1  }
0x1be: {  	s31 =	sadd.s32 $0x2F70, s0;
	[tilespmem:v53+s16+$0x0] =	vst.idx.msk $0xffff, v3;
	v3 =	vadd.s32 s30, v1  }
0x1bf: {  	v57 =	vadd.s32 s31, v1;
	[tilespmem:v54+s16+$0x0] =	vst.idx.msk $0xffff, v4  }
0x1c0: {  	[tilespmem:v55+s16+$0x0] =	vst.idx.msk $0xffff, v5  }
0x1c1: {  	[tilespmem:v56+s16+$0x0] =	vst.idx.msk $0xffff, v7  }
0x1c2: {  	[tilespmem:v2+s16+$0x0] =	vst.idx.msk $0xffff, v9  }
0x1c3: {  	[tilespmem:v3+s16+$0x0] =	vst.idx.msk $0xffff, v11  }
0x1c4: {  	[tilespmem:v57+s16+$0x0] =	vst.idx.msk $0xffff, v13  }
0x1c5: {  	v2 =	vld [tilespmem:s1+$0xC00]  }
0x1c6: {  	s7 =	sadd.s32 $0x3180, s0;
	v3 =	vld [tilespmem:s1+$0xC10]  }
0x1c7: {  	v58 =	vadd.s32 s7, v1;
	s8 =	sadd.s32 $0x3390, s0;
	v4 =	vld [tilespmem:s1+$0xC20]  }
0x1c8: {  	s9 =	sadd.s32 $0x35A0, s0;
	v59 =	vadd.s32 s8, v1;
	v5 =	vld [tilespmem:s1+$0xC30]  }
0x1c9: {  	s10 =	sadd.s32 $0x37B0, s0;
	v60 =	vadd.s32 s9, v1;
	v7 =	vld [tilespmem:s1+$0xC40]  }
0x1ca: {  	s22 =	sadd.s32 $0x39C0, s0;
	v61 =	vadd.s32 s10, v1;
	v9 =	vld [tilespmem:s1+$0xC50]  }
0x1cb: {  	v62 =	vadd.s32 s22, v1;
	s23 =	sadd.s32 $0x3BD0, s0;
	v11 =	vld [tilespmem:s1+$0xC60]  }
0x1cc: {  	s30 =	sadd.s32 $0x3DE0, s0;
	v13 =	vld [tilespmem:s1+$0xC70];
	[tilespmem:v58+s16+$0x0] =	vst.idx.msk $0xffff, v2;
	v2 =	vadd.s32 s23, v1  }
0x1cd: {  	s31 =	sadd.s32 $0x3FF0, s0;
	[tilespmem:v59+s16+$0x0] =	vst.idx.msk $0xffff, v3;
	v3 =	vadd.s32 s30, v1  }
0x1ce: {  	p2 =	sne.s32 s0, $0x1F;
	v63 =	vadd.s32 s31, v1;
	[tilespmem:v60+s16+$0x0] =	vst.idx.msk $0xffff, v4  }
.Ltmp11:
0x1cf: {  	[tilespmem:v61+s16+$0x0] =	vst.idx.msk $0xffff, v5;
	(pc) =	sbr.rel @p2 .LBB2_18-.Ltmp11, $4  }
0x1d0: {  	[tilespmem:v62+s16+$0x0] =	vst.idx.msk $0xffff, v7  }
0x1d1: {  	[tilespmem:v2+s16+$0x0] =	vst.idx.msk $0xffff, v9  }
0x1d2: {  	[tilespmem:v3+s16+$0x0] =	vst.idx.msk $0xffff, v11  }
0x1d3: {  	s29 =	sadd.s32 $0x80, s29;
	s28 =	sadd.s32 $0x200, s28;
	s0 =	sadd.s32 $0x1, s0;
	[tilespmem:v63+s16+$0x0] =	vst.idx.msk $0xffff, v13  }
0x1d4: {  	s0 =	simm.s32 $0x21;
	v3 =	vadd.s32 s26, v0  }
0x1d5: {  	s9 =	simm.s32 $0x10;
	v2 =	vadd.s32 s0, v0  }
0x1d6: {  	s10 =	simm.s32 $0x31;
	v4 =	vadd.s32 s9, v0  }
0x1d7: {  	s22 =	simm.s32 $0x42;
	v5 =	vadd.s32 s10, v0  }
0x1d8: {  	s26 =	simm.s32 $0x63;
	v6 =	vadd.s32 s22, v0  }
0x1d9: {  	s23 =	simm.s32 $0x52;
	v8 =	vld.idx.msk [tilespmem:v3+s16+$0x0], $0xffff;
	v3 =	vadd.s32 s26, v0  }
0x1da: {  	s30 =	simm.s32 $0x73;
	v7 =	vld.idx.msk [tilespmem:v2+s16+$0x0], $0xffff;
	v2 =	vadd.s32 s23, v0  }
0x1db: {  	v10 =	vadd.s32 s30, v0;
	v9 =	vld.idx.msk [tilespmem:v4+s16+$0x0], $0xffff  }
0x1dc: {  	v5 =	vld.idx.msk [tilespmem:v5+s16+$0x0], $0xffff  }
0x1dd: {  	v11 =	vld.idx.msk [tilespmem:v6+s16+$0x0], $0xffff  }
0x1de: {  	v3 =	vld.idx.msk [tilespmem:v3+s16+$0x0], $0xffff  }
0x1df: {  	s22 =	simm.s32 $0xC240;
	v4 =	vld.idx.msk [tilespmem:v2+s16+$0x0], $0xffff  }
0x1e0: {  	s31 =	simm.s32 $0x60;
	s28 =	simm.s32 $0x84;
	v2 =	vld.idx.msk [tilespmem:v10+s16+$0x0], $0xffff;
	[tilespmem:s22+$0xFFFFFFD0] =	vst v9  }
0x1e1: {  	s1 =	simm.s32 $0xE0;
	s6 =	simm.s32 $0x20;
	s7 =	simm.s32 $0x40;
	[tilespmem:s22+$0xFFFFFFE0] =	vst v7  }
0x1e2: {  	s8 =	simm.s32 $0x108;
	s29 =	sor.u32 $0x70, s31;
	s6 =	sor.u32 $0x30, s6;
	[tilespmem:s22+$0xFFFFFFC0] =	vst v8  }
0x1e3: {  	s0 =	sor.u32 $0x70, s1;
	s9 =	simm.s32 $0xA5;
	s7 =	sor.u32 $0x50, s7;
	[tilespmem:s6+$0xC200] =	vst v5  }
0x1e4: {  	s26 =	simm.s32 $0xC2C0;
	v6 =	vadd.s32 s28, v0;
	s23 =	simm.s32 $0x160;
	v5 =	vadd.s32 s9, v0;
	s9 =	simm.s32 $0x94;
	[tilespmem:s22+$0x0] =	vst v11  }
.LBB2_20:
0x1e5: {  	s6 =	sor.u32 $0x70, s23  }
0x1e6: {  	v7 =	vadd.s32 s9, v0;
	s9 =	sadd.s32 $0x31, s28;
	[tilespmem:s7+$0xC200] =	vst v4;
	s7 =	smov.u32 s8;
	s10 =	sadd.s32 $0x84, s8  }
0x1e7: {  	p2 =	sne.s32 s8, $0x417C;
	s8 =	sadd.s32 $0x42, s28;
	v4 =	vadd.s32 s9, v0;
	[tilespmem:s22+$0x20] =	vst v3;
	s22 =	smov.u32 s26  }
0x1e8: {  	v3 =	vadd.s32 s8, v0;
	s8 =	sadd.s32 $0x52, s28;
	[tilespmem:s29+$0xC200] =	vst v2;
	s29 =	smov.u32 s0;
	s0 =	smov.u32 s6  }
0x1e9: {  	v2 =	vadd.s32 s8, v0;
	s6 =	sadd.s32 $0x63, s28;
	v8 =	vld.idx.msk [tilespmem:v5+s16+$0x0], $0xffff  }
0x1ea: {  	v5 =	vadd.s32 s6, v0;
	s6 =	sadd.s32 $0x73, s28;
	s28 =	smov.u32 s7;
	v6 =	vld.idx.msk [tilespmem:v6+s16+$0x0], $0xffff  }
0x1eb: {  	v9 =	vadd.s32 s6, v0;
	v7 =	vld.idx.msk [tilespmem:v7+s16+$0x0], $0xffff  }
0x1ec: {  	v10 =	vld.idx.msk [tilespmem:v4+s16+$0x0], $0xffff  }
0x1ed: {  	v11 =	vld.idx.msk [tilespmem:v3+s16+$0x0], $0xffff  }
0x1ee: {  	v4 =	vld.idx.msk [tilespmem:v2+s16+$0x0], $0xffff  }
0x1ef: {  	v3 =	vld.idx.msk [tilespmem:v5+s16+$0x0], $0xffff  }
0x1f0: {  	v2 =	vld.idx.msk [tilespmem:v9+s16+$0x0], $0xffff  }
.Ltmp12:
0x1f1: {  	s7 =	sadd.s32 $0xFFFFFFC0, s1;
	s6 =	sadd.s32 $0x21, s28;
	[tilespmem:s26+$0xFFFFFFD0] =	vst v7;
	(pc) =	sbr.rel @p2 .LBB2_20-.Ltmp12, $4  }
0x1f2: {  	v5 =	vadd.s32 s6, v0;
	s6 =	sor.u32 $0x30, s7;
	[tilespmem:s26+$0xFFFFFFE0] =	vst v8  }
0x1f3: {  	s7 =	sadd.s32 $0xFFFFFFE0, s1;
	s1 =	smov.u32 s23;
	[tilespmem:s26+$0xFFFFFFC0] =	vst v6  }
0x1f4: {  	s8 =	smov.u32 s10;
	s7 =	sor.u32 $0x50, s7;
	[tilespmem:s6+$0xC200] =	vst v10  }
0x1f5: {  	s9 =	sadd.s32 $0x10, s28;
	s23 =	sadd.s32 $0x80, s23;
	v6 =	vadd.s32 s28, v0;
	s26 =	sadd.s32 $0x80, s26;
	[tilespmem:s22+$0x0] =	vst v11  }
0x1f6: {  	_ = 	snop  }
0x1f7: {  	v7 =	vadd.s32 s9, v0;
	s6 =	sadd.s32 $0x31, s28;
	[tilespmem:s7+$0xC200] =	vst v4  }
0x1f8: {  	s10 =	sadd.s32 $0x42, s28;
	v62 =	vadd.s32 s6, v0;
	[tilespmem:s22+$0x20] =	vst v3  }
0x1f9: {  	s23 =	sadd.s32 $0x63, s28;
	v3 =	vadd.s32 s10, v0;
	[tilespmem:s29+$0xC200] =	vst v2  }
0x1fa: {  	s22 =	sadd.s32 $0x52, s28;
	v8 =	vadd.s32 s23, v0;
	v2 =	vld.idx.msk [tilespmem:v5+s16+$0x0], $0xffff  }
0x1fb: {  	s28 =	sadd.s32 $0x73, s28;
	v63 =	vadd.s32 s22, v0;
	v6 =	vld.idx.msk [tilespmem:v6+s16+$0x0], $0xffff  }
0x1fc: {  	v9 =	vadd.s32 s28, v0;
	v7 =	vld.idx.msk [tilespmem:v7+s16+$0x0], $0xffff  }
0x1fd: {  	v4 =	vld.idx.msk [tilespmem:v62+s16+$0x0], $0xffff  }
0x1fe: {  	v3 =	vld.idx.msk [tilespmem:v3+s16+$0x0], $0xffff  }
0x1ff: {  	v8 =	vld.idx.msk [tilespmem:v8+s16+$0x0], $0xffff  }
0x200: {  	v5 =	vld.idx.msk [tilespmem:v63+s16+$0x0], $0xffff  }
0x201: {  	v9 =	vld.idx.msk [tilespmem:v9+s16+$0x0], $0xffff;
	[tilespmem:s26+$0xFFFFFFE0] =	vst v2  }
0x202: {  	s29 =	sadd.s32 $0xFFFFFFC0, s1;
	[tilespmem:s26+$0xFFFFFFC0] =	vst v6  }
0x203: {  	s6 =	sor.u32 $0x30, s29;
	[tilespmem:s26+$0xFFFFFFD0] =	vst v7  }
0x204: {  	s30 =	sadd.s32 $0xFFFFFFE0, s1;
	[tilespmem:s6+$0xC200] =	vst v4  }
0x205: {  	s1 =	sor.u32 $0x50, s30;
	[tilespmem:s26+$0x0] =	vst v3  }
0x206: {  	[tilespmem:s1+$0xC200] =	vst v5  }
0x207: {  	[tilespmem:s26+$0x20] =	vst v8  }
.Ltmp13:
0x208: {  	s31 =	rddreg [dreg:$0x7];
	[tilespmem:s0+$0xC200] =	vst v9;
	(pc) =	sbr.rel .LBB2_27-.Ltmp13, $4  }
0x209: {  	[hbm4b:s31+s2] =	stream.linear.scatter [tilespmem:s17], [sflag:$0x5], $0x4000, $0x38;
	[tilespmem:$0x15200] =	vst v63  }
0x20a: {  	_ =	swait.ge [sflag:s24], $0x4000  }
0x20b: {  	[sflag:s24] =	ssyncset.done $0x0  }
0x20c: {  	[sflag:s24] =	ssyncadd.s32 $0xFFFFC000  }
.LBB2_22:
0x20d: {  	s0 =	rddreg [dreg:$0x4];
	s1 =	simm.s32 $0x400;
	s6 =	simm.s32 $0x14200  }
0x20e: {  	[tilespmem:s6], [sflag:$0x5] =	stream.strided.gather [hbm4b:s0+s1], $0x1000, s13, s1, $0x38;
	[tilespmem:$0x15200] =	vst v63  }
0x20f: {  	_ =	swait.ge [sflag:s24], $0x1000  }
0x210: {  	[sflag:s24] =	ssyncset.done $0x0  }
0x211: {  	s0 =	simm.s32 $0x0;
	s1 =	simm.s32 $0x14220;
	[sflag:s24] =	ssyncadd.s32 $0xFFFFF000  }
0x212: {  	v4 =	vadd.s32 s0, v1;
	v3 =	vld [tilespmem:s1+$0xFFFFFFE0]  }
0x213: {  	s29 =	simm.s32 $0x210  }
0x214: {  	s30 =	simm.s32 $0x420;
	v6 =	vadd.s32 s29, v1;
	v5 =	vld [tilespmem:s1+$0xFFFFFFF0]  }
0x215: {  	v8 =	vadd.s32 s30, v1;
	v7 =	vld [tilespmem:s1+$0x0]  }
0x216: {  	s31 =	simm.s32 $0x630  }
0x217: {  	v2 =	vld [tilespmem:s1+$0x10];
	[tilespmem:v4+s16+$0x0] =	vst.idx.msk $0xffff, v3;
	v3 =	vadd.s32 s31, v1;
	_ =	sdelay $0x1  }
0x218: {  	[tilespmem:v6+s16+$0x0] =	vst.idx.msk $0xffff, v5  }
0x219: {  	s22 =	simm.s32 $0x1;
	[tilespmem:v8+s16+$0x0] =	vst.idx.msk $0xffff, v7  }
.LBB2_23:
0x21a: {  	p2 =	sne.s32 s22, $0x1F  }
0x21b: {  	[tilespmem:v3+s16+$0x0] =	vst.idx.msk $0xffff, v2;
	s1 =	sadd.s32 $0x80, s1;
	s6 =	smov.u32 s22;
	s22 =	sadd.s32 $0x1, s22  }
0x21c: {  	v4 =	vld [tilespmem:s1+$0xFFFFFFE0];
	v5 =	vadd.s32 s6, v1;
	s7 =	sadd.s32 $0x210, s6  }
0x21d: {  	v6 =	vld [tilespmem:s1+$0xFFFFFFF0];
	v7 =	vadd.s32 s7, v1;
	s7 =	sadd.s32 $0x420, s6  }
0x21e: {  	s6 =	sadd.s32 $0x630, s6;
	v8 =	vld [tilespmem:s1+$0x0];
	v9 =	vadd.s32 s7, v1  }
.Ltmp14:
0x21f: {  	v3 =	vadd.s32 s6, v1;
	v2 =	vld [tilespmem:s1+$0x10];
	(pc) =	sbr.rel @p2 .LBB2_23-.Ltmp14, $4  }
0x220: {  	_ = 	snop  }
0x221: {  	[tilespmem:v5+s16+$0x0] =	vst.idx.msk $0xffff, v4  }
0x222: {  	[tilespmem:v7+s16+$0x0] =	vst.idx.msk $0xffff, v6  }
0x223: {  	[tilespmem:v9+s16+$0x0] =	vst.idx.msk $0xffff, v8  }
0x224: {  	s1 =	simm.s32 $0x21;
	v5 =	vadd.s32 s0, v0  }
0x225: {  	s9 =	simm.s32 $0x10;
	v4 =	vadd.s32 s1, v0  }
0x226: {  	s10 =	simm.s32 $0x31;
	v6 =	vadd.s32 s9, v0  }
0x227: {  	s22 =	simm.s32 $0x42;
	v7 =	vadd.s32 s10, v0  }
0x228: {  	[tilespmem:v3+s16+$0x0] =	vst.idx.msk $0xffff, v2;
	s23 =	simm.s32 $0x52;
	v2 =	vadd.s32 s22, v0  }
0x229: {  	s26 =	simm.s32 $0x63;
	v3 =	vadd.s32 s23, v0;
	v5 =	vld.idx.msk [tilespmem:v5+s16+$0x0], $0xffff  }
0x22a: {  	s30 =	simm.s32 $0x73;
	v9 =	vadd.s32 s26, v0;
	v8 =	vld.idx.msk [tilespmem:v4+s16+$0x0], $0xffff  }
0x22b: {  	v10 =	vadd.s32 s30, v0;
	v6 =	vld.idx.msk [tilespmem:v6+s16+$0x0], $0xffff  }
0x22c: {  	v7 =	vld.idx.msk [tilespmem:v7+s16+$0x0], $0xffff  }
0x22d: {  	v11 =	vld.idx.msk [tilespmem:v2+s16+$0x0], $0xffff  }
0x22e: {  	v4 =	vld.idx.msk [tilespmem:v3+s16+$0x0], $0xffff  }
0x22f: {  	s22 =	simm.s32 $0xC240;
	v3 =	vld.idx.msk [tilespmem:v9+s16+$0x0], $0xffff  }
0x230: {  	s31 =	simm.s32 $0x60;
	s28 =	simm.s32 $0x84;
	v2 =	vld.idx.msk [tilespmem:v10+s16+$0x0], $0xffff;
	[tilespmem:s22+$0xFFFFFFC0] =	vst v5  }
0x231: {  	s6 =	simm.s32 $0x20;
	s7 =	simm.s32 $0x40;
	s8 =	simm.s32 $0x108;
	[tilespmem:s22+$0xFFFFFFD0] =	vst v6  }
0x232: {  	s29 =	sor.u32 $0x70, s31;
	s1 =	simm.s32 $0xE0;
	s6 =	sor.u32 $0x30, s6;
	[tilespmem:s22+$0xFFFFFFE0] =	vst v8  }
0x233: {  	s9 =	simm.s32 $0xA5;
	s7 =	sor.u32 $0x50, s7;
	s23 =	simm.s32 $0x160;
	[tilespmem:s6+$0xC200] =	vst v7  }
0x234: {  	s26 =	simm.s32 $0xC2C0;
	s0 =	sor.u32 $0x70, s1;
	v5 =	vadd.s32 s9, v0;
	s9 =	simm.s32 $0x94;
	v6 =	vadd.s32 s28, v0;
	[tilespmem:s22+$0x0] =	vst v11  }
.LBB2_25:
0x235: {  	s6 =	sor.u32 $0x70, s23  }
0x236: {  	v7 =	vadd.s32 s9, v0;
	s9 =	sadd.s32 $0x31, s28;
	[tilespmem:s7+$0xC200] =	vst v4;
	s7 =	smov.u32 s8;
	s10 =	sadd.s32 $0x84, s8  }
0x237: {  	p2 =	sne.s32 s8, $0x7BC;
	s8 =	sadd.s32 $0x42, s28;
	v4 =	vadd.s32 s9, v0;
	[tilespmem:s22+$0x20] =	vst v3;
	s22 =	smov.u32 s26  }
0x238: {  	v3 =	vadd.s32 s8, v0;
	s8 =	sadd.s32 $0x52, s28;
	[tilespmem:s29+$0xC200] =	vst v2;
	s29 =	smov.u32 s0;
	s0 =	smov.u32 s6  }
0x239: {  	v2 =	vadd.s32 s8, v0;
	s6 =	sadd.s32 $0x63, s28;
	v8 =	vld.idx.msk [tilespmem:v5+s16+$0x0], $0xffff  }
0x23a: {  	v5 =	vadd.s32 s6, v0;
	s6 =	sadd.s32 $0x73, s28;
	s28 =	smov.u32 s7;
	v6 =	vld.idx.msk [tilespmem:v6+s16+$0x0], $0xffff  }
0x23b: {  	v9 =	vadd.s32 s6, v0;
	v7 =	vld.idx.msk [tilespmem:v7+s16+$0x0], $0xffff  }
0x23c: {  	v10 =	vld.idx.msk [tilespmem:v4+s16+$0x0], $0xffff  }
0x23d: {  	v11 =	vld.idx.msk [tilespmem:v3+s16+$0x0], $0xffff  }
0x23e: {  	v4 =	vld.idx.msk [tilespmem:v2+s16+$0x0], $0xffff  }
0x23f: {  	v3 =	vld.idx.msk [tilespmem:v5+s16+$0x0], $0xffff  }
0x240: {  	v2 =	vld.idx.msk [tilespmem:v9+s16+$0x0], $0xffff  }
.Ltmp15:
0x241: {  	s7 =	sadd.s32 $0xFFFFFFC0, s1;
	s6 =	sadd.s32 $0x21, s28;
	[tilespmem:s26+$0xFFFFFFD0] =	vst v7;
	(pc) =	sbr.rel @p2 .LBB2_25-.Ltmp15, $4  }
0x242: {  	v5 =	vadd.s32 s6, v0;
	s6 =	sor.u32 $0x30, s7;
	[tilespmem:s26+$0xFFFFFFE0] =	vst v8  }
0x243: {  	s7 =	sadd.s32 $0xFFFFFFE0, s1;
	s1 =	smov.u32 s23;
	[tilespmem:s26+$0xFFFFFFC0] =	vst v6  }
0x244: {  	s8 =	smov.u32 s10;
	s7 =	sor.u32 $0x50, s7;
	[tilespmem:s6+$0xC200] =	vst v10  }
0x245: {  	s9 =	sadd.s32 $0x10, s28;
	s23 =	sadd.s32 $0x80, s23;
	v6 =	vadd.s32 s28, v0;
	s26 =	sadd.s32 $0x80, s26;
	[tilespmem:s22+$0x0] =	vst v11  }
0x246: {  	_ = 	snop  }
0x247: {  	v7 =	vadd.s32 s9, v0;
	s6 =	sadd.s32 $0x31, s28;
	[tilespmem:s7+$0xC200] =	vst v4  }
0x248: {  	s10 =	sadd.s32 $0x42, s28;
	v62 =	vadd.s32 s6, v0;
	[tilespmem:s22+$0x20] =	vst v3  }
0x249: {  	s23 =	sadd.s32 $0x63, s28;
	v3 =	vadd.s32 s10, v0;
	[tilespmem:s29+$0xC200] =	vst v2  }
0x24a: {  	s22 =	sadd.s32 $0x52, s28;
	v8 =	vadd.s32 s23, v0;
	v2 =	vld.idx.msk [tilespmem:v5+s16+$0x0], $0xffff  }
0x24b: {  	s28 =	sadd.s32 $0x73, s28;
	v63 =	vadd.s32 s22, v0;
	v6 =	vld.idx.msk [tilespmem:v6+s16+$0x0], $0xffff  }
0x24c: {  	v9 =	vadd.s32 s28, v0;
	v7 =	vld.idx.msk [tilespmem:v7+s16+$0x0], $0xffff  }
0x24d: {  	v4 =	vld.idx.msk [tilespmem:v62+s16+$0x0], $0xffff  }
0x24e: {  	v3 =	vld.idx.msk [tilespmem:v3+s16+$0x0], $0xffff  }
0x24f: {  	v8 =	vld.idx.msk [tilespmem:v8+s16+$0x0], $0xffff  }
0x250: {  	v5 =	vld.idx.msk [tilespmem:v63+s16+$0x0], $0xffff  }
0x251: {  	v9 =	vld.idx.msk [tilespmem:v9+s16+$0x0], $0xffff;
	[tilespmem:s26+$0xFFFFFFE0] =	vst v2  }
0x252: {  	s29 =	sadd.s32 $0xFFFFFFC0, s1;
	[tilespmem:s26+$0xFFFFFFC0] =	vst v6  }
0x253: {  	s6 =	sor.u32 $0x30, s29;
	[tilespmem:s26+$0xFFFFFFD0] =	vst v7  }
0x254: {  	s30 =	sadd.s32 $0xFFFFFFE0, s1;
	[tilespmem:s6+$0xC200] =	vst v4  }
0x255: {  	s1 =	sor.u32 $0x50, s30;
	[tilespmem:s26+$0x0] =	vst v3  }
0x256: {  	[tilespmem:s1+$0xC200] =	vst v5  }
0x257: {  	[tilespmem:s26+$0x20] =	vst v8  }
.Ltmp16:
0x258: {  	s31 =	rddreg [dreg:$0x5];
	[tilespmem:s0+$0xC200] =	vst v9;
	(pc) =	sbr.rel .LBB2_27-.Ltmp16, $4  }
0x259: {  	[hbm4b:s31+s2] =	stream.linear.scatter [tilespmem:s17], [sflag:$0x5], $0x800, $0x38;
	[tilespmem:$0x15200] =	vst v63  }
0x25a: {  	_ =	swait.ge [sflag:s24], $0x800  }
0x25b: {  	[sflag:s24] =	ssyncset.done $0x0  }
0x25c: {  	[sflag:s24] =	ssyncadd.s32 $0xFFFFF800  }
.LBB2_28:
0x25d: {  	_ =	sfence.sel $0x180000  }
0x25e: {  	[bflag:$0x0] =	sbarrier.arrive $0xFFFF  }
0x25f: {  	_ =	strace $0x90000047  }
0x260: {  	s0 =	stileid.u32;
	[bflag:$0x2] =	sbarrier.arrive $0xFFFF  }
0x261: {  	p0 =	sne.s32 s0, $0x0;
	s0 =	rddreg [dreg:$0x2]  }
0x262: {  	s0 =	sadd.s32 @!p0 $0x100000, s0  }
0x263: {  	[sflag:s0] =	ssyncadd.tile.s32 @!p0 $0x1;
	_ =	shalt  }
.Lfunc_end2:
_tile_overlayer_lowered:
.L_overlay_start_2:
0x264: {  	(tag) =	ssettag $0x2  }
0x265: {  	s0 =	rddreg [dreg:$0x0];
	s2 =	stileid.u32  }
0x266: {  	s1 =	rddreg [dreg:$0x1];
	p0 =	sne.s32 s2, $0x0  }
0x267: {  	s3 =	rddreg [dreg:$0x2];
	[bflag:$0x3] =	sbarrier.arrive $0xFFFF;
	s2 =	simm.s32 @!p0 $0x1C05  }
0x268: {  	[timem:s3], [sflag:s2] =	dma.local @!p0 [hbm:s0], s1  }
0x269: {  	s0 =	simm.s32 @!p0 $0x5  }
0x26a: {  	_ =	swait.ge @!p0 [sflag:s0], s1  }
0x26b: {  	s1 =	ssub.s32 @!p0 $0x0, s1;
	[sflag:s0] =	ssyncset.done @!p0 $0x0  }
0x26c: {  	[sflag:s0] =	ssyncadd.s32 @!p0 s1  }
0x26d: {  	[bflag:$0x3] =	sbarrier.arrive $0xFFFF  }
0x26e: {  	_ =	shalt  }

// kernel: kernel.8.cloned.1.call-start
scs
__scs_entry_jumppad:
0x0: {  	(pc) =	sbr.rel $0x88, $3  }
0x1: {  	(tag) =	ssettag $0x0;
	lr =	simm.s32 $0x1  }
0x2: {  	[smem:$0x3F97] =	sst lr;
	_ =	strace $0xD0000000  }
0x3: {  	_ = 	snop  }
0x4: {  	_ = 	snop  }
0x5: {  	_ = 	snop  }
0x6: {  	_ = 	snop  }
0x7: {  	_ = 	snop  }
__scs_overlays_trampoline_lowered:
0x8: {  	[smem:$0x3FA6] =	sst s0  }
0x9: {  	[smem:$0x3FA7] =	sst s1  }
0xa: {  	[smem:$0x3FA8] =	sst s2  }
0xb: {  	[smem:$0x3FA9] =	sst s3  }
0xc: {  	[smem:$0x3FAA] =	sst s4  }
0xd: {  	[smem:$0x3FAB] =	sst s5  }
0xe: {  	[smem:$0x3FAC] =	sst s6  }
0xf: {  	[smem:$0x3FAD] =	sst s7  }
0x10: {  	[smem:$0x3FAE] =	sst s8  }
0x11: {  	[smem:$0x3FAF] =	sst s9;
	s0 =	simm.s32 @!p0 $0x0  }
0x12: {  	s1 =	sld [smem:$0x3F95];
	s0 =	simm.s32 @p0 $0x1  }
0x13: {  	[smem:$0x3FB0] =	sst s0;
	s0 =	simm.s32 @!p1 $0x0  }
0x14: {  	s2 =	sld [smem:$0x3F94];
	s0 =	simm.s32 @p1 $0x1  }
0x15: {  	[smem:$0x3FB1] =	sst s0;
	s0 =	simm.s32 @!p2 $0x0  }
0x16: {  	s3 =	sld [smem:$0x3FDB];
	s0 =	simm.s32 @p2 $0x1  }
0x17: {  	s4 =	simm.s32 $0x1BF5;
	[smem:$0x3FB3] =	sst s0  }
0x18: {  	s0 =	sld [smem:$0x3F96];
	_ =	swait.ge [sflag:s4], $0x0  }
0x19: {  	s7 =	sld [smem:$0x3F97]  }
0x1a: {  	s8 =	sadd.s32 $0xFFFFE003, lr  }
0x1b: {  	s9 =	sadd.s32 $0xFFFFFEF7, lr;
	s5 =	simm.s32 $0xFFFFFFFF;
	p2 =	slt.u32 s8, $0xFFFFF086  }
0x1c: {  	p1 =	slt.u32 s9, $0xF7A;
	s5 =	simm.s32 @!p2 $0x0  }
0x1d: {  	s5 =	simm.s32 @p1 $0x1;
	p0 =	seq.s32 s7, s2  }
0x1e: {  	s7 =	smul.u32 @!p0 $0xF7A, s2;
	p2 =	seq.s32 @!p0 s5, $0x0  }
0x1f: {  	s9 =	smul.u32 $0xF7A, s1;
	s8 =	simm.s32 @!p0 $0x1BF5;
	p2 =	por !p2, p0  }
0x20: {  	[sflag:s8] =	ssyncset.s32 @!p0 $0xFFFFF086;
	s6 =	sadd.s32 @!p0 s3, s7;
	s7 =	simm.s32 @!p0 $0x108  }
0x21: {  	s3 =	sadd.s32 s3, s9;
	s6 =	sadd.s32 @!p0 $0x88, s6;
	s7 =	simm.s32 @p2 $0x1082  }
0x22: {  	[simem:s7], [sflag:s8] =	dma.local @!p0 [hbm:s6], $0xF7A  }
0x23: {  	s9 =	sor.u32 $0xD0000000, s2;
	s6 =	simm.s32 $0x108;
	_ =	swait.ge @!p0 [sflag:s8], $0x0  }
0x24: {  	s3 =	sadd.s32 $0x88, s3;
	s6 =	simm.s32 @!p1 $0x1082;
	[sflag:s4] =	ssyncset.s32 $0xFFFFF086  }
0x25: {  	[simem:s6], [sflag:s4] =	dma.local [hbm:s3], $0xF7A  }
0x26: {  	[smem:$0x3F97] =	sst s1;
	(tag) =	ssettag s2;
	_ =	strace s9  }
0x27: {  	s1 =	sld [smem:$0x3FA7]  }
0x28: {  	s2 =	sld [smem:$0x3FA8]  }
0x29: {  	s4 =	sld [smem:$0x3FAA]  }
0x2a: {  	p0 =	seq.s32 s5, $0x0;
	s5 =	sld [smem:$0x3FAB]  }
0x2b: {  	s6 =	sld [smem:$0x3FAC]  }
0x2c: {  	s7 =	sld [smem:$0x3FAD]  }
0x2d: {  	s3 =	simm.s32 $0x108;
	s8 =	sld [smem:$0x3FAE]  }
0x2e: {  	s3 =	simm.s32 @!p0 $0x1082;
	s9 =	sld [smem:$0x3FAF]  }
0x2f: {  	lr =	sadd.s32 s0, s3;
	s0 =	sld [smem:$0x3FA6]  }
0x30: {  	s3 =	sld [smem:$0x3FA9]  }
0x31: {  	[smem:$0x3FB2] =	sst s10  }
0x32: {  	s10 =	sld [smem:$0x3FB0];
	_ =	sdelay $0x3  }
0x33: {  	p0 =	seq.s32 s10, $0x1;
	s10 =	sld [smem:$0x3FB2];
	_ =	sdelay $0x3  }
0x34: {  	[smem:$0x3FB2] =	sst s10  }
0x35: {  	s10 =	sld [smem:$0x3FB1];
	_ =	sdelay $0x3  }
0x36: {  	p1 =	seq.s32 s10, $0x1;
	s10 =	sld [smem:$0x3FB2];
	_ =	sdelay $0x3  }
0x37: {  	[smem:$0x3FB2] =	sst s10  }
0x38: {  	s10 =	sld [smem:$0x3FB3]  }
0x39: {  	_ = 	snop;
	(pc) =	sbr.ind lr, $3  }
0x3a: {  	_ = 	snop  }
0x3b: {  	_ = 	snop  }
0x3c: {  	p2 =	seq.s32 s10, $0x1;
	s10 =	sld [smem:$0x3FB2]  }
0x3d: {  	_ =	shalt  }
0x3e: {  	_ =	shalt  }
0x3f: {  	_ =	shalt  }
0x40: {  	_ =	shalt  }
0x41: {  	_ =	shalt  }
0x42: {  	_ =	shalt  }
0x43: {  	_ =	shalt  }
0x44: {  	_ =	shalt  }
0x45: {  	_ =	shalt  }
0x46: {  	_ =	shalt  }
0x47: {  	_ =	shalt  }
0x48: {  	_ =	shalt  }
0x49: {  	_ =	shalt  }
0x4a: {  	_ =	shalt  }
0x4b: {  	_ =	shalt  }
0x4c: {  	_ =	shalt  }
0x4d: {  	_ =	shalt  }
0x4e: {  	_ =	shalt  }
0x4f: {  	_ =	shalt  }
0x50: {  	_ =	shalt  }
0x51: {  	_ =	shalt  }
0x52: {  	_ =	shalt  }
0x53: {  	_ =	shalt  }
0x54: {  	_ =	shalt  }
0x55: {  	_ =	shalt  }
0x56: {  	_ =	shalt  }
0x57: {  	_ =	shalt  }
0x58: {  	_ =	shalt  }
0x59: {  	_ =	shalt  }
0x5a: {  	_ =	shalt  }
0x5b: {  	_ =	shalt  }
0x5c: {  	_ =	shalt  }
0x5d: {  	_ =	shalt  }
0x5e: {  	_ =	shalt  }
0x5f: {  	_ =	shalt  }
0x60: {  	_ =	shalt  }
0x61: {  	_ =	shalt  }
0x62: {  	_ =	shalt  }
0x63: {  	_ =	shalt  }
0x64: {  	_ =	shalt  }
0x65: {  	_ =	shalt  }
0x66: {  	_ =	shalt  }
0x67: {  	_ =	shalt  }
0x68: {  	_ =	shalt  }
0x69: {  	_ =	shalt  }
0x6a: {  	_ =	shalt  }
0x6b: {  	_ =	shalt  }
0x6c: {  	_ =	shalt  }
0x6d: {  	_ =	shalt  }
0x6e: {  	_ =	shalt  }
0x6f: {  	_ =	shalt  }
0x70: {  	_ =	shalt  }
0x71: {  	_ =	shalt  }
0x72: {  	_ =	shalt  }
0x73: {  	_ =	shalt  }
0x74: {  	_ =	shalt  }
0x75: {  	_ =	shalt  }
0x76: {  	_ =	shalt  }
0x77: {  	_ =	shalt  }
0x78: {  	_ =	shalt  }
0x79: {  	_ =	shalt  }
0x7a: {  	_ =	shalt  }
0x7b: {  	_ =	shalt  }
0x7c: {  	_ =	shalt  }
0x7d: {  	_ =	shalt  }
0x7e: {  	_ =	shalt  }
0x7f: {  	_ =	shalt  }
0x80: {  	_ =	shalt  }
0x81: {  	_ =	shalt  }
0x82: {  	_ =	shalt  }
0x83: {  	_ =	shalt  }
0x84: {  	_ =	shalt  }
0x85: {  	_ =	shalt  }
0x86: {  	_ =	shalt  }
0x87: {  	_ =	shalt  }
.Lfunc_end0:
.L_simem_size_0:
called_computation.1_lowered:
.L_overlay_start_0:
0x88: {  	s2 =	sld [smem:$0x3FD9]  }
0x89: {  	s3 =	sld [smem:$0x3FFE];
	_ =	sdelay $0x1  }
0x8a: {  	s1 =	srdreg.scid  }
0x8b: {  	s0 =	sand.u32 $0x1, s1  }
0x8c: {  	s17 =	sshll.u32 s0, $0xA;
	s2 =	sadd.s32 s3, s2  }
0x8d: {  	s2 =	sadd.s32 s2, s17  }
0x8e: {  	[smem:$0x3FBE] =	sst s2  }
0x8f: {  	_ = 	snop  }
0x90: {  	s2 =	sld [smem:$0x3FC8]  }
0x91: {  	s18 =	sld [smem:$0x3FD0];
	(tm) =	ssettm $0x1  }
0x92: {  	s4 =	sld [smem:$0x3FFB];
	_ =	sdelay $0x3  }
0x93: {  	_ =	strace s4  }
0x94: {  	s4 =	sld [smem:$0x3FFC];
	_ =	sdelay $0x3  }
0x95: {  	_ =	strace s4  }
0x96: {  	s4 =	sld [smem:$0x3FFD];
	_ =	sdelay $0x3  }
0x97: {  	_ =	strace s4  }
0x98: {  	_ =	strace $0x8FFFFFFF  }
0x99: {  	s19 =	sld [smem:$0x3FDB];
	_ =	sdelay $0x1  }
0x9a: {  	s5 =	simm.s32 $_scs_section_size  }
0x9b: {  	s6 =	simm.s32 $_size__tile_overlayer_lowered;
	s7 =	simm.s32 $_tile_overlayer_lowered  }
0x9c: {  	s22 =	simm.s32 $0x1BFF;
	s21 =	sshll.u32 s7, $0x1;
	s4 =	sadd.s32 s5, s19  }
0x9d: {  	s8 =	simm.s32 $0x0;
	s20 =	sshll.u32 s6, $0x1;
	s6 =	sadd.s32 s21, s4  }
0x9e: {  	[timem:s8], [sflag:s22] =	dma.local [hbm:s6], s20  }
0x9f: {  	_ =	swait.ge [sflag:s22], s20  }
0xa0: {  	s5 =	ssub.s32 $0x0, s20;
	[sflag:s22] =	ssyncset.done $0x0  }
0xa1: {  	[sflag:s22] =	ssyncadd.s32 s5;
	_ =	sdelay $0x1  }
0xa2: {  	s23 =	simm.s32 $0x1B8B  }
0xa3: {  	_ =	swait.ge [sflag:s23], $0x1  }
0xa4: {  	[sflag:s23] =	ssyncset.done $0x0  }
0xa5: {  	s25 =	simm.s32 $0x1B8E;
	s24 =	sld [smem:$0x3FFE];
	[sflag:s23] =	ssyncadd.s32 $0xFFFFFFFF  }
0xa6: {  	s26 =	simm.s32 $execute0_lowered;
	[smem:$0x3FD2] =	sst s25  }
0xa7: {  	s6 =	sshll.u32 s26, $0x1;
	_ =	strace $0x80000049;
	[dreg:$0x1] =	wrdreg $0xFFFFFFFF  }
0xa8: {  	s28 =	simm.s32 $_size_execute0_lowered;
	s4 =	sadd.s32 s4, s6;
	[dreg:$0x0] =	wrdreg $0x0  }
0xa9: {  	s6 =	sshll.u32 s28, $0x1;
	[dreg:$0x2] =	wrdreg s4  }
0xaa: {  	[dreg:$0x3] =	wrdreg s6  }
0xab: {  	[dreg:$0x4] =	wrdreg $0xC0  }
0xac: {  	_ =	task [dreg:s8], $0x5FFFF  }
0xad: {  	[dreg:$0x1] =	wrdreg $0xFFFFFFFF  }
0xae: {  	[dreg:$0x0] =	wrdreg $0x60  }
0xaf: {  	[dreg:$0x2] =	wrdreg s24  }
0xb0: {  	[dreg:$0x3] =	wrdreg s2  }
0xb1: {  	[dreg:$0x4] =	wrdreg s18  }
0xb2: {  	[dreg:$0x5] =	wrdreg $0x9  }
0xb3: {  	_ =	task.clear_ibuf [dreg:s8], $0x6FFFF;
	_ =	strace $0x90000049  }
0xb4: {  	s29 =	simm.s32 $0x9;
	_ =	strace $0x8000004B  }
0xb5: {  	_ =	swait.ge [sflag:s29], $0x1  }
0xb6: {  	[sflag:s29] =	ssyncadd.s32 $0xFFFFFFFF  }
0xb7: {  	_ =	strace $0x9000004B  }
0xb8: {  	_ =	sfence  }
0xb9: {  	s30 =	sld [smem:$0x0];
	_ =	sdelay $0x2  }
0xba: {  	s31 =	sshll.u32 s1, $0xD;
	s1 =	sshrl.u32 s1, $0x2  }
0xbb: {  	s3 =	sand.u32 $0x4000, s31;
	s1 =	sadd.s32 s1, s30  }
0xbc: {  	s0 =	sor.u32 s3, s0;
	s1 =	sshll.u32 s1, $0x11  }
0xbd: {  	s0 =	sor.u32 s1, s0  }
0xbe: {  	s0 =	sadd.s32 $0x8F2B, s0  }
0xbf: {  	[sflag:s0] =	ssyncadd.remote.s32 $0x1  }
0xc0: {  	_ =	sfence.sel $0xFFFF  }
0xc1: {  	[dreg:$0x0] =	wrdreg $0xFFFFFFFF;
	(pc) =	sbr.abs _section_cstart, $3  }
0xc2: {  	[dreg:$0x1] =	wrdreg $0xFFFFFFFF  }
0xc3: {  	_ =	task.clear_ibuf [dreg:s8], $0x2FFFF;
	_ =	strace $0x9FFFFFFF  }
0xc4: {  	(tm) =	ssettm $0x7FFFFFFF  }
0xc5: {  	_ =	shalt  }
tec
execute0_lowered:
.L_overlay_start_1:
0x0: {  	(tag) =	ssettag $0x1  }
0x1: {  	s13 =	rddreg [dreg:$0x0]  }
0x2: {  	s3 =	rddreg [dreg:$0x1]  }
0x3: {  	s4 =	srdreg.scid;
	s1 =	stileid.u32  }
0x4: {  	s10 =	rddreg [dreg:$0x2];
	s19 =	sand.u32 $0x1, s4;
	s26 =	sshll.u32 s1, $0x1  }
0x5: {  	s0 =	rddreg [dreg:$0x3];
	s2 =	simm.s32 $0x0;
	s14 =	sor.u32 s19, s26  }
0x6: {  	s5 =	simm.s32 $0xCE40;
	[smem:$0x7FF] =	sst s2;
	s4 =	sshll.u32 s14, $0x4  }
0x7: {  	_ =	strace $0x8000004A;
	s3 =	sadd.s32 s3, s4;
	s4 =	simm.s32 $0x2  }
0x8: {  	[tilespmem:s5], [sflag:$0x2] =	stream.linear.gather [hbm4b:s3+s2], $0x80, $0x38;
	[tilespmem:$0xDEC0] =	vst v63  }
0x9: {  	_ =	swait.ge [sflag:s4], $0x80  }
0xa: {  	s7 =	simm.s32 $0x80;
	s8 =	simm.s32 $0xCEC0;
	[sflag:s4] =	ssyncset.done $0x0  }
0xb: {  	s9 =	simm.s32 $0x1;
	s6 =	sadd.s32 $0x2200, s13;
	[sflag:s4] =	ssyncadd.s32 $0xFFFFFF80  }
0xc: {  	[tilespmem:s8], [sflag:$0x1] =	stream.indirect.gather [hbm4b:s6+s7], $0x20, s5, s7, $0xb8;
	[tilespmem:$0xDEC0] =	vst v63  }
0xd: {  	_ =	swait.ge [sflag:s9], $0x1000  }
0xe: {  	s11 =	sshll.u32 s14, $0x9;
	[sflag:s9] =	ssyncset.done $0x0  }
0xf: {  	s18 =	smul.u32 $0x1900, s14;
	s10 =	sadd.s32 s10, s11;
	[sflag:s9] =	ssyncadd.s32 $0xFFFFF000  }
0x10: {  	[hbm4b:s10+s2] =	stream.linear.scatter [tilespmem:s8], [sflag:$0x2], $0x1000, $0x38;
	[tilespmem:$0xDEC0] =	vst v63  }
0x11: {  	_ =	swait.ge [sflag:s4], $0x1000  }
0x12: {  	s20 =	sadd.s32 $0x3D2C00, s13;
	s28 =	sshrl.u32 s18, $0x3;
	[sflag:s4] =	ssyncset.done $0x0  }
0x13: {  	s11 =	sadd.s32 s20, s28;
	[sflag:s4] =	ssyncadd.s32 $0xFFFFF000  }
0x14: {  	[tilespmem:s2], [sflag:$0x2] =	stream.linear.gather [hbm4b:s11+s2], $0x640, $0x38;
	[tilespmem:$0xDEC0] =	vst v63  }
0x15: {  	_ =	swait.ge [sflag:s4], $0x640  }
0x16: {  	[sflag:s4] =	ssyncset.done $0x0  }
0x17: {  	s12 =	simm.s32 $0x640;
	[sflag:s4] =	ssyncadd.s32 $0xFFFFF9C0  }
0x18: {  	[tilespmem:s12], [sflag:$0x1] =	stream.indirect.gather [hbm4b:s6+s12], $0x20, s2, s12, $0xb8;
	[tilespmem:$0xDEC0] =	vst v63  }
0x19: {  	s14 =	smul.u32 $0x6400, s14;
	_ =	swait.ge [sflag:s9], $0xC800  }
0x1a: {  	s21 =	sadd.s32 $0x3D9000, s13;
	[sflag:s9] =	ssyncset.done $0x0  }
0x1b: {  	s13 =	sadd.s32 s21, s14;
	[sflag:s9] =	ssyncadd.s32 $0xFFFF3800  }
0x1c: {  	[hbm4b:s13+s2] =	stream.linear.scatter [tilespmem:s12], [sflag:$0x2], $0xC800, $0x38;
	[tilespmem:$0xDEC0] =	vst v63  }
0x1d: {  	s15 =	sadd.s32 $0x640, s18;
	_ =	swait.ge [sflag:s4], $0xC800  }
0x1e: {  	s29 =	sshrl.u32 s15, $0x3;
	[sflag:s4] =	ssyncset.done $0x0  }
0x1f: {  	s14 =	sadd.s32 s20, s29;
	[sflag:s4] =	ssyncadd.s32 $0xFFFF3800  }
0x20: {  	[tilespmem:s2], [sflag:$0x2] =	stream.linear.gather [hbm4b:s14+s2], $0x640, $0x38;
	[tilespmem:$0xDEC0] =	vst v63  }
0x21: {  	_ =	swait.ge [sflag:s4], $0x640  }
0x22: {  	[sflag:s4] =	ssyncset.done $0x0  }
0x23: {  	[sflag:s4] =	ssyncadd.s32 $0xFFFFF9C0  }
0x24: {  	[tilespmem:s12], [sflag:$0x1] =	stream.indirect.gather [hbm4b:s6+s12], $0x20, s2, s12, $0xb8;
	[tilespmem:$0xDEC0] =	vst v63  }
0x25: {  	_ =	swait.ge [sflag:s9], $0xC800  }
0x26: {  	s15 =	sshll.u32 s15, $0x2;
	[sflag:s9] =	ssyncset.done $0x0  }
0x27: {  	s15 =	sadd.s32 s21, s15;
	[sflag:s9] =	ssyncadd.s32 $0xFFFF3800  }
0x28: {  	[hbm4b:s15+s2] =	stream.linear.scatter [tilespmem:s12], [sflag:$0x2], $0xC800, $0x38;
	[tilespmem:$0xDEC0] =	vst v63  }
0x29: {  	s17 =	sadd.s32 $0xC80, s18;
	_ =	swait.ge [sflag:s4], $0xC800  }
0x2a: {  	s16 =	sshrl.u32 s17, $0x3;
	[sflag:s4] =	ssyncset.done $0x0  }
0x2b: {  	s16 =	sadd.s32 s20, s16;
	[sflag:s4] =	ssyncadd.s32 $0xFFFF3800  }
0x2c: {  	[tilespmem:s2], [sflag:$0x2] =	stream.linear.gather [hbm4b:s16+s2], $0x640, $0x38;
	[tilespmem:$0xDEC0] =	vst v63  }
0x2d: {  	_ =	swait.ge [sflag:s4], $0x640  }
0x2e: {  	[sflag:s4] =	ssyncset.done $0x0  }
0x2f: {  	[sflag:s4] =	ssyncadd.s32 $0xFFFFF9C0  }
0x30: {  	[tilespmem:s12], [sflag:$0x1] =	stream.indirect.gather [hbm4b:s6+s12], $0x20, s2, s12, $0xb8;
	[tilespmem:$0xDEC0] =	vst v63  }
0x31: {  	_ =	swait.ge [sflag:s9], $0xC800  }
0x32: {  	s17 =	sshll.u32 s17, $0x2;
	[sflag:s9] =	ssyncset.done $0x0  }
0x33: {  	s17 =	sadd.s32 s21, s17;
	[sflag:s9] =	ssyncadd.s32 $0xFFFF3800  }
0x34: {  	[hbm4b:s17+s2] =	stream.linear.scatter [tilespmem:s12], [sflag:$0x2], $0xC800, $0x38;
	[tilespmem:$0xDEC0] =	vst v63  }
0x35: {  	s22 =	sadd.s32 $0x12C0, s18;
	_ =	swait.ge [sflag:s4], $0xC800  }
0x36: {  	s18 =	sshrl.u32 s22, $0x3;
	[sflag:s4] =	ssyncset.done $0x0  }
0x37: {  	s19 =	ssub.s32 $0x2, s19;
	s18 =	sadd.s32 s20, s18;
	[sflag:s4] =	ssyncadd.s32 $0xFFFF3800  }
0x38: {  	[tilespmem:s2], [sflag:$0x2] =	stream.linear.gather [hbm4b:s18+s2], $0x640, $0x38;
	[tilespmem:$0xDEC0] =	vst v63  }
0x39: {  	s30 =	sshrl.u32 s19, $0x1;
	_ =	swait.ge [sflag:s4], $0x640  }
0x3a: {  	s20 =	ssub.s32 s19, s30;
	[sflag:s4] =	ssyncset.done $0x0  }
0x3b: {  	s20 =	smax.u32 s20, $0x1;
	[sflag:s4] =	ssyncadd.s32 $0xFFFFF9C0  }
0x3c: {  	[tilespmem:s12], [sflag:$0x1] =	stream.indirect.gather [hbm4b:s6+s12], $0x20, s2, s12, $0xb8;
	[tilespmem:$0xDEC0] =	vst v63  }
0x3d: {  	p0 =	sne.s32 s20, $0x1;
	_ =	swait.ge [sflag:s9], $0xC800  }
.Ltmp0:
0x3e: {  	s31 =	sshll.u32 s22, $0x2;
	[sflag:s9] =	ssyncset.done $0x0;
	(pc) =	sbr.rel @!p0 .LBB2_2-.Ltmp0, $4  }
0x3f: {  	s19 =	sadd.s32 s21, s31;
	[sflag:s9] =	ssyncadd.s32 $0xFFFF3800  }
0x40: {  	[hbm4b:s19+s2] =	stream.linear.scatter [tilespmem:s12], [sflag:$0x2], $0xC800, $0x38;
	[tilespmem:$0xDEC0] =	vst v63  }
0x41: {  	_ =	swait.ge [sflag:s4], $0xC800  }
0x42: {  	s20 =	sadd.s32 $0xFFFFFFFF, s20;
	[sflag:s4] =	ssyncset.done $0x0  }
.LBB2_1:
0x43: {  	p0 =	sne.s32 s20, $0x1;
	s20 =	sadd.s32 $0xFFFFFFFF, s20;
	[sflag:s4] =	ssyncadd.s32 $0xFFFF3800  }
0x44: {  	[tilespmem:s5], [sflag:$0x2] =	stream.linear.gather [hbm4b:s3+s2], $0x80, $0x38;
	[tilespmem:$0xDEC0] =	vst v63  }
0x45: {  	_ =	swait.ge [sflag:s4], $0x80  }
0x46: {  	[sflag:s4] =	ssyncset.done $0x0  }
0x47: {  	[sflag:s4] =	ssyncadd.s32 $0xFFFFFF80  }
0x48: {  	[tilespmem:s8], [sflag:$0x1] =	stream.indirect.gather [hbm4b:s6+s7], $0x20, s5, s7, $0xb8;
	[tilespmem:$0xDEC0] =	vst v63  }
0x49: {  	_ =	swait.ge [sflag:s9], $0x1000  }
0x4a: {  	[sflag:s9] =	ssyncset.done $0x0  }
0x4b: {  	[sflag:s9] =	ssyncadd.s32 $0xFFFFF000  }
0x4c: {  	[hbm4b:s10+s2] =	stream.linear.scatter [tilespmem:s8], [sflag:$0x2], $0x1000, $0x38;
	[tilespmem:$0xDEC0] =	vst v63  }
0x4d: {  	_ =	swait.ge [sflag:s4], $0x1000  }
0x4e: {  	[sflag:s4] =	ssyncset.done $0x0  }
0x4f: {  	[sflag:s4] =	ssyncadd.s32 $0xFFFFF000  }
0x50: {  	[tilespmem:s2], [sflag:$0x2] =	stream.linear.gather [hbm4b:s11+s2], $0x640, $0x38;
	[tilespmem:$0xDEC0] =	vst v63  }
0x51: {  	_ =	swait.ge [sflag:s4], $0x640  }
0x52: {  	[sflag:s4] =	ssyncset.done $0x0  }
0x53: {  	[sflag:s4] =	ssyncadd.s32 $0xFFFFF9C0  }
0x54: {  	[tilespmem:s12], [sflag:$0x1] =	stream.indirect.gather [hbm4b:s6+s12], $0x20, s2, s12, $0xb8;
	[tilespmem:$0xDEC0] =	vst v63  }
0x55: {  	_ =	swait.ge [sflag:s9], $0xC800  }
0x56: {  	[sflag:s9] =	ssyncset.done $0x0  }
0x57: {  	[sflag:s9] =	ssyncadd.s32 $0xFFFF3800  }
0x58: {  	[hbm4b:s13+s2] =	stream.linear.scatter [tilespmem:s12], [sflag:$0x2], $0xC800, $0x38;
	[tilespmem:$0xDEC0] =	vst v63  }
0x59: {  	_ =	swait.ge [sflag:s4], $0xC800  }
0x5a: {  	[sflag:s4] =	ssyncset.done $0x0  }
0x5b: {  	[sflag:s4] =	ssyncadd.s32 $0xFFFF3800  }
0x5c: {  	[tilespmem:s2], [sflag:$0x2] =	stream.linear.gather [hbm4b:s14+s2], $0x640, $0x38;
	[tilespmem:$0xDEC0] =	vst v63  }
0x5d: {  	_ =	swait.ge [sflag:s4], $0x640  }
0x5e: {  	[sflag:s4] =	ssyncset.done $0x0  }
0x5f: {  	[sflag:s4] =	ssyncadd.s32 $0xFFFFF9C0  }
0x60: {  	[tilespmem:s12], [sflag:$0x1] =	stream.indirect.gather [hbm4b:s6+s12], $0x20, s2, s12, $0xb8;
	[tilespmem:$0xDEC0] =	vst v63  }
0x61: {  	_ =	swait.ge [sflag:s9], $0xC800  }
0x62: {  	[sflag:s9] =	ssyncset.done $0x0  }
0x63: {  	[sflag:s9] =	ssyncadd.s32 $0xFFFF3800  }
0x64: {  	[hbm4b:s15+s2] =	stream.linear.scatter [tilespmem:s12], [sflag:$0x2], $0xC800, $0x38;
	[tilespmem:$0xDEC0] =	vst v63  }
0x65: {  	_ =	swait.ge [sflag:s4], $0xC800  }
0x66: {  	[sflag:s4] =	ssyncset.done $0x0  }
0x67: {  	[sflag:s4] =	ssyncadd.s32 $0xFFFF3800  }
0x68: {  	[tilespmem:s2], [sflag:$0x2] =	stream.linear.gather [hbm4b:s16+s2], $0x640, $0x38;
	[tilespmem:$0xDEC0] =	vst v63  }
0x69: {  	_ =	swait.ge [sflag:s4], $0x640  }
0x6a: {  	[sflag:s4] =	ssyncset.done $0x0  }
0x6b: {  	[sflag:s4] =	ssyncadd.s32 $0xFFFFF9C0  }
0x6c: {  	[tilespmem:s12], [sflag:$0x1] =	stream.indirect.gather [hbm4b:s6+s12], $0x20, s2, s12, $0xb8;
	[tilespmem:$0xDEC0] =	vst v63  }
0x6d: {  	_ =	swait.ge [sflag:s9], $0xC800  }
0x6e: {  	[sflag:s9] =	ssyncset.done $0x0  }
0x6f: {  	[sflag:s9] =	ssyncadd.s32 $0xFFFF3800  }
0x70: {  	[hbm4b:s17+s2] =	stream.linear.scatter [tilespmem:s12], [sflag:$0x2], $0xC800, $0x38;
	[tilespmem:$0xDEC0] =	vst v63  }
0x71: {  	_ =	swait.ge [sflag:s4], $0xC800  }
0x72: {  	[sflag:s4] =	ssyncset.done $0x0  }
0x73: {  	[sflag:s4] =	ssyncadd.s32 $0xFFFF3800  }
0x74: {  	[tilespmem:s2], [sflag:$0x2] =	stream.linear.gather [hbm4b:s18+s2], $0x640, $0x38;
	[tilespmem:$0xDEC0] =	vst v63  }
0x75: {  	_ =	swait.ge [sflag:s4], $0x640  }
0x76: {  	[sflag:s4] =	ssyncset.done $0x0  }
0x77: {  	[sflag:s4] =	ssyncadd.s32 $0xFFFFF9C0  }
0x78: {  	[tilespmem:s12], [sflag:$0x1] =	stream.indirect.gather [hbm4b:s6+s12], $0x20, s2, s12, $0xb8;
	[tilespmem:$0xDEC0] =	vst v63  }
0x79: {  	_ =	swait.ge [sflag:s9], $0xC800  }
.Ltmp1:
0x7a: {  	[sflag:s9] =	ssyncset.done $0x0;
	(pc) =	sbr.rel @p0 .LBB2_1-.Ltmp1, $4  }
0x7b: {  	[sflag:s9] =	ssyncadd.s32 $0xFFFF3800  }
0x7c: {  	[hbm4b:s19+s2] =	stream.linear.scatter [tilespmem:s12], [sflag:$0x2], $0xC800, $0x38;
	[tilespmem:$0xDEC0] =	vst v63  }
0x7d: {  	_ =	swait.ge [sflag:s4], $0xC800  }
0x7e: {  	[sflag:s4] =	ssyncset.done $0x0  }
.LBB2_2:
0x7f: {  	[sflag:s4] =	ssyncadd.s32 $0xFFFF3800  }
0x80: {  	_ =	sfence.sel $0x180000  }
0x81: {  	[bflag:$0x0] =	sbarrier.arrive $0xFFFF  }
0x82: {  	p0 =	sne.s32 s1, $0x0;
	_ =	strace $0x9000004A  }
0x83: {  	s0 =	sadd.s32 @!p0 $0x100000, s0;
	[bflag:$0x2] =	sbarrier.arrive $0xFFFF  }
0x84: {  	[sflag:s0] =	ssyncadd.tile.s32 @!p0 $0x1;
	_ =	shalt  }
.Lfunc_end2:
_tile_overlayer_lowered:
.L_overlay_start_2:
0x85: {  	(tag) =	ssettag $0x2  }
0x86: {  	s0 =	rddreg [dreg:$0x0];
	s2 =	stileid.u32  }
0x87: {  	s1 =	rddreg [dreg:$0x1];
	p0 =	sne.s32 s2, $0x0  }
0x88: {  	s3 =	rddreg [dreg:$0x2];
	[bflag:$0x3] =	sbarrier.arrive $0xFFFF;
	s2 =	simm.s32 @!p0 $0x1C02  }
0x89: {  	[timem:s3], [sflag:s2] =	dma.local @!p0 [hbm:s0], s1  }
0x8a: {  	s0 =	simm.s32 @!p0 $0x2  }
0x8b: {  	_ =	swait.ge @!p0 [sflag:s0], s1  }
0x8c: {  	s1 =	ssub.s32 @!p0 $0x0, s1;
	[sflag:s0] =	ssyncset.done @!p0 $0x0  }
0x8d: {  	[sflag:s0] =	ssyncadd.s32 @!p0 s1  }
0x8e: {  	[bflag:$0x3] =	sbarrier.arrive $0xFFFF  }
0x8f: {  	_ =	shalt  }

</sc_bundles>
